<compile_context>
chip_gen: v7x
topology: tpu7x:2x2x1
jax: 0.10.2.dev20260603
libtpu: 0.0.44.dev20260713+nightly
codegen_flags: <defaults>
</compile_context>

<pallas_src>
import functools

import jax
import jax.numpy as jnp
from jax import lax
from jax.experimental import pallas as pl
from jax.experimental.pallas import tpu as pltpu
from jax.experimental.pallas import tpu_sc as plsc

N = 10000
E = 320000
D = 128
NC = 2
NS = 16
NW = NC * NS
B_PER_W = E // NW
C = 80
N_CHUNKS = B_PER_W // C
PS_STRIDE = 17


def _rne_bf16_bits(bits):
    return (bits + 0x7FFF + ((bits >> 16) & 1)) >> 16


def _pack_pairs(x_f32):
    bits = jax.lax.bitcast_convert_type(x_f32, jnp.int32)
    h = x_f32.shape[-1] // 2
    lo = _rne_bf16_bits(bits[:, :h]) & 0xFFFF
    hi = _rne_bf16_bits(bits[:, h:]) << 16
    return lo | hi


def _zm_body(z_ref, m_ref, zm_ref, zb_ref):
    zm = jnp.dot(z_ref[...], m_ref[...], preferred_element_type=jnp.float32)
    zm_ref[...] = _pack_pairs(zm)
    zb_ref[...] = _pack_pairs(z_ref[...])


def _compute_zm(z, M):
    return pl.pallas_call(
        _zm_body,
        out_shape=[jax.ShapeDtypeStruct((N, D // 2), jnp.int32),
                   jax.ShapeDtypeStruct((N, D // 2), jnp.int32)],
    )(z, M)


@functools.cache
def _build_sc_edge_dot():
    mesh = plsc.VectorSubcoreMesh(core_axis_name="c", subcore_axis_name="s",
                                  num_cores=NC, num_subcores=NS)

    @functools.partial(
        pl.kernel,
        out_type=jax.ShapeDtypeStruct((E,), jnp.float32),
        mesh=mesh,
        compiler_params=pltpu.CompilerParams(needs_layout_passes=False,
                                             use_tc_tiling_on_sc=False),
        scratch_types=[
            pltpu.VMEM((B_PER_W,), jnp.int32),
            pltpu.VMEM((B_PER_W,), jnp.int32),
            pltpu.VMEM((2, C, D // 2), jnp.int32),
            pltpu.VMEM((2, C, D // 2), jnp.int32),
            pltpu.VMEM((C * PS_STRIDE,), jnp.float32),
            pltpu.VMEM((2, C), jnp.float32),
            pltpu.VMEM_SHARED((N, D // 2), jnp.int32),
            pltpu.VMEM_SHARED((N, D // 2), jnp.int32),
            pltpu.SemaphoreType.DMA,
            pltpu.SemaphoreType.DMA,
            pltpu.SemaphoreType.DMA,
            pltpu.SemaphoreType.DMA,
            pltpu.SemaphoreType.DMA,
            pltpu.SemaphoreType.DMA,
        ],
    )
    def _sc_edge_dot(zm_hbm, z_hbm, ei_hbm, out_hbm,
                     si, di, sr, dr, ps, ob, zm_sp, z_sp,
                     sem_s0, sem_s1, sem_d0, sem_d1, sem_o0, sem_o1):
        sid = lax.axis_index("s")
        wid = sid * NC + lax.axis_index("c")
        base = wid * B_PER_W
        lanes = lax.iota(jnp.int32, 16)
        sems = ((sem_s0, sem_d0), (sem_s1, sem_d1))
        osems = (sem_o0, sem_o1)

        rows_per_tile = N // NS
        stg = sid * rows_per_tile
        pltpu.sync_copy(zm_hbm.at[pl.ds(stg, rows_per_tile)],
                        zm_sp.at[pl.ds(stg, rows_per_tile)])
        pltpu.sync_copy(z_hbm.at[pl.ds(stg, rows_per_tile)],
                        z_sp.at[pl.ds(stg, rows_per_tile)])
        pltpu.sync_copy(ei_hbm.at[0, pl.ds(base, B_PER_W)], si)
        pltpu.sync_copy(ei_hbm.at[1, pl.ds(base, B_PER_W)], di)
        plsc.subcore_barrier()

        def start_gather(off, b, n_rows):
            idx_s = si.at[pl.ds(off, n_rows)]
            idx_d = di.at[pl.ds(off, n_rows)]
            pltpu.make_async_copy(zm_sp.at[idx_s],
                                  sr.at[b, pl.ds(0, n_rows)], sems[b][0]).start()
            pltpu.make_async_copy(z_sp.at[idx_d],
                                  dr.at[b, pl.ds(0, n_rows)], sems[b][1]).start()

        def wait_gather(b, n_rows):
            pltpu.make_async_copy(zm_sp.at[si.at[pl.ds(0, n_rows)]],
                                  sr.at[b, pl.ds(0, n_rows)], sems[b][0]).wait()
            pltpu.make_async_copy(z_sp.at[di.at[pl.ds(0, n_rows)]],
                                  dr.at[b, pl.ds(0, n_rows)], sems[b][1]).wait()

        def compute(b, n_groups):
            srb = sr.at[b]
            drb = dr.at[b]

            @plsc.parallel_loop(0, n_groups * 16, unroll=4)
            def edge_body(e):
                prods = []
                for j in range(D // 32):
                    sv = plsc.bitcast(srb[e, pl.ds(j * 16, 16)],
                                      jnp.bfloat16)
                    dv = plsc.bitcast(drb[e, pl.ds(j * 16, 16)],
                                      jnp.bfloat16)
                    prods.append(sv * dv)
                t = (prods[0] + prods[1]) + (prods[2] + prods[3])
                pa, pb = plsc.unpack(
                    t, format=plsc.PackFormat.INTERLEAVED,
                    preferred_element_type=jnp.float32)
                plsc.store_scatter(ps, [e * PS_STRIDE + lanes], pa + pb)

            for g in range(n_groups):
                gl = g * 16 + lanes
                outv = plsc.load_gather(ps, [gl * PS_STRIDE])
                for l in range(1, 16):
                    outv = outv + plsc.load_gather(ps, [gl * PS_STRIDE + l])
                ob[b, pl.ds(g * 16, 16)] = outv

        def start_out(off, b, n_rows):
            pltpu.make_async_copy(ob.at[b, pl.ds(0, n_rows)],
                                  out_hbm.at[pl.ds(base + off, n_rows)],
                                  osems[b]).start()

        def wait_out(b, n_rows):
            pltpu.make_async_copy(ob.at[b, pl.ds(0, n_rows)],
                                  out_hbm.at[pl.ds(base, n_rows)],
                                  osems[b]).wait()

        start_gather(0, 0, C)

        def pair_body(p, carry):
            wait_gather(0, C)
            start_gather((2 * p + 1) * C, 1, C)

            @pl.when(p > 0)
            def _():
                wait_out(0, C)

            compute(0, C // 16)
            start_out(2 * p * C, 0, C)
            wait_gather(1, C)
            start_gather((2 * p + 2) * C, 0, C)

            @pl.when(p > 0)
            def _():
                wait_out(1, C)

            compute(1, C // 16)
            start_out((2 * p + 1) * C, 1, C)
            return carry

        lax.fori_loop(0, N_CHUNKS // 2, pair_body, 0)
        wait_gather(0, C)
        wait_out(0, C)
        compute(0, C // 16)
        start_out((N_CHUNKS - 1) * C, 0, C)
        wait_out(0, C)
        wait_out(1, C)

    return _sc_edge_dot


def kernel(z, edge_index, M):
    zm_i, z_i = _compute_zm(z, M)
    return _build_sc_edge_dot()(zm_i, z_i, edge_index.astype(jnp.int32))

# --- scband reference (transcript-rebuilt; emitter-appended) ---
"""Pipeline reference for scband-bilinear-decoder-8675833938058 (READ-ONLY COPY).

The authoritative reference and input builder live on the scoring server;
editing this copy changes nothing except your own understanding.
"""

import jax, jax.numpy as jnp
import numpy as np

N_NODES = 10000
N_EDGES = 320000
DIM = 128

def setup_inputs(seed: int = 0) -> dict:
    key = jax.random.key(seed)
    k1, k2, k3 = jax.random.split(key, 3)
    z = jax.random.normal(k1, (N_NODES, DIM), dtype=jnp.float32)
    edge_index = jax.random.randint(k2, (2, N_EDGES), 0, N_NODES, dtype=jnp.int64)
    # xavier_uniform for M[relation] of shape (dim, dim)
    limit = float(np.sqrt(6.0 / (DIM + DIM)))
    M = jax.random.uniform(k3, (DIM, DIM), dtype=jnp.float32, minval=-limit, maxval=limit)
    return {"z": z, "edge_index": edge_index, "M": M}

def reference(z, edge_index, M):
    # BilinearDecoder.forward with a single relation; M = self.M[relation]
    src = jnp.take(z, edge_index[0], axis=0)   # gather [E, dim]
    dst = jnp.take(z, edge_index[1], axis=0)   # gather [E, dim]
    out = jnp.matmul(src, M)                   # [E, dim]
    return (out * dst).sum(axis=1)             # [E]

if __name__ == "__main__":
    import jax
    _d = setup_inputs()
    print(jax.jit(kernel)(*tuple(_d.values())))

</pallas_src>

<mosaic_0001>
#map = affine_map<(d0, d1) -> (0, 0)>
#map1 = affine_map<(d0, d1) -> (0)>
module attributes {stable_mosaic.version = 14 : i64} {
  func.func @_sc_edge_dot(%arg0: i32, %arg1: i32, %arg2: memref<10000x64xi32, #tpu.memory_space<hbm>>, %arg3: memref<10000x64xi32, #tpu.memory_space<hbm>>, %arg4: memref<2x320000xi32, #tpu.memory_space<hbm>>, %arg5: memref<320000xf32, #tpu.memory_space<hbm>>, %arg6: memref<10000xi32, #tpu.memory_space<vmem>>, %arg7: memref<10000xi32, #tpu.memory_space<vmem>>, %arg8: memref<2x80x64xi32, #tpu.memory_space<vmem>>, %arg9: memref<2x80x64xi32, #tpu.memory_space<vmem>>, %arg10: memref<1360xf32, #tpu.memory_space<vmem>>, %arg11: memref<2x80xf32, #tpu.memory_space<vmem>>, %arg12: memref<10000x64xi32, #tpu.memory_space<vmem_shared>>, %arg13: memref<10000x64xi32, #tpu.memory_space<vmem_shared>>, %arg14: memref<!tpu.dma_semaphore, #tpu.memory_space<semaphore_mem>>, %arg15: memref<!tpu.dma_semaphore, #tpu.memory_space<semaphore_mem>>, %arg16: memref<!tpu.dma_semaphore, #tpu.memory_space<semaphore_mem>>, %arg17: memref<!tpu.dma_semaphore, #tpu.memory_space<semaphore_mem>>, %arg18: memref<!tpu.dma_semaphore, #tpu.memory_space<semaphore_mem>>, %arg19: memref<!tpu.dma_semaphore, #tpu.memory_space<semaphore_mem>>) attributes {dimension_semantics = [#tpu.dimension_semantics<core_parallel>, #tpu.dimension_semantics<subcore_parallel>], iteration_bounds = array<i64: 2, 16>, scalar_prefetch = 0 : i64, scratch_operands = 14 : i64, tpu.core_type = #tpu.core_type<sc_vector_subcore>, window_params = [{transform_indices = #map}, {transform_indices = #map}, {transform_indices = #map}, {transform_indices = #map1}]} {
    %mul3A = arith.constant 2 : i32
    %mul3A_0 = arith.muli %arg1, %mul3A : i32
    %add3A = arith.addi %mul3A_0, %arg0 : i32
    %mul3A_1 = arith.constant 10000 : i32
    %mul3A_2 = arith.muli %add3A, %mul3A_1 : i32
    %iota3A = tpu.iota {dimensions = array<i32: 0>} : vector<16xi32>
    %mul3A_3 = arith.constant 625 : i32
    %mul3A_4 = arith.muli %arg1, %mul3A_3 : i32
    "tpu.region"() ({
      %run_scoped3A_744 = tpu.sem_alloc : memref<!tpu.dma_semaphore, #tpu.memory_space<semaphore_mem>>
      %dma_start3A_745 = arith.constant 0 : i32
      %dma_start3A_746 = tpu.memref_slice %arg12[%mul3A_4, %dma_start3A_745] : memref<10000x64xi32, #tpu.memory_space<vmem_shared>> -> memref<625x64xi32, #tpu.memory_space<vmem_shared>>
      %dma_start3A_747 = arith.constant 0 : i32
      %dma_start3A_748 = tpu.memref_slice %arg2[%mul3A_4, %dma_start3A_747] : memref<10000x64xi32, #tpu.memory_space<hbm>> -> memref<625x64xi32, #tpu.memory_space<hbm>>
      tpu.enqueue_dma source(%dma_start3A_748 : memref<625x64xi32, #tpu.memory_space<hbm>>) target(%dma_start3A_746 : memref<625x64xi32, #tpu.memory_space<vmem_shared>>) target_semaphore(%run_scoped3A_744 : memref<!tpu.dma_semaphore, #tpu.memory_space<semaphore_mem>>)
      %dma_wait3A_749 = arith.constant 0 : i32
      %dma_wait3A_750 = tpu.memref_slice %arg12[%mul3A_4, %dma_wait3A_749] : memref<10000x64xi32, #tpu.memory_space<vmem_shared>> -> memref<625x64xi32, #tpu.memory_space<vmem_shared>>
      %dma_wait3A_751 = arith.constant 0 : i32
      %dma_wait3A_752 = tpu.memref_slice %arg2[%mul3A_4, %dma_wait3A_751] : memref<10000x64xi32, #tpu.memory_space<hbm>> -> memref<625x64xi32, #tpu.memory_space<hbm>>
      tpu.wait_dma2 semaphore(%run_scoped3A_744 : memref<!tpu.dma_semaphore, #tpu.memory_space<semaphore_mem>>) src(%dma_wait3A_752 : memref<625x64xi32, #tpu.memory_space<hbm>>) dst(%dma_wait3A_750 : memref<625x64xi32, #tpu.memory_space<vmem_shared>>)
      tpu.yield
    }) : () -> ()
    "tpu.region"() ({
      %run_scoped3A_744 = tpu.sem_alloc : memref<!tpu.dma_semaphore, #tpu.memory_space<semaphore_mem>>
      %dma_start3A_745 = arith.constant 0 : i32
      %dma_start3A_746 = tpu.memref_slice %arg13[%mul3A_4, %dma_start3A_745] : memref<10000x64xi32, #tpu.memory_space<vmem_shared>> -> memref<625x64xi32, #tpu.memory_space<vmem_shared>>
      %dma_start3A_747 = arith.constant 0 : i32
      %dma_start3A_748 = tpu.memref_slice %arg3[%mul3A_4, %dma_start3A_747] : memref<10000x64xi32, #tpu.memory_space<hbm>> -> memref<625x64xi32, #tpu.memory_space<hbm>>
      tpu.enqueue_dma source(%dma_start3A_748 : memref<625x64xi32, #tpu.memory_space<hbm>>) target(%dma_start3A_746 : memref<625x64xi32, #tpu.memory_space<vmem_shared>>) target_semaphore(%run_scoped3A_744 : memref<!tpu.dma_semaphore, #tpu.memory_space<semaphore_mem>>)
      %dma_wait3A_749 = arith.constant 0 : i32
      %dma_wait3A_750 = tpu.memref_slice %arg13[%mul3A_4, %dma_wait3A_749] : memref<10000x64xi32, #tpu.memory_space<vmem_shared>> -> memref<625x64xi32, #tpu.memory_space<vmem_shared>>
      %dma_wait3A_751 = arith.constant 0 : i32
      %dma_wait3A_752 = tpu.memref_slice %arg3[%mul3A_4, %dma_wait3A_751] : memref<10000x64xi32, #tpu.memory_space<hbm>> -> memref<625x64xi32, #tpu.memory_space<hbm>>
      tpu.wait_dma2 semaphore(%run_scoped3A_744 : memref<!tpu.dma_semaphore, #tpu.memory_space<semaphore_mem>>) src(%dma_wait3A_752 : memref<625x64xi32, #tpu.memory_space<hbm>>) dst(%dma_wait3A_750 : memref<625x64xi32, #tpu.memory_space<vmem_shared>>)
      tpu.yield
    }) : () -> ()
    %run_scoped3A = arith.constant 0 : i32
    "tpu.region"() ({
      %run_scoped3A_744 = tpu.sem_alloc : memref<!tpu.dma_semaphore, #tpu.memory_space<semaphore_mem>>
      %dma_start3A_745 = tpu.memref_slice %arg4[%run_scoped3A, %mul3A_2] : memref<2x320000xi32, #tpu.memory_space<hbm>> -> memref<1x10000xi32, #tpu.memory_space<hbm>>
      %dma_start3A_746 = tpu.memref_squeeze %dma_start3A_745 : memref<1x10000xi32, #tpu.memory_space<hbm>> -> memref<10000xi32, #tpu.memory_space<hbm>>
      %dma_start3A_747 = tpu.memref_slice %arg4[%run_scoped3A, %mul3A_2] : memref<2x320000xi32, #tpu.memory_space<hbm>> -> memref<1x10000xi32, #tpu.memory_space<hbm>>
      %dma_start3A_748 = tpu.memref_squeeze %dma_start3A_747 : memref<1x10000xi32, #tpu.memory_space<hbm>> -> memref<10000xi32, #tpu.memory_space<hbm>>
      tpu.enqueue_dma source(%dma_start3A_748 : memref<10000xi32, #tpu.memory_space<hbm>>) target(%arg6 : memref<10000xi32, #tpu.memory_space<vmem>>) target_semaphore(%run_scoped3A_744 : memref<!tpu.dma_semaphore, #tpu.memory_space<semaphore_mem>>)
      %dma_wait3A_749 = tpu.memref_slice %arg4[%run_scoped3A, %mul3A_2] : memref<2x320000xi32, #tpu.memory_space<hbm>> -> memref<1x10000xi32, #tpu.memory_space<hbm>>
      %dma_wait3A_750 = tpu.memref_squeeze %dma_wait3A_749 : memref<1x10000xi32, #tpu.memory_space<hbm>> -> memref<10000xi32, #tpu.memory_space<hbm>>
      %dma_wait3A_751 = tpu.memref_slice %arg4[%run_scoped3A, %mul3A_2] : memref<2x320000xi32, #tpu.memory_space<hbm>> -> memref<1x10000xi32, #tpu.memory_space<hbm>>
      %dma_wait3A_752 = tpu.memref_squeeze %dma_wait3A_751 : memref<1x10000xi32, #tpu.memory_space<hbm>> -> memref<10000xi32, #tpu.memory_space<hbm>>
      tpu.wait_dma2 semaphore(%run_scoped3A_744 : memref<!tpu.dma_semaphore, #tpu.memory_space<semaphore_mem>>) src(%dma_wait3A_752 : memref<10000xi32, #tpu.memory_space<hbm>>) dst(%arg6 : memref<10000xi32, #tpu.memory_space<vmem>>)
      tpu.yield
    }) : () -> ()
    %run_scoped3A_5 = arith.constant 1 : i32
    "tpu.region"() ({
      %run_scoped3A_744 = tpu.sem_alloc : memref<!tpu.dma_semaphore, #tpu.memory_space<semaphore_mem>>
      %dma_start3A_745 = tpu.memref_slice %arg4[%run_scoped3A_5, %mul3A_2] : memref<2x320000xi32, #tpu.memory_space<hbm>> -> memref<1x10000xi32, #tpu.memory_space<hbm>>
      %dma_start3A_746 = tpu.memref_squeeze %dma_start3A_745 : memref<1x10000xi32, #tpu.memory_space<hbm>> -> memref<10000xi32, #tpu.memory_space<hbm>>
      %dma_start3A_747 = tpu.memref_slice %arg4[%run_scoped3A_5, %mul3A_2] : memref<2x320000xi32, #tpu.memory_space<hbm>> -> memref<1x10000xi32, #tpu.memory_space<hbm>>
      %dma_start3A_748 = tpu.memref_squeeze %dma_start3A_747 : memref<1x10000xi32, #tpu.memory_space<hbm>> -> memref<10000xi32, #tpu.memory_space<hbm>>
      tpu.enqueue_dma source(%dma_start3A_748 : memref<10000xi32, #tpu.memory_space<hbm>>) target(%arg7 : memref<10000xi32, #tpu.memory_space<vmem>>) target_semaphore(%run_scoped3A_744 : memref<!tpu.dma_semaphore, #tpu.memory_space<semaphore_mem>>)
      %dma_wait3A_749 = tpu.memref_slice %arg4[%run_scoped3A_5, %mul3A_2] : memref<2x320000xi32, #tpu.memory_space<hbm>> -> memref<1x10000xi32, #tpu.memory_space<hbm>>
      %dma_wait3A_750 = tpu.memref_squeeze %dma_wait3A_749 : memref<1x10000xi32, #tpu.memory_space<hbm>> -> memref<10000xi32, #tpu.memory_space<hbm>>
      %dma_wait3A_751 = tpu.memref_slice %arg4[%run_scoped3A_5, %mul3A_2] : memref<2x320000xi32, #tpu.memory_space<hbm>> -> memref<1x10000xi32, #tpu.memory_space<hbm>>
      %dma_wait3A_752 = tpu.memref_squeeze %dma_wait3A_751 : memref<1x10000xi32, #tpu.memory_space<hbm>> -> memref<10000xi32, #tpu.memory_space<hbm>>
      tpu.wait_dma2 semaphore(%run_scoped3A_744 : memref<!tpu.dma_semaphore, #tpu.memory_space<semaphore_mem>>) src(%dma_wait3A_752 : memref<10000xi32, #tpu.memory_space<hbm>>) dst(%arg7 : memref<10000xi32, #tpu.memory_space<vmem>>)
      tpu.yield
    }) : () -> ()
    %barrier3A = arith.constant 0 : index
    tpu.barrier barrier_id(%barrier3A)
    %dma_start3A = arith.constant 0 : i32
    %dma_start3A_6 = arith.constant 0 : i32
    %dma_start3A_7 = arith.constant 0 : i32
    %dma_start3A_8 = tpu.memref_slice %arg8[%dma_start3A, %dma_start3A_6, %dma_start3A_7] : memref<2x80x64xi32, #tpu.memory_space<vmem>> -> memref<1x80x64xi32, #tpu.memory_space<vmem>>
    %dma_start3A_9 = tpu.memref_squeeze %dma_start3A_8 : memref<1x80x64xi32, #tpu.memory_space<vmem>> -> memref<80x64xi32, #tpu.memory_space<vmem>>
    %dma_start3A_10 = arith.constant 0 : i32
    %dma_start3A_11 = tpu.memref_slice %arg6[%dma_start3A_10] : memref<10000xi32, #tpu.memory_space<vmem>> -> memref<80xi32, #tpu.memory_space<vmem>>
    %dma_start3A_12 = arith.constant 0 : i32
    %dma_start3A_13 = arith.constant 0 : i32
    %dma_start3A_14 = tpu.memref_slice %arg12[%dma_start3A_12, %dma_start3A_13] : memref<10000x64xi32, #tpu.memory_space<vmem_shared>> -> memref<10000x64xi32, #tpu.memory_space<vmem_shared>>
    tpu.enqueue_indirect_dma source(%dma_start3A_14 : memref<10000x64xi32, #tpu.memory_space<vmem_shared>>) target(%dma_start3A_9 : memref<80x64xi32, #tpu.memory_space<vmem>>) offsets(%dma_start3A_11 : memref<80xi32, #tpu.memory_space<vmem>>) semaphore(%arg14 : memref<!tpu.dma_semaphore, #tpu.memory_space<semaphore_mem>>)
    %dma_start3A_15 = arith.constant 0 : i32
    %dma_start3A_16 = arith.constant 0 : i32
    %dma_start3A_17 = arith.constant 0 : i32
    %dma_start3A_18 = tpu.memref_slice %arg9[%dma_start3A_15, %dma_start3A_16, %dma_start3A_17] : memref<2x80x64xi32, #tpu.memory_space<vmem>> -> memref<1x80x64xi32, #tpu.memory_space<vmem>>
    %dma_start3A_19 = tpu.memref_squeeze %dma_start3A_18 : memref<1x80x64xi32, #tpu.memory_space<vmem>> -> memref<80x64xi32, #tpu.memory_space<vmem>>
    %dma_start3A_20 = arith.constant 0 : i32
    %dma_start3A_21 = tpu.memref_slice %arg7[%dma_start3A_20] : memref<10000xi32, #tpu.memory_space<vmem>> -> memref<80xi32, #tpu.memory_space<vmem>>
    %dma_start3A_22 = arith.constant 0 : i32
    %dma_start3A_23 = arith.constant 0 : i32
    %dma_start3A_24 = tpu.memref_slice %arg13[%dma_start3A_22, %dma_start3A_23] : memref<10000x64xi32, #tpu.memory_space<vmem_shared>> -> memref<10000x64xi32, #tpu.memory_space<vmem_shared>>
    tpu.enqueue_indirect_dma source(%dma_start3A_24 : memref<10000x64xi32, #tpu.memory_space<vmem_shared>>) target(%dma_start3A_19 : memref<80x64xi32, #tpu.memory_space<vmem>>) offsets(%dma_start3A_21 : memref<80xi32, #tpu.memory_space<vmem>>) semaphore(%arg16 : memref<!tpu.dma_semaphore, #tpu.memory_space<semaphore_mem>>)
    %scan3A = arith.constant 0 : i32
    %scan3A_25 = arith.constant 0 : i32
    %scan3A_26 = arith.constant 62 : i32
    %scan3A_27 = arith.addi %scan3A_25, %scan3A_26 : i32
    %scan3A_28 = arith.constant 1 : i32
    scf.for %scan3A_744 = %scan3A_25 to %scan3A_27 step %scan3A_28  : i32 {
      %dma_wait3A_745 = arith.constant 0 : i32
      %dma_wait3A_746 = arith.constant 0 : i32
      %dma_wait3A_747 = arith.constant 0 : i32
      %dma_wait3A_748 = tpu.memref_slice %arg8[%dma_wait3A_745, %dma_wait3A_746, %dma_wait3A_747] : memref<2x80x64xi32, #tpu.memory_space<vmem>> -> memref<1x80x64xi32, #tpu.memory_space<vmem>>
      %dma_wait3A_749 = tpu.memref_squeeze %dma_wait3A_748 : memref<1x80x64xi32, #tpu.memory_space<vmem>> -> memref<80x64xi32, #tpu.memory_space<vmem>>
      %dma_wait3A_750 = arith.constant 0 : i32
      %dma_wait3A_751 = tpu.memref_slice %arg6[%dma_wait3A_750] : memref<10000xi32, #tpu.memory_space<vmem>> -> memref<80xi32, #tpu.memory_space<vmem>>
      %dma_wait3A_752 = arith.constant 0 : i32
      %dma_wait3A_753 = arith.constant 0 : i32
      %dma_wait3A_754 = tpu.memref_slice %arg12[%dma_wait3A_752, %dma_wait3A_753] : memref<10000x64xi32, #tpu.memory_space<vmem_shared>> -> memref<10000x64xi32, #tpu.memory_space<vmem_shared>>
      tpu.wait_indirect_dma semaphore(%arg14 : memref<!tpu.dma_semaphore, #tpu.memory_space<semaphore_mem>>) src(%dma_wait3A_754 : memref<10000x64xi32, #tpu.memory_space<vmem_shared>>) dst(%dma_wait3A_749 : memref<80x64xi32, #tpu.memory_space<vmem>>)
      %dma_wait3A_755 = arith.constant 0 : i32
      %dma_wait3A_756 = arith.constant 0 : i32
      %dma_wait3A_757 = arith.constant 0 : i32
      %dma_wait3A_758 = tpu.memref_slice %arg9[%dma_wait3A_755, %dma_wait3A_756, %dma_wait3A_757] : memref<2x80x64xi32, #tpu.memory_space<vmem>> -> memref<1x80x64xi32, #tpu.memory_space<vmem>>
      %dma_wait3A_759 = tpu.memref_squeeze %dma_wait3A_758 : memref<1x80x64xi32, #tpu.memory_space<vmem>> -> memref<80x64xi32, #tpu.memory_space<vmem>>
      %dma_wait3A_760 = arith.constant 0 : i32
      %dma_wait3A_761 = tpu.memref_slice %arg7[%dma_wait3A_760] : memref<10000xi32, #tpu.memory_space<vmem>> -> memref<80xi32, #tpu.memory_space<vmem>>
      %dma_wait3A_762 = arith.constant 0 : i32
      %dma_wait3A_763 = arith.constant 0 : i32
      %dma_wait3A_764 = tpu.memref_slice %arg13[%dma_wait3A_762, %dma_wait3A_763] : memref<10000x64xi32, #tpu.memory_space<vmem_shared>> -> memref<10000x64xi32, #tpu.memory_space<vmem_shared>>
      tpu.wait_indirect_dma semaphore(%arg16 : memref<!tpu.dma_semaphore, #tpu.memory_space<semaphore_mem>>) src(%dma_wait3A_764 : memref<10000x64xi32, #tpu.memory_space<vmem_shared>>) dst(%dma_wait3A_759 : memref<80x64xi32, #tpu.memory_space<vmem>>)
      %mul3A_765 = arith.constant 2 : i32
      %mul3A_766 = arith.muli %mul3A_765, %scan3A_744 : i32
      %add3A_767 = arith.constant 1 : i32
      %add3A_768 = arith.addi %mul3A_766, %add3A_767 : i32
      %mul3A_769 = arith.constant 80 : i32
      %mul3A_770 = arith.muli %add3A_768, %mul3A_769 : i32
      %dma_start3A_771 = arith.constant 1 : i32
      %dma_start3A_772 = arith.constant 0 : i32
      %dma_start3A_773 = arith.constant 0 : i32
      %dma_start3A_774 = tpu.memref_slice %arg8[%dma_start3A_771, %dma_start3A_772, %dma_start3A_773] : memref<2x80x64xi32, #tpu.memory_space<vmem>> -> memref<1x80x64xi32, #tpu.memory_space<vmem>>
      %dma_start3A_775 = tpu.memref_squeeze %dma_start3A_774 : memref<1x80x64xi32, #tpu.memory_space<vmem>> -> memref<80x64xi32, #tpu.memory_space<vmem>>
      %dma_start3A_776 = tpu.memref_slice %arg6[%mul3A_770] : memref<10000xi32, #tpu.memory_space<vmem>> -> memref<80xi32, #tpu.memory_space<vmem>>
      %dma_start3A_777 = arith.constant 0 : i32
      %dma_start3A_778 = arith.constant 0 : i32
      %dma_start3A_779 = tpu.memref_slice %arg12[%dma_start3A_777, %dma_start3A_778] : memref<10000x64xi32, #tpu.memory_space<vmem_shared>> -> memref<10000x64xi32, #tpu.memory_space<vmem_shared>>
      tpu.enqueue_indirect_dma source(%dma_start3A_779 : memref<10000x64xi32, #tpu.memory_space<vmem_shared>>) target(%dma_start3A_775 : memref<80x64xi32, #tpu.memory_space<vmem>>) offsets(%dma_start3A_776 : memref<80xi32, #tpu.memory_space<vmem>>) semaphore(%arg15 : memref<!tpu.dma_semaphore, #tpu.memory_space<semaphore_mem>>)
      %dma_start3A_780 = arith.constant 1 : i32
      %dma_start3A_781 = arith.constant 0 : i32
      %dma_start3A_782 = arith.constant 0 : i32
      %dma_start3A_783 = tpu.memref_slice %arg9[%dma_start3A_780, %dma_start3A_781, %dma_start3A_782] : memref<2x80x64xi32, #tpu.memory_space<vmem>> -> memref<1x80x64xi32, #tpu.memory_space<vmem>>
      %dma_start3A_784 = tpu.memref_squeeze %dma_start3A_783 : memref<1x80x64xi32, #tpu.memory_space<vmem>> -> memref<80x64xi32, #tpu.memory_space<vmem>>
      %dma_start3A_785 = tpu.memref_slice %arg7[%mul3A_770] : memref<10000xi32, #tpu.memory_space<vmem>> -> memref<80xi32, #tpu.memory_space<vmem>>
      %dma_start3A_786 = arith.constant 0 : i32
      %dma_start3A_787 = arith.constant 0 : i32
      %dma_start3A_788 = tpu.memref_slice %arg13[%dma_start3A_786, %dma_start3A_787] : memref<10000x64xi32, #tpu.memory_space<vmem_shared>> -> memref<10000x64xi32, #tpu.memory_space<vmem_shared>>
      tpu.enqueue_indirect_dma source(%dma_start3A_788 : memref<10000x64xi32, #tpu.memory_space<vmem_shared>>) target(%dma_start3A_784 : memref<80x64xi32, #tpu.memory_space<vmem>>) offsets(%dma_start3A_785 : memref<80xi32, #tpu.memory_space<vmem>>) semaphore(%arg17 : memref<!tpu.dma_semaphore, #tpu.memory_space<semaphore_mem>>)
      %gt3A = arith.constant 0 : i32
      %gt3A_789 = arith.cmpi sgt, %scan3A_744, %gt3A : i32
      %convert_element_type3A = arith.extui %gt3A_789 : i1 to i32
      %cond3A = arith.constant 0 : i32
      %cond3A_790 = arith.cmpi ne, %convert_element_type3A, %cond3A : i32
      scf.if %cond3A_790 {
        %dma_wait3A_2190 = arith.constant 0 : i32
        %dma_wait3A_2191 = arith.constant 0 : i32
        %dma_wait3A_2192 = tpu.memref_slice %arg11[%dma_wait3A_2190, %dma_wait3A_2191] : memref<2x80xf32, #tpu.memory_space<vmem>> -> memref<1x80xf32, #tpu.memory_space<vmem>>
        %dma_wait3A_2193 = tpu.memref_squeeze %dma_wait3A_2192 : memref<1x80xf32, #tpu.memory_space<vmem>> -> memref<80xf32, #tpu.memory_space<vmem>>
        %dma_wait3A_2194 = tpu.memref_slice %arg5[%mul3A_2] : memref<320000xf32, #tpu.memory_space<hbm>> -> memref<80xf32, #tpu.memory_space<hbm>>
        %dma_wait3A_2195 = tpu.memref_slice %arg5[%mul3A_2] : memref<320000xf32, #tpu.memory_space<hbm>> -> memref<80xf32, #tpu.memory_space<hbm>>
        %dma_wait3A_2196 = arith.constant 0 : i32
        %dma_wait3A_2197 = tpu.memref_slice %arg11[%dma_wait3A_2190, %dma_wait3A_2196] : memref<2x80xf32, #tpu.memory_space<vmem>> -> memref<1x80xf32, #tpu.memory_space<vmem>>
        %dma_wait3A_2198 = tpu.memref_squeeze %dma_wait3A_2197 : memref<1x80xf32, #tpu.memory_space<vmem>> -> memref<80xf32, #tpu.memory_space<vmem>>
        tpu.wait_dma2 semaphore(%arg18 : memref<!tpu.dma_semaphore, #tpu.memory_space<semaphore_mem>>) src(%dma_wait3A_2198 : memref<80xf32, #tpu.memory_space<vmem>>) dst(%dma_wait3A_2195 : memref<80xf32, #tpu.memory_space<hbm>>)
      } else {
      }
      %parallel_loop3A_791 = arith.constant 0 : i32
      %parallel_loop3A_792 = arith.constant 80 : i32
      %parallel_loop3A_793 = arith.constant 1 : i32
      %parallel_loop3A_794 = arith.constant 0 : i32
      %parallel_loop3A_795 = arith.constant 0 : i32
      scf.for %parallel_loop3A_2190 = %parallel_loop3A_791 to %parallel_loop3A_792 step %parallel_loop3A_793  : i32 {
        %parallel_loop3A_2191 = arith.constant 0 : i32
        %parallel_loop3A_2192 = arith.constant 0 : i32
        %parallel_loop3A_2193 = tpu.memref_slice %arg8[%parallel_loop3A_794, %parallel_loop3A_2191, %parallel_loop3A_2192] : memref<2x80x64xi32, #tpu.memory_space<vmem>> -> memref<1x80x64xi32, #tpu.memory_space<vmem>>
        %parallel_loop3A_2194 = tpu.memref_squeeze %parallel_loop3A_2193 : memref<1x80x64xi32, #tpu.memory_space<vmem>> -> memref<80x64xi32, #tpu.memory_space<vmem>>
        %parallel_loop3A_2195 = arith.index_cast %parallel_loop3A_2190 : i32 to index
        %parallel_loop3A_2196 = arith.constant 0 : index
        %parallel_loop3A_2197 = tpu.vector_load %parallel_loop3A_2194[%parallel_loop3A_2195, %parallel_loop3A_2196] {strides = array<i32>} : memref<80x64xi32, #tpu.memory_space<vmem>>, vector<16xi32>,
        %parallel_loop3A_2198 = vector.bitcast %parallel_loop3A_2197 : vector<16xi32> to vector<32xbf16>
        %parallel_loop3A_2199 = arith.constant 0 : i32
        %parallel_loop3A_2200 = arith.constant 0 : i32
        %parallel_loop3A_2201 = tpu.memref_slice %arg9[%parallel_loop3A_795, %parallel_loop3A_2199, %parallel_loop3A_2200] : memref<2x80x64xi32, #tpu.memory_space<vmem>> -> memref<1x80x64xi32, #tpu.memory_space<vmem>>
        %parallel_loop3A_2202 = tpu.memref_squeeze %parallel_loop3A_2201 : memref<1x80x64xi32, #tpu.memory_space<vmem>> -> memref<80x64xi32, #tpu.memory_space<vmem>>
        %parallel_loop3A_2203 = arith.index_cast %parallel_loop3A_2190 : i32 to index
        %parallel_loop3A_2204 = arith.constant 0 : index
        %parallel_loop3A_2205 = tpu.vector_load %parallel_loop3A_2202[%parallel_loop3A_2203, %parallel_loop3A_2204] {strides = array<i32>} : memref<80x64xi32, #tpu.memory_space<vmem>>, vector<16xi32>,
        %parallel_loop3A_2206 = vector.bitcast %parallel_loop3A_2205 : vector<16xi32> to vector<32xbf16>
        %parallel_loop3A_2207 = arith.mulf %parallel_loop3A_2198, %parallel_loop3A_2206 : vector<32xbf16>
        %parallel_loop3A_2208 = arith.constant 0 : i32
        %parallel_loop3A_2209 = arith.constant 0 : i32
        %parallel_loop3A_2210 = tpu.memref_slice %arg8[%parallel_loop3A_794, %parallel_loop3A_2208, %parallel_loop3A_2209] : memref<2x80x64xi32, #tpu.memory_space<vmem>> -> memref<1x80x64xi32, #tpu.memory_space<vmem>>
        %parallel_loop3A_2211 = tpu.memref_squeeze %parallel_loop3A_2210 : memref<1x80x64xi32, #tpu.memory_space<vmem>> -> memref<80x64xi32, #tpu.memory_space<vmem>>
        %parallel_loop3A_2212 = arith.index_cast %parallel_loop3A_2190 : i32 to index
        %parallel_loop3A_2213 = arith.constant 16 : index
        %parallel_loop3A_2214 = tpu.vector_load %parallel_loop3A_2211[%parallel_loop3A_2212, %parallel_loop3A_2213] {strides = array<i32>} : memref<80x64xi32, #tpu.memory_space<vmem>>, vector<16xi32>,
        %parallel_loop3A_2215 = vector.bitcast %parallel_loop3A_2214 : vector<16xi32> to vector<32xbf16>
        %parallel_loop3A_2216 = arith.constant 0 : i32
        %parallel_loop3A_2217 = arith.constant 0 : i32
        %parallel_loop3A_2218 = tpu.memref_slice %arg9[%parallel_loop3A_795, %parallel_loop3A_2216, %parallel_loop3A_2217] : memref<2x80x64xi32, #tpu.memory_space<vmem>> -> memref<1x80x64xi32, #tpu.memory_space<vmem>>
        %parallel_loop3A_2219 = tpu.memref_squeeze %parallel_loop3A_2218 : memref<1x80x64xi32, #tpu.memory_space<vmem>> -> memref<80x64xi32, #tpu.memory_space<vmem>>
        %parallel_loop3A_2220 = arith.index_cast %parallel_loop3A_2190 : i32 to index
        %parallel_loop3A_2221 = arith.constant 16 : index
        %parallel_loop3A_2222 = tpu.vector_load %parallel_loop3A_2219[%parallel_loop3A_2220, %parallel_loop3A_2221] {strides = array<i32>} : memref<80x64xi32, #tpu.memory_space<vmem>>, vector<16xi32>,
        %parallel_loop3A_2223 = vector.bitcast %parallel_loop3A_2222 : vector<16xi32> to vector<32xbf16>
        %parallel_loop3A_2224 = arith.mulf %parallel_loop3A_2215, %parallel_loop3A_2223 : vector<32xbf16>
        %parallel_loop3A_2225 = arith.constant 0 : i32
        %parallel_loop3A_2226 = arith.constant 0 : i32
        %parallel_loop3A_2227 = tpu.memref_slice %arg8[%parallel_loop3A_794, %parallel_loop3A_2225, %parallel_loop3A_2226] : memref<2x80x64xi32, #tpu.memory_space<vmem>> -> memref<1x80x64xi32, #tpu.memory_space<vmem>>
        %parallel_loop3A_2228 = tpu.memref_squeeze %parallel_loop3A_2227 : memref<1x80x64xi32, #tpu.memory_space<vmem>> -> memref<80x64xi32, #tpu.memory_space<vmem>>
        %parallel_loop3A_2229 = arith.index_cast %parallel_loop3A_2190 : i32 to index
        %parallel_loop3A_2230 = arith.constant 32 : index
        %parallel_loop3A_2231 = tpu.vector_load %parallel_loop3A_2228[%parallel_loop3A_2229, %parallel_loop3A_2230] {strides = array<i32>} : memref<80x64xi32, #tpu.memory_space<vmem>>, vector<16xi32>,
        %parallel_loop3A_2232 = vector.bitcast %parallel_loop3A_2231 : vector<16xi32> to vector<32xbf16>
        %parallel_loop3A_2233 = arith.constant 0 : i32
        %parallel_loop3A_2234 = arith.constant 0 : i32
        %parallel_loop3A_2235 = tpu.memref_slice %arg9[%parallel_loop3A_795, %parallel_loop3A_2233, %parallel_loop3A_2234] : memref<2x80x64xi32, #tpu.memory_space<vmem>> -> memref<1x80x64xi32, #tpu.memory_space<vmem>>
        %parallel_loop3A_2236 = tpu.memref_squeeze %parallel_loop3A_2235 : memref<1x80x64xi32, #tpu.memory_space<vmem>> -> memref<80x64xi32, #tpu.memory_space<vmem>>
        %parallel_loop3A_2237 = arith.index_cast %parallel_loop3A_2190 : i32 to index
        %parallel_loop3A_2238 = arith.constant 32 : index
        %parallel_loop3A_2239 = tpu.vector_load %parallel_loop3A_2236[%parallel_loop3A_2237, %parallel_loop3A_2238] {strides = array<i32>} : memref<80x64xi32, #tpu.memory_space<vmem>>, vector<16xi32>,
        %parallel_loop3A_2240 = vector.bitcast %parallel_loop3A_2239 : vector<16xi32> to vector<32xbf16>
        %parallel_loop3A_2241 = arith.mulf %parallel_loop3A_2232, %parallel_loop3A_2240 : vector<32xbf16>
        %parallel_loop3A_2242 = arith.constant 0 : i32
        %parallel_loop3A_2243 = arith.constant 0 : i32
        %parallel_loop3A_2244 = tpu.memref_slice %arg8[%parallel_loop3A_794, %parallel_loop3A_2242, %parallel_loop3A_2243] : memref<2x80x64xi32, #tpu.memory_space<vmem>> -> memref<1x80x64xi32, #tpu.memory_space<vmem>>
        %parallel_loop3A_2245 = tpu.memref_squeeze %parallel_loop3A_2244 : memref<1x80x64xi32, #tpu.memory_space<vmem>> -> memref<80x64xi32, #tpu.memory_space<vmem>>
        %parallel_loop3A_2246 = arith.index_cast %parallel_loop3A_2190 : i32 to index
        %parallel_loop3A_2247 = arith.constant 48 : index
        %parallel_loop3A_2248 = tpu.vector_load %parallel_loop3A_2245[%parallel_loop3A_2246, %parallel_loop3A_2247] {strides = array<i32>} : memref<80x64xi32, #tpu.memory_space<vmem>>, vector<16xi32>,
        %parallel_loop3A_2249 = vector.bitcast %parallel_loop3A_2248 : vector<16xi32> to vector<32xbf16>
        %parallel_loop3A_2250 = arith.constant 0 : i32
        %parallel_loop3A_2251 = arith.constant 0 : i32
        %parallel_loop3A_2252 = tpu.memref_slice %arg9[%parallel_loop3A_795, %parallel_loop3A_2250, %parallel_loop3A_2251] : memref<2x80x64xi32, #tpu.memory_space<vmem>> -> memref<1x80x64xi32, #tpu.memory_space<vmem>>
        %parallel_loop3A_2253 = tpu.memref_squeeze %parallel_loop3A_2252 : memref<1x80x64xi32, #tpu.memory_space<vmem>> -> memref<80x64xi32, #tpu.memory_space<vmem>>
        %parallel_loop3A_2254 = arith.index_cast %parallel_loop3A_2190 : i32 to index
        %parallel_loop3A_2255 = arith.constant 48 : index
        %parallel_loop3A_2256 = tpu.vector_load %parallel_loop3A_2253[%parallel_loop3A_2254, %parallel_loop3A_2255] {strides = array<i32>} : memref<80x64xi32, #tpu.memory_space<vmem>>, vector<16xi32>,
        %parallel_loop3A_2257 = vector.bitcast %parallel_loop3A_2256 : vector<16xi32> to vector<32xbf16>
        %parallel_loop3A_2258 = arith.mulf %parallel_loop3A_2249, %parallel_loop3A_2257 : vector<32xbf16>
        %parallel_loop3A_2259 = arith.addf %parallel_loop3A_2207, %parallel_loop3A_2224 : vector<32xbf16>
        %parallel_loop3A_2260 = arith.addf %parallel_loop3A_2241, %parallel_loop3A_2258 : vector<32xbf16>
        %parallel_loop3A_2261 = arith.addf %parallel_loop3A_2259, %parallel_loop3A_2260 : vector<32xbf16>
        %parallel_loop3A_2262 = tpu.unpack_subelements %parallel_loop3A_2261, 0 {pack_format = #tpu.pack_format<interleaved>} : vector<32xbf16> -> vector<16xf32>
        %parallel_loop3A_2263 = tpu.unpack_subelements %parallel_loop3A_2261, 1 {pack_format = #tpu.pack_format<interleaved>} : vector<32xbf16> -> vector<16xf32>
        %parallel_loop3A_2264 = arith.constant 17 : i32
        %parallel_loop3A_2265 = arith.muli %parallel_loop3A_2190, %parallel_loop3A_2264 : i32
        %parallel_loop3A_2266 = vector.broadcast %parallel_loop3A_2265 : i32 to vector<16xi32>
        %parallel_loop3A_2267 = arith.addi %parallel_loop3A_2266, %iota3A : vector<16xi32>
        %parallel_loop3A_2268 = arith.addf %parallel_loop3A_2262, %parallel_loop3A_2263 : vector<16xf32>
        tpu.vector_store_idx %arg10[%parallel_loop3A_2267], %parallel_loop3A_2268 : memref<1360xf32, #tpu.memory_space<vmem>>[vector<16xi32>], vector<16xf32>,
      } {sc.loop_unroll_factor = 4 : i64, sc.parallel_access}
      %add3A_796 = arith.constant 0 : i32
      %add3A_797 = vector.broadcast %add3A_796 : i32 to vector<16xi32>
      %add3A_798 = arith.addi %add3A_797, %iota3A : vector<16xi32>
      %mul3A_799 = arith.constant 17 : i32
      %mul3A_800 = vector.broadcast %mul3A_799 : i32 to vector<16xi32>
      %mul3A_801 = arith.muli %add3A_798, %mul3A_800 : vector<16xi32>
      %gather3A_802 = tpu.vector_load_idx %arg10[%mul3A_801] : memref<1360xf32, #tpu.memory_space<vmem>>[vector<16xi32>], vector<16xf32>,
      %mul3A_803 = arith.constant 17 : i32
      %mul3A_804 = vector.broadcast %mul3A_803 : i32 to vector<16xi32>
      %mul3A_805 = arith.muli %add3A_798, %mul3A_804 : vector<16xi32>
      %add3A_806 = arith.constant 1 : i32
      %add3A_807 = vector.broadcast %add3A_806 : i32 to vector<16xi32>
      %add3A_808 = arith.addi %mul3A_805, %add3A_807 : vector<16xi32>
      %gather3A_809 = tpu.vector_load_idx %arg10[%add3A_808] : memref<1360xf32, #tpu.memory_space<vmem>>[vector<16xi32>], vector<16xf32>,
      %add3A_810 = arith.addf %gather3A_802, %gather3A_809 : vector<16xf32>
      %mul3A_811 = arith.constant 17 : i32
      %mul3A_812 = vector.broadcast %mul3A_811 : i32 to vector<16xi32>
      %mul3A_813 = arith.muli %add3A_798, %mul3A_812 : vector<16xi32>
      %add3A_814 = arith.constant 2 : i32
      %add3A_815 = vector.broadcast %add3A_814 : i32 to vector<16xi32>
      %add3A_816 = arith.addi %mul3A_813, %add3A_815 : vector<16xi32>
      %gather3A_817 = tpu.vector_load_idx %arg10[%add3A_816] : memref<1360xf32, #tpu.memory_space<vmem>>[vector<16xi32>], vector<16xf32>,
      %add3A_818 = arith.addf %add3A_810, %gather3A_817 : vector<16xf32>
      %mul3A_819 = arith.constant 17 : i32
      %mul3A_820 = vector.broadcast %mul3A_819 : i32 to vector<16xi32>
      %mul3A_821 = arith.muli %add3A_798, %mul3A_820 : vector<16xi32>
      %add3A_822 = arith.constant 3 : i32
      %add3A_823 = vector.broadcast %add3A_822 : i32 to vector<16xi32>
      %add3A_824 = arith.addi %mul3A_821, %add3A_823 : vector<16xi32>
      %gather3A_825 = tpu.vector_load_idx %arg10[%add3A_824] : memref<1360xf32, #tpu.memory_space<vmem>>[vector<16xi32>], vector<16xf32>,
      %add3A_826 = arith.addf %add3A_818, %gather3A_825 : vector<16xf32>
      %mul3A_827 = arith.constant 17 : i32
      %mul3A_828 = vector.broadcast %mul3A_827 : i32 to vector<16xi32>
      %mul3A_829 = arith.muli %add3A_798, %mul3A_828 : vector<16xi32>
      %add3A_830 = arith.constant 4 : i32
      %add3A_831 = vector.broadcast %add3A_830 : i32 to vector<16xi32>
      %add3A_832 = arith.addi %mul3A_829, %add3A_831 : vector<16xi32>
      %gather3A_833 = tpu.vector_load_idx %arg10[%add3A_832] : memref<1360xf32, #tpu.memory_space<vmem>>[vector<16xi32>], vector<16xf32>,
      %add3A_834 = arith.addf %add3A_826, %gather3A_833 : vector<16xf32>
      %mul3A_835 = arith.constant 17 : i32
      %mul3A_836 = vector.broadcast %mul3A_835 : i32 to vector<16xi32>
      %mul3A_837 = arith.muli %add3A_798, %mul3A_836 : vector<16xi32>
      %add3A_838 = arith.constant 5 : i32
      %add3A_839 = vector.broadcast %add3A_838 : i32 to vector<16xi32>
      %add3A_840 = arith.addi %mul3A_837, %add3A_839 : vector<16xi32>
      %gather3A_841 = tpu.vector_load_idx %arg10[%add3A_840] : memref<1360xf32, #tpu.memory_space<vmem>>[vector<16xi32>], vector<16xf32>,
      %add3A_842 = arith.addf %add3A_834, %gather3A_841 : vector<16xf32>
      %mul3A_843 = arith.constant 17 : i32
      %mul3A_844 = vector.broadcast %mul3A_843 : i32 to vector<16xi32>
      %mul3A_845 = arith.muli %add3A_798, %mul3A_844 : vector<16xi32>
      %add3A_846 = arith.constant 6 : i32
      %add3A_847 = vector.broadcast %add3A_846 : i32 to vector<16xi32>
      %add3A_848 = arith.addi %mul3A_845, %add3A_847 : vector<16xi32>
      %gather3A_849 = tpu.vector_load_idx %arg10[%add3A_848] : memref<1360xf32, #tpu.memory_space<vmem>>[vector<16xi32>], vector<16xf32>,
      %add3A_850 = arith.addf %add3A_842, %gather3A_849 : vector<16xf32>
      %mul3A_851 = arith.constant 17 : i32
      %mul3A_852 = vector.broadcast %mul3A_851 : i32 to vector<16xi32>
      %mul3A_853 = arith.muli %add3A_798, %mul3A_852 : vector<16xi32>
      %add3A_854 = arith.constant 7 : i32
      %add3A_855 = vector.broadcast %add3A_854 : i32 to vector<16xi32>
      %add3A_856 = arith.addi %mul3A_853, %add3A_855 : vector<16xi32>
      %gather3A_857 = tpu.vector_load_idx %arg10[%add3A_856] : memref<1360xf32, #tpu.memory_space<vmem>>[vector<16xi32>], vector<16xf32>,
      %add3A_858 = arith.addf %add3A_850, %gather3A_857 : vector<16xf32>
      %mul3A_859 = arith.constant 17 : i32
      %mul3A_860 = vector.broadcast %mul3A_859 : i32 to vector<16xi32>
      %mul3A_861 = arith.muli %add3A_798, %mul3A_860 : vector<16xi32>
      %add3A_862 = arith.constant 8 : i32
      %add3A_863 = vector.broadcast %add3A_862 : i32 to vector<16xi32>
      %add3A_864 = arith.addi %mul3A_861, %add3A_863 : vector<16xi32>
      %gather3A_865 = tpu.vector_load_idx %arg10[%add3A_864] : memref<1360xf32, #tpu.memory_space<vmem>>[vector<16xi32>], vector<16xf32>,
      %add3A_866 = arith.addf %add3A_858, %gather3A_865 : vector<16xf32>
      %mul3A_867 = arith.constant 17 : i32
      %mul3A_868 = vector.broadcast %mul3A_867 : i32 to vector<16xi32>
      %mul3A_869 = arith.muli %add3A_798, %mul3A_868 : vector<16xi32>
      %add3A_870 = arith.constant 9 : i32
      %add3A_871 = vector.broadcast %add3A_870 : i32 to vector<16xi32>
      %add3A_872 = arith.addi %mul3A_869, %add3A_871 : vector<16xi32>
      %gather3A_873 = tpu.vector_load_idx %arg10[%add3A_872] : memref<1360xf32, #tpu.memory_space<vmem>>[vector<16xi32>], vector<16xf32>,
      %add3A_874 = arith.addf %add3A_866, %gather3A_873 : vector<16xf32>
      %mul3A_875 = arith.constant 17 : i32
      %mul3A_876 = vector.broadcast %mul3A_875 : i32 to vector<16xi32>
      %mul3A_877 = arith.muli %add3A_798, %mul3A_876 : vector<16xi32>
      %add3A_878 = arith.constant 10 : i32
      %add3A_879 = vector.broadcast %add3A_878 : i32 to vector<16xi32>
      %add3A_880 = arith.addi %mul3A_877, %add3A_879 : vector<16xi32>
      %gather3A_881 = tpu.vector_load_idx %arg10[%add3A_880] : memref<1360xf32, #tpu.memory_space<vmem>>[vector<16xi32>], vector<16xf32>,
      %add3A_882 = arith.addf %add3A_874, %gather3A_881 : vector<16xf32>
      %mul3A_883 = arith.constant 17 : i32
      %mul3A_884 = vector.broadcast %mul3A_883 : i32 to vector<16xi32>
      %mul3A_885 = arith.muli %add3A_798, %mul3A_884 : vector<16xi32>
      %add3A_886 = arith.constant 11 : i32
      %add3A_887 = vector.broadcast %add3A_886 : i32 to vector<16xi32>
      %add3A_888 = arith.addi %mul3A_885, %add3A_887 : vector<16xi32>
      %gather3A_889 = tpu.vector_load_idx %arg10[%add3A_888] : memref<1360xf32, #tpu.memory_space<vmem>>[vector<16xi32>], vector<16xf32>,
      %add3A_890 = arith.addf %add3A_882, %gather3A_889 : vector<16xf32>
      %mul3A_891 = arith.constant 17 : i32
      %mul3A_892 = vector.broadcast %mul3A_891 : i32 to vector<16xi32>
      %mul3A_893 = arith.muli %add3A_798, %mul3A_892 : vector<16xi32>
      %add3A_894 = arith.constant 12 : i32
      %add3A_895 = vector.broadcast %add3A_894 : i32 to vector<16xi32>
      %add3A_896 = arith.addi %mul3A_893, %add3A_895 : vector<16xi32>
      %gather3A_897 = tpu.vector_load_idx %arg10[%add3A_896] : memref<1360xf32, #tpu.memory_space<vmem>>[vector<16xi32>], vector<16xf32>,
      %add3A_898 = arith.addf %add3A_890, %gather3A_897 : vector<16xf32>
      %mul3A_899 = arith.constant 17 : i32
      %mul3A_900 = vector.broadcast %mul3A_899 : i32 to vector<16xi32>
      %mul3A_901 = arith.muli %add3A_798, %mul3A_900 : vector<16xi32>
      %add3A_902 = arith.constant 13 : i32
      %add3A_903 = vector.broadcast %add3A_902 : i32 to vector<16xi32>
      %add3A_904 = arith.addi %mul3A_901, %add3A_903 : vector<16xi32>
      %gather3A_905 = tpu.vector_load_idx %arg10[%add3A_904] : memref<1360xf32, #tpu.memory_space<vmem>>[vector<16xi32>], vector<16xf32>,
      %add3A_906 = arith.addf %add3A_898, %gather3A_905 : vector<16xf32>
      %mul3A_907 = arith.constant 17 : i32
      %mul3A_908 = vector.broadcast %mul3A_907 : i32 to vector<16xi32>
      %mul3A_909 = arith.muli %add3A_798, %mul3A_908 : vector<16xi32>
      %add3A_910 = arith.constant 14 : i32
      %add3A_911 = vector.broadcast %add3A_910 : i32 to vector<16xi32>
      %add3A_912 = arith.addi %mul3A_909, %add3A_911 : vector<16xi32>
      %gather3A_913 = tpu.vector_load_idx %arg10[%add3A_912] : memref<1360xf32, #tpu.memory_space<vmem>>[vector<16xi32>], vector<16xf32>,
      %add3A_914 = arith.addf %add3A_906, %gather3A_913 : vector<16xf32>
      %mul3A_915 = arith.constant 17 : i32
      %mul3A_916 = vector.broadcast %mul3A_915 : i32 to vector<16xi32>
      %mul3A_917 = arith.muli %add3A_798, %mul3A_916 : vector<16xi32>
      %add3A_918 = arith.constant 15 : i32
      %add3A_919 = vector.broadcast %add3A_918 : i32 to vector<16xi32>
      %add3A_920 = arith.addi %mul3A_917, %add3A_919 : vector<16xi32>
      %gather3A_921 = tpu.vector_load_idx %arg10[%add3A_920] : memref<1360xf32, #tpu.memory_space<vmem>>[vector<16xi32>], vector<16xf32>,
      %add3A_922 = arith.addf %add3A_914, %gather3A_921 : vector<16xf32>
      %swap3A_923 = arith.constant 0 : i32
      %swap3A_924 = arith.index_cast %swap3A_923 : i32 to index
      %swap3A_925 = arith.constant 0 : index
      %swap3A_926 = tpu.vector_load %arg11[%swap3A_924, %swap3A_925] {strides = array<i32>} : memref<2x80xf32, #tpu.memory_space<vmem>>, vector<16xf32>,
      tpu.vector_store %arg11[%swap3A_924, %swap3A_925], %add3A_922 {strides = array<i32>} : memref<2x80xf32, #tpu.memory_space<vmem>>, vector<16xf32>,
      %add3A_927 = arith.constant 16 : i32
      %add3A_928 = vector.broadcast %add3A_927 : i32 to vector<16xi32>
      %add3A_929 = arith.addi %add3A_928, %iota3A : vector<16xi32>
      %mul3A_930 = arith.constant 17 : i32
      %mul3A_931 = vector.broadcast %mul3A_930 : i32 to vector<16xi32>
      %mul3A_932 = arith.muli %add3A_929, %mul3A_931 : vector<16xi32>
      %gather3A_933 = tpu.vector_load_idx %arg10[%mul3A_932] : memref<1360xf32, #tpu.memory_space<vmem>>[vector<16xi32>], vector<16xf32>,
      %mul3A_934 = arith.constant 17 : i32
      %mul3A_935 = vector.broadcast %mul3A_934 : i32 to vector<16xi32>
      %mul3A_936 = arith.muli %add3A_929, %mul3A_935 : vector<16xi32>
      %add3A_937 = arith.constant 1 : i32
      %add3A_938 = vector.broadcast %add3A_937 : i32 to vector<16xi32>
      %add3A_939 = arith.addi %mul3A_936, %add3A_938 : vector<16xi32>
      %gather3A_940 = tpu.vector_load_idx %arg10[%add3A_939] : memref<1360xf32, #tpu.memory_space<vmem>>[vector<16xi32>], vector<16xf32>,
      %add3A_941 = arith.addf %gather3A_933, %gather3A_940 : vector<16xf32>
      %mul3A_942 = arith.constant 17 : i32
      %mul3A_943 = vector.broadcast %mul3A_942 : i32 to vector<16xi32>
      %mul3A_944 = arith.muli %add3A_929, %mul3A_943 : vector<16xi32>
      %add3A_945 = arith.constant 2 : i32
      %add3A_946 = vector.broadcast %add3A_945 : i32 to vector<16xi32>
      %add3A_947 = arith.addi %mul3A_944, %add3A_946 : vector<16xi32>
      %gather3A_948 = tpu.vector_load_idx %arg10[%add3A_947] : memref<1360xf32, #tpu.memory_space<vmem>>[vector<16xi32>], vector<16xf32>,
      %add3A_949 = arith.addf %add3A_941, %gather3A_948 : vector<16xf32>
      %mul3A_950 = arith.constant 17 : i32
      %mul3A_951 = vector.broadcast %mul3A_950 : i32 to vector<16xi32>
      %mul3A_952 = arith.muli %add3A_929, %mul3A_951 : vector<16xi32>
      %add3A_953 = arith.constant 3 : i32
      %add3A_954 = vector.broadcast %add3A_953 : i32 to vector<16xi32>
      %add3A_955 = arith.addi %mul3A_952, %add3A_954 : vector<16xi32>
      %gather3A_956 = tpu.vector_load_idx %arg10[%add3A_955] : memref<1360xf32, #tpu.memory_space<vmem>>[vector<16xi32>], vector<16xf32>,
      %add3A_957 = arith.addf %add3A_949, %gather3A_956 : vector<16xf32>
      %mul3A_958 = arith.constant 17 : i32
      %mul3A_959 = vector.broadcast %mul3A_958 : i32 to vector<16xi32>
      %mul3A_960 = arith.muli %add3A_929, %mul3A_959 : vector<16xi32>
      %add3A_961 = arith.constant 4 : i32
      %add3A_962 = vector.broadcast %add3A_961 : i32 to vector<16xi32>
      %add3A_963 = arith.addi %mul3A_960, %add3A_962 : vector<16xi32>
      %gather3A_964 = tpu.vector_load_idx %arg10[%add3A_963] : memref<1360xf32, #tpu.memory_space<vmem>>[vector<16xi32>], vector<16xf32>,
      %add3A_965 = arith.addf %add3A_957, %gather3A_964 : vector<16xf32>
      %mul3A_966 = arith.constant 17 : i32
      %mul3A_967 = vector.broadcast %mul3A_966 : i32 to vector<16xi32>
      %mul3A_968 = arith.muli %add3A_929, %mul3A_967 : vector<16xi32>
      %add3A_969 = arith.constant 5 : i32
      %add3A_970 = vector.broadcast %add3A_969 : i32 to vector<16xi32>
      %add3A_971 = arith.addi %mul3A_968, %add3A_970 : vector<16xi32>
      %gather3A_972 = tpu.vector_load_idx %arg10[%add3A_971] : memref<1360xf32, #tpu.memory_space<vmem>>[vector<16xi32>], vector<16xf32>,
      %add3A_973 = arith.addf %add3A_965, %gather3A_972 : vector<16xf32>
      %mul3A_974 = arith.constant 17 : i32
      %mul3A_975 = vector.broadcast %mul3A_974 : i32 to vector<16xi32>
      %mul3A_976 = arith.muli %add3A_929, %mul3A_975 : vector<16xi32>
      %add3A_977 = arith.constant 6 : i32
      %add3A_978 = vector.broadcast %add3A_977 : i32 to vector<16xi32>
      %add3A_979 = arith.addi %mul3A_976, %add3A_978 : vector<16xi32>
      %gather3A_980 = tpu.vector_load_idx %arg10[%add3A_979] : memref<1360xf32, #tpu.memory_space<vmem>>[vector<16xi32>], vector<16xf32>,
      %add3A_981 = arith.addf %add3A_973, %gather3A_980 : vector<16xf32>
      %mul3A_982 = arith.constant 17 : i32
      %mul3A_983 = vector.broadcast %mul3A_982 : i32 to vector<16xi32>
      %mul3A_984 = arith.muli %add3A_929, %mul3A_983 : vector<16xi32>
      %add3A_985 = arith.constant 7 : i32
      %add3A_986 = vector.broadcast %add3A_985 : i32 to vector<16xi32>
      %add3A_987 = arith.addi %mul3A_984, %add3A_986 : vector<16xi32>
      %gather3A_988 = tpu.vector_load_idx %arg10[%add3A_987] : memref<1360xf32, #tpu.memory_space<vmem>>[vector<16xi32>], vector<16xf32>,
      %add3A_989 = arith.addf %add3A_981, %gather3A_988 : vector<16xf32>
      %mul3A_990 = arith.constant 17 : i32
      %mul3A_991 = vector.broadcast %mul3A_990 : i32 to vector<16xi32>
      %mul3A_992 = arith.muli %add3A_929, %mul3A_991 : vector<16xi32>
      %add3A_993 = arith.constant 8 : i32
      %add3A_994 = vector.broadcast %add3A_993 : i32 to vector<16xi32>
      %add3A_995 = arith.addi %mul3A_992, %add3A_994 : vector<16xi32>
      %gather3A_996 = tpu.vector_load_idx %arg10[%add3A_995] : memref<1360xf32, #tpu.memory_space<vmem>>[vector<16xi32>], vector<16xf32>,
      %add3A_997 = arith.addf %add3A_989, %gather3A_996 : vector<16xf32>
      %mul3A_998 = arith.constant 17 : i32
      %mul3A_999 = vector.broadcast %mul3A_998 : i32 to vector<16xi32>
      %mul3A_1000 = arith.muli %add3A_929, %mul3A_999 : vector<16xi32>
      %add3A_1001 = arith.constant 9 : i32
      %add3A_1002 = vector.broadcast %add3A_1001 : i32 to vector<16xi32>
      %add3A_1003 = arith.addi %mul3A_1000, %add3A_1002 : vector<16xi32>
      %gather3A_1004 = tpu.vector_load_idx %arg10[%add3A_1003] : memref<1360xf32, #tpu.memory_space<vmem>>[vector<16xi32>], vector<16xf32>,
      %add3A_1005 = arith.addf %add3A_997, %gather3A_1004 : vector<16xf32>
      %mul3A_1006 = arith.constant 17 : i32
      %mul3A_1007 = vector.broadcast %mul3A_1006 : i32 to vector<16xi32>
      %mul3A_1008 = arith.muli %add3A_929, %mul3A_1007 : vector<16xi32>
      %add3A_1009 = arith.constant 10 : i32
      %add3A_1010 = vector.broadcast %add3A_1009 : i32 to vector<16xi32>
      %add3A_1011 = arith.addi %mul3A_1008, %add3A_1010 : vector<16xi32>
      %gather3A_1012 = tpu.vector_load_idx %arg10[%add3A_1011] : memref<1360xf32, #tpu.memory_space<vmem>>[vector<16xi32>], vector<16xf32>,
      %add3A_1013 = arith.addf %add3A_1005, %gather3A_1012 : vector<16xf32>
      %mul3A_1014 = arith.constant 17 : i32
      %mul3A_1015 = vector.broadcast %mul3A_1014 : i32 to vector<16xi32>
      %mul3A_1016 = arith.muli %add3A_929, %mul3A_1015 : vector<16xi32>
      %add3A_1017 = arith.constant 11 : i32
      %add3A_1018 = vector.broadcast %add3A_1017 : i32 to vector<16xi32>
      %add3A_1019 = arith.addi %mul3A_1016, %add3A_1018 : vector<16xi32>
      %gather3A_1020 = tpu.vector_load_idx %arg10[%add3A_1019] : memref<1360xf32, #tpu.memory_space<vmem>>[vector<16xi32>], vector<16xf32>,
      %add3A_1021 = arith.addf %add3A_1013, %gather3A_1020 : vector<16xf32>
      %mul3A_1022 = arith.constant 17 : i32
      %mul3A_1023 = vector.broadcast %mul3A_1022 : i32 to vector<16xi32>
      %mul3A_1024 = arith.muli %add3A_929, %mul3A_1023 : vector<16xi32>
      %add3A_1025 = arith.constant 12 : i32
      %add3A_1026 = vector.broadcast %add3A_1025 : i32 to vector<16xi32>
      %add3A_1027 = arith.addi %mul3A_1024, %add3A_1026 : vector<16xi32>
      %gather3A_1028 = tpu.vector_load_idx %arg10[%add3A_1027] : memref<1360xf32, #tpu.memory_space<vmem>>[vector<16xi32>], vector<16xf32>,
      %add3A_1029 = arith.addf %add3A_1021, %gather3A_1028 : vector<16xf32>
      %mul3A_1030 = arith.constant 17 : i32
      %mul3A_1031 = vector.broadcast %mul3A_1030 : i32 to vector<16xi32>
      %mul3A_1032 = arith.muli %add3A_929, %mul3A_1031 : vector<16xi32>
      %add3A_1033 = arith.constant 13 : i32
      %add3A_1034 = vector.broadcast %add3A_1033 : i32 to vector<16xi32>
      %add3A_1035 = arith.addi %mul3A_1032, %add3A_1034 : vector<16xi32>
      %gather3A_1036 = tpu.vector_load_idx %arg10[%add3A_1035] : memref<1360xf32, #tpu.memory_space<vmem>>[vector<16xi32>], vector<16xf32>,
      %add3A_1037 = arith.addf %add3A_1029, %gather3A_1036 : vector<16xf32>
      %mul3A_1038 = arith.constant 17 : i32
      %mul3A_1039 = vector.broadcast %mul3A_1038 : i32 to vector<16xi32>
      %mul3A_1040 = arith.muli %add3A_929, %mul3A_1039 : vector<16xi32>
      %add3A_1041 = arith.constant 14 : i32
      %add3A_1042 = vector.broadcast %add3A_1041 : i32 to vector<16xi32>
      %add3A_1043 = arith.addi %mul3A_1040, %add3A_1042 : vector<16xi32>
      %gather3A_1044 = tpu.vector_load_idx %arg10[%add3A_1043] : memref<1360xf32, #tpu.memory_space<vmem>>[vector<16xi32>], vector<16xf32>,
      %add3A_1045 = arith.addf %add3A_1037, %gather3A_1044 : vector<16xf32>
      %mul3A_1046 = arith.constant 17 : i32
      %mul3A_1047 = vector.broadcast %mul3A_1046 : i32 to vector<16xi32>
      %mul3A_1048 = arith.muli %add3A_929, %mul3A_1047 : vector<16xi32>
      %add3A_1049 = arith.constant 15 : i32
      %add3A_1050 = vector.broadcast %add3A_1049 : i32 to vector<16xi32>
      %add3A_1051 = arith.addi %mul3A_1048, %add3A_1050 : vector<16xi32>
      %gather3A_1052 = tpu.vector_load_idx %arg10[%add3A_1051] : memref<1360xf32, #tpu.memory_space<vmem>>[vector<16xi32>], vector<16xf32>,
      %add3A_1053 = arith.addf %add3A_1045, %gather3A_1052 : vector<16xf32>
      %swap3A_1054 = arith.constant 0 : i32
      %swap3A_1055 = arith.index_cast %swap3A_1054 : i32 to index
      %swap3A_1056 = arith.constant 16 : index
      %swap3A_1057 = tpu.vector_load %arg11[%swap3A_1055, %swap3A_1056] {strides = array<i32>} : memref<2x80xf32, #tpu.memory_space<vmem>>, vector<16xf32>,
      tpu.vector_store %arg11[%swap3A_1055, %swap3A_1056], %add3A_1053 {strides = array<i32>} : memref<2x80xf32, #tpu.memory_space<vmem>>, vector<16xf32>,
      %add3A_1058 = arith.constant 32 : i32
      %add3A_1059 = vector.broadcast %add3A_1058 : i32 to vector<16xi32>
      %add3A_1060 = arith.addi %add3A_1059, %iota3A : vector<16xi32>
      %mul3A_1061 = arith.constant 17 : i32
      %mul3A_1062 = vector.broadcast %mul3A_1061 : i32 to vector<16xi32>
      %mul3A_1063 = arith.muli %add3A_1060, %mul3A_1062 : vector<16xi32>
      %gather3A_1064 = tpu.vector_load_idx %arg10[%mul3A_1063] : memref<1360xf32, #tpu.memory_space<vmem>>[vector<16xi32>], vector<16xf32>,
      %mul3A_1065 = arith.constant 17 : i32
      %mul3A_1066 = vector.broadcast %mul3A_1065 : i32 to vector<16xi32>
      %mul3A_1067 = arith.muli %add3A_1060, %mul3A_1066 : vector<16xi32>
      %add3A_1068 = arith.constant 1 : i32
      %add3A_1069 = vector.broadcast %add3A_1068 : i32 to vector<16xi32>
      %add3A_1070 = arith.addi %mul3A_1067, %add3A_1069 : vector<16xi32>
      %gather3A_1071 = tpu.vector_load_idx %arg10[%add3A_1070] : memref<1360xf32, #tpu.memory_space<vmem>>[vector<16xi32>], vector<16xf32>,
      %add3A_1072 = arith.addf %gather3A_1064, %gather3A_1071 : vector<16xf32>
      %mul3A_1073 = arith.constant 17 : i32
      %mul3A_1074 = vector.broadcast %mul3A_1073 : i32 to vector<16xi32>
      %mul3A_1075 = arith.muli %add3A_1060, %mul3A_1074 : vector<16xi32>
      %add3A_1076 = arith.constant 2 : i32
      %add3A_1077 = vector.broadcast %add3A_1076 : i32 to vector<16xi32>
      %add3A_1078 = arith.addi %mul3A_1075, %add3A_1077 : vector<16xi32>
      %gather3A_1079 = tpu.vector_load_idx %arg10[%add3A_1078] : memref<1360xf32, #tpu.memory_space<vmem>>[vector<16xi32>], vector<16xf32>,
      %add3A_1080 = arith.addf %add3A_1072, %gather3A_1079 : vector<16xf32>
      %mul3A_1081 = arith.constant 17 : i32
      %mul3A_1082 = vector.broadcast %mul3A_1081 : i32 to vector<16xi32>
      %mul3A_1083 = arith.muli %add3A_1060, %mul3A_1082 : vector<16xi32>
      %add3A_1084 = arith.constant 3 : i32
      %add3A_1085 = vector.broadcast %add3A_1084 : i32 to vector<16xi32>
      %add3A_1086 = arith.addi %mul3A_1083, %add3A_1085 : vector<16xi32>
      %gather3A_1087 = tpu.vector_load_idx %arg10[%add3A_1086] : memref<1360xf32, #tpu.memory_space<vmem>>[vector<16xi32>], vector<16xf32>,
      %add3A_1088 = arith.addf %add3A_1080, %gather3A_1087 : vector<16xf32>
      %mul3A_1089 = arith.constant 17 : i32
      %mul3A_1090 = vector.broadcast %mul3A_1089 : i32 to vector<16xi32>
      %mul3A_1091 = arith.muli %add3A_1060, %mul3A_1090 : vector<16xi32>
      %add3A_1092 = arith.constant 4 : i32
      %add3A_1093 = vector.broadcast %add3A_1092 : i32 to vector<16xi32>
      %add3A_1094 = arith.addi %mul3A_1091, %add3A_1093 : vector<16xi32>
      %gather3A_1095 = tpu.vector_load_idx %arg10[%add3A_1094] : memref<1360xf32, #tpu.memory_space<vmem>>[vector<16xi32>], vector<16xf32>,
      %add3A_1096 = arith.addf %add3A_1088, %gather3A_1095 : vector<16xf32>
      %mul3A_1097 = arith.constant 17 : i32
      %mul3A_1098 = vector.broadcast %mul3A_1097 : i32 to vector<16xi32>
      %mul3A_1099 = arith.muli %add3A_1060, %mul3A_1098 : vector<16xi32>
      %add3A_1100 = arith.constant 5 : i32
      %add3A_1101 = vector.broadcast %add3A_1100 : i32 to vector<16xi32>
      %add3A_1102 = arith.addi %mul3A_1099, %add3A_1101 : vector<16xi32>
      %gather3A_1103 = tpu.vector_load_idx %arg10[%add3A_1102] : memref<1360xf32, #tpu.memory_space<vmem>>[vector<16xi32>], vector<16xf32>,
      %add3A_1104 = arith.addf %add3A_1096, %gather3A_1103 : vector<16xf32>
      %mul3A_1105 = arith.constant 17 : i32
      %mul3A_1106 = vector.broadcast %mul3A_1105 : i32 to vector<16xi32>
      %mul3A_1107 = arith.muli %add3A_1060, %mul3A_1106 : vector<16xi32>
      %add3A_1108 = arith.constant 6 : i32
      %add3A_1109 = vector.broadcast %add3A_1108 : i32 to vector<16xi32>
      %add3A_1110 = arith.addi %mul3A_1107, %add3A_1109 : vector<16xi32>
      %gather3A_1111 = tpu.vector_load_idx %arg10[%add3A_1110] : memref<1360xf32, #tpu.memory_space<vmem>>[vector<16xi32>], vector<16xf32>,
      %add3A_1112 = arith.addf %add3A_1104, %gather3A_1111 : vector<16xf32>
      %mul3A_1113 = arith.constant 17 : i32
      %mul3A_1114 = vector.broadcast %mul3A_1113 : i32 to vector<16xi32>
      %mul3A_1115 = arith.muli %add3A_1060, %mul3A_1114 : vector<16xi32>
      %add3A_1116 = arith.constant 7 : i32
      %add3A_1117 = vector.broadcast %add3A_1116 : i32 to vector<16xi32>
      %add3A_1118 = arith.addi %mul3A_1115, %add3A_1117 : vector<16xi32>
      %gather3A_1119 = tpu.vector_load_idx %arg10[%add3A_1118] : memref<1360xf32, #tpu.memory_space<vmem>>[vector<16xi32>], vector<16xf32>,
      %add3A_1120 = arith.addf %add3A_1112, %gather3A_1119 : vector<16xf32>
      %mul3A_1121 = arith.constant 17 : i32
      %mul3A_1122 = vector.broadcast %mul3A_1121 : i32 to vector<16xi32>
      %mul3A_1123 = arith.muli %add3A_1060, %mul3A_1122 : vector<16xi32>
      %add3A_1124 = arith.constant 8 : i32
      %add3A_1125 = vector.broadcast %add3A_1124 : i32 to vector<16xi32>
      %add3A_1126 = arith.addi %mul3A_1123, %add3A_1125 : vector<16xi32>
      %gather3A_1127 = tpu.vector_load_idx %arg10[%add3A_1126] : memref<1360xf32, #tpu.memory_space<vmem>>[vector<16xi32>], vector<16xf32>,
      %add3A_1128 = arith.addf %add3A_1120, %gather3A_1127 : vector<16xf32>
      %mul3A_1129 = arith.constant 17 : i32
      %mul3A_1130 = vector.broadcast %mul3A_1129 : i32 to vector<16xi32>
      %mul3A_1131 = arith.muli %add3A_1060, %mul3A_1130 : vector<16xi32>
      %add3A_1132 = arith.constant 9 : i32
      %add3A_1133 = vector.broadcast %add3A_1132 : i32 to vector<16xi32>
      %add3A_1134 = arith.addi %mul3A_1131, %add3A_1133 : vector<16xi32>
      %gather3A_1135 = tpu.vector_load_idx %arg10[%add3A_1134] : memref<1360xf32, #tpu.memory_space<vmem>>[vector<16xi32>], vector<16xf32>,
      %add3A_1136 = arith.addf %add3A_1128, %gather3A_1135 : vector<16xf32>
      %mul3A_1137 = arith.constant 17 : i32
      %mul3A_1138 = vector.broadcast %mul3A_1137 : i32 to vector<16xi32>
      %mul3A_1139 = arith.muli %add3A_1060, %mul3A_1138 : vector<16xi32>
      %add3A_1140 = arith.constant 10 : i32
      %add3A_1141 = vector.broadcast %add3A_1140 : i32 to vector<16xi32>
      %add3A_1142 = arith.addi %mul3A_1139, %add3A_1141 : vector<16xi32>
      %gather3A_1143 = tpu.vector_load_idx %arg10[%add3A_1142] : memref<1360xf32, #tpu.memory_space<vmem>>[vector<16xi32>], vector<16xf32>,
      %add3A_1144 = arith.addf %add3A_1136, %gather3A_1143 : vector<16xf32>
      %mul3A_1145 = arith.constant 17 : i32
      %mul3A_1146 = vector.broadcast %mul3A_1145 : i32 to vector<16xi32>
      %mul3A_1147 = arith.muli %add3A_1060, %mul3A_1146 : vector<16xi32>
      %add3A_1148 = arith.constant 11 : i32
      %add3A_1149 = vector.broadcast %add3A_1148 : i32 to vector<16xi32>
      %add3A_1150 = arith.addi %mul3A_1147, %add3A_1149 : vector<16xi32>
      %gather3A_1151 = tpu.vector_load_idx %arg10[%add3A_1150] : memref<1360xf32, #tpu.memory_space<vmem>>[vector<16xi32>], vector<16xf32>,
      %add3A_1152 = arith.addf %add3A_1144, %gather3A_1151 : vector<16xf32>
      %mul3A_1153 = arith.constant 17 : i32
      %mul3A_1154 = vector.broadcast %mul3A_1153 : i32 to vector<16xi32>
      %mul3A_1155 = arith.muli %add3A_1060, %mul3A_1154 : vector<16xi32>
      %add3A_1156 = arith.constant 12 : i32
      %add3A_1157 = vector.broadcast %add3A_1156 : i32 to vector<16xi32>
      %add3A_1158 = arith.addi %mul3A_1155, %add3A_1157 : vector<16xi32>
      %gather3A_1159 = tpu.vector_load_idx %arg10[%add3A_1158] : memref<1360xf32, #tpu.memory_space<vmem>>[vector<16xi32>], vector<16xf32>,
      %add3A_1160 = arith.addf %add3A_1152, %gather3A_1159 : vector<16xf32>
      %mul3A_1161 = arith.constant 17 : i32
      %mul3A_1162 = vector.broadcast %mul3A_1161 : i32 to vector<16xi32>
      %mul3A_1163 = arith.muli %add3A_1060, %mul3A_1162 : vector<16xi32>
      %add3A_1164 = arith.constant 13 : i32
      %add3A_1165 = vector.broadcast %add3A_1164 : i32 to vector<16xi32>
      %add3A_1166 = arith.addi %mul3A_1163, %add3A_1165 : vector<16xi32>
      %gather3A_1167 = tpu.vector_load_idx %arg10[%add3A_1166] : memref<1360xf32, #tpu.memory_space<vmem>>[vector<16xi32>], vector<16xf32>,
      %add3A_1168 = arith.addf %add3A_1160, %gather3A_1167 : vector<16xf32>
      %mul3A_1169 = arith.constant 17 : i32
      %mul3A_1170 = vector.broadcast %mul3A_1169 : i32 to vector<16xi32>
      %mul3A_1171 = arith.muli %add3A_1060, %mul3A_1170 : vector<16xi32>
      %add3A_1172 = arith.constant 14 : i32
      %add3A_1173 = vector.broadcast %add3A_1172 : i32 to vector<16xi32>
      %add3A_1174 = arith.addi %mul3A_1171, %add3A_1173 : vector<16xi32>
      %gather3A_1175 = tpu.vector_load_idx %arg10[%add3A_1174] : memref<1360xf32, #tpu.memory_space<vmem>>[vector<16xi32>], vector<16xf32>,
      %add3A_1176 = arith.addf %add3A_1168, %gather3A_1175 : vector<16xf32>
      %mul3A_1177 = arith.constant 17 : i32
      %mul3A_1178 = vector.broadcast %mul3A_1177 : i32 to vector<16xi32>
      %mul3A_1179 = arith.muli %add3A_1060, %mul3A_1178 : vector<16xi32>
      %add3A_1180 = arith.constant 15 : i32
      %add3A_1181 = vector.broadcast %add3A_1180 : i32 to vector<16xi32>
      %add3A_1182 = arith.addi %mul3A_1179, %add3A_1181 : vector<16xi32>
      %gather3A_1183 = tpu.vector_load_idx %arg10[%add3A_1182] : memref<1360xf32, #tpu.memory_space<vmem>>[vector<16xi32>], vector<16xf32>,
      %add3A_1184 = arith.addf %add3A_1176, %gather3A_1183 : vector<16xf32>
      %swap3A_1185 = arith.constant 0 : i32
      %swap3A_1186 = arith.index_cast %swap3A_1185 : i32 to index
      %swap3A_1187 = arith.constant 32 : index
      %swap3A_1188 = tpu.vector_load %arg11[%swap3A_1186, %swap3A_1187] {strides = array<i32>} : memref<2x80xf32, #tpu.memory_space<vmem>>, vector<16xf32>,
      tpu.vector_store %arg11[%swap3A_1186, %swap3A_1187], %add3A_1184 {strides = array<i32>} : memref<2x80xf32, #tpu.memory_space<vmem>>, vector<16xf32>,
      %add3A_1189 = arith.constant 48 : i32
      %add3A_1190 = vector.broadcast %add3A_1189 : i32 to vector<16xi32>
      %add3A_1191 = arith.addi %add3A_1190, %iota3A : vector<16xi32>
      %mul3A_1192 = arith.constant 17 : i32
      %mul3A_1193 = vector.broadcast %mul3A_1192 : i32 to vector<16xi32>
      %mul3A_1194 = arith.muli %add3A_1191, %mul3A_1193 : vector<16xi32>
      %gather3A_1195 = tpu.vector_load_idx %arg10[%mul3A_1194] : memref<1360xf32, #tpu.memory_space<vmem>>[vector<16xi32>], vector<16xf32>,
      %mul3A_1196 = arith.constant 17 : i32
      %mul3A_1197 = vector.broadcast %mul3A_1196 : i32 to vector<16xi32>
      %mul3A_1198 = arith.muli %add3A_1191, %mul3A_1197 : vector<16xi32>
      %add3A_1199 = arith.constant 1 : i32
      %add3A_1200 = vector.broadcast %add3A_1199 : i32 to vector<16xi32>
      %add3A_1201 = arith.addi %mul3A_1198, %add3A_1200 : vector<16xi32>
      %gather3A_1202 = tpu.vector_load_idx %arg10[%add3A_1201] : memref<1360xf32, #tpu.memory_space<vmem>>[vector<16xi32>], vector<16xf32>,
      %add3A_1203 = arith.addf %gather3A_1195, %gather3A_1202 : vector<16xf32>
      %mul3A_1204 = arith.constant 17 : i32
      %mul3A_1205 = vector.broadcast %mul3A_1204 : i32 to vector<16xi32>
      %mul3A_1206 = arith.muli %add3A_1191, %mul3A_1205 : vector<16xi32>
      %add3A_1207 = arith.constant 2 : i32
      %add3A_1208 = vector.broadcast %add3A_1207 : i32 to vector<16xi32>
      %add3A_1209 = arith.addi %mul3A_1206, %add3A_1208 : vector<16xi32>
      %gather3A_1210 = tpu.vector_load_idx %arg10[%add3A_1209] : memref<1360xf32, #tpu.memory_space<vmem>>[vector<16xi32>], vector<16xf32>,
      %add3A_1211 = arith.addf %add3A_1203, %gather3A_1210 : vector<16xf32>
      %mul3A_1212 = arith.constant 17 : i32
      %mul3A_1213 = vector.broadcast %mul3A_1212 : i32 to vector<16xi32>
      %mul3A_1214 = arith.muli %add3A_1191, %mul3A_1213 : vector<16xi32>
      %add3A_1215 = arith.constant 3 : i32
      %add3A_1216 = vector.broadcast %add3A_1215 : i32 to vector<16xi32>
      %add3A_1217 = arith.addi %mul3A_1214, %add3A_1216 : vector<16xi32>
      %gather3A_1218 = tpu.vector_load_idx %arg10[%add3A_1217] : memref<1360xf32, #tpu.memory_space<vmem>>[vector<16xi32>], vector<16xf32>,
      %add3A_1219 = arith.addf %add3A_1211, %gather3A_1218 : vector<16xf32>
      %mul3A_1220 = arith.constant 17 : i32
      %mul3A_1221 = vector.broadcast %mul3A_1220 : i32 to vector<16xi32>
      %mul3A_1222 = arith.muli %add3A_1191, %mul3A_1221 : vector<16xi32>
      %add3A_1223 = arith.constant 4 : i32
      %add3A_1224 = vector.broadcast %add3A_1223 : i32 to vector<16xi32>
      %add3A_1225 = arith.addi %mul3A_1222, %add3A_1224 : vector<16xi32>
      %gather3A_1226 = tpu.vector_load_idx %arg10[%add3A_1225] : memref<1360xf32, #tpu.memory_space<vmem>>[vector<16xi32>], vector<16xf32>,
      %add3A_1227 = arith.addf %add3A_1219, %gather3A_1226 : vector<16xf32>
      %mul3A_1228 = arith.constant 17 : i32
      %mul3A_1229 = vector.broadcast %mul3A_1228 : i32 to vector<16xi32>
      %mul3A_1230 = arith.muli %add3A_1191, %mul3A_1229 : vector<16xi32>
      %add3A_1231 = arith.constant 5 : i32
      %add3A_1232 = vector.broadcast %add3A_1231 : i32 to vector<16xi32>
      %add3A_1233 = arith.addi %mul3A_1230, %add3A_1232 : vector<16xi32>
      %gather3A_1234 = tpu.vector_load_idx %arg10[%add3A_1233] : memref<1360xf32, #tpu.memory_space<vmem>>[vector<16xi32>], vector<16xf32>,
      %add3A_1235 = arith.addf %add3A_1227, %gather3A_1234 : vector<16xf32>
      %mul3A_1236 = arith.constant 17 : i32
      %mul3A_1237 = vector.broadcast %mul3A_1236 : i32 to vector<16xi32>
      %mul3A_1238 = arith.muli %add3A_1191, %mul3A_1237 : vector<16xi32>
      %add3A_1239 = arith.constant 6 : i32
      %add3A_1240 = vector.broadcast %add3A_1239 : i32 to vector<16xi32>
      %add3A_1241 = arith.addi %mul3A_1238, %add3A_1240 : vector<16xi32>
      %gather3A_1242 = tpu.vector_load_idx %arg10[%add3A_1241] : memref<1360xf32, #tpu.memory_space<vmem>>[vector<16xi32>], vector<16xf32>,
      %add3A_1243 = arith.addf %add3A_1235, %gather3A_1242 : vector<16xf32>
      %mul3A_1244 = arith.constant 17 : i32
      %mul3A_1245 = vector.broadcast %mul3A_1244 : i32 to vector<16xi32>
      %mul3A_1246 = arith.muli %add3A_1191, %mul3A_1245 : vector<16xi32>
      %add3A_1247 = arith.constant 7 : i32
      %add3A_1248 = vector.broadcast %add3A_1247 : i32 to vector<16xi32>
      %add3A_1249 = arith.addi %mul3A_1246, %add3A_1248 : vector<16xi32>
      %gather3A_1250 = tpu.vector_load_idx %arg10[%add3A_1249] : memref<1360xf32, #tpu.memory_space<vmem>>[vector<16xi32>], vector<16xf32>,
      %add3A_1251 = arith.addf %add3A_1243, %gather3A_1250 : vector<16xf32>
      %mul3A_1252 = arith.constant 17 : i32
      %mul3A_1253 = vector.broadcast %mul3A_1252 : i32 to vector<16xi32>
      %mul3A_1254 = arith.muli %add3A_1191, %mul3A_1253 : vector<16xi32>
      %add3A_1255 = arith.constant 8 : i32
      %add3A_1256 = vector.broadcast %add3A_1255 : i32 to vector<16xi32>
      %add3A_1257 = arith.addi %mul3A_1254, %add3A_1256 : vector<16xi32>
      %gather3A_1258 = tpu.vector_load_idx %arg10[%add3A_1257] : memref<1360xf32, #tpu.memory_space<vmem>>[vector<16xi32>], vector<16xf32>,
      %add3A_1259 = arith.addf %add3A_1251, %gather3A_1258 : vector<16xf32>
      %mul3A_1260 = arith.constant 17 : i32
      %mul3A_1261 = vector.broadcast %mul3A_1260 : i32 to vector<16xi32>
      %mul3A_1262 = arith.muli %add3A_1191, %mul3A_1261 : vector<16xi32>
      %add3A_1263 = arith.constant 9 : i32
      %add3A_1264 = vector.broadcast %add3A_1263 : i32 to vector<16xi32>
      %add3A_1265 = arith.addi %mul3A_1262, %add3A_1264 : vector<16xi32>
      %gather3A_1266 = tpu.vector_load_idx %arg10[%add3A_1265] : memref<1360xf32, #tpu.memory_space<vmem>>[vector<16xi32>], vector<16xf32>,
      %add3A_1267 = arith.addf %add3A_1259, %gather3A_1266 : vector<16xf32>
      %mul3A_1268 = arith.constant 17 : i32
      %mul3A_1269 = vector.broadcast %mul3A_1268 : i32 to vector<16xi32>
      %mul3A_1270 = arith.muli %add3A_1191, %mul3A_1269 : vector<16xi32>
      %add3A_1271 = arith.constant 10 : i32
      %add3A_1272 = vector.broadcast %add3A_1271 : i32 to vector<16xi32>
      %add3A_1273 = arith.addi %mul3A_1270, %add3A_1272 : vector<16xi32>
      %gather3A_1274 = tpu.vector_load_idx %arg10[%add3A_1273] : memref<1360xf32, #tpu.memory_space<vmem>>[vector<16xi32>], vector<16xf32>,
      %add3A_1275 = arith.addf %add3A_1267, %gather3A_1274 : vector<16xf32>
      %mul3A_1276 = arith.constant 17 : i32
      %mul3A_1277 = vector.broadcast %mul3A_1276 : i32 to vector<16xi32>
      %mul3A_1278 = arith.muli %add3A_1191, %mul3A_1277 : vector<16xi32>
      %add3A_1279 = arith.constant 11 : i32
      %add3A_1280 = vector.broadcast %add3A_1279 : i32 to vector<16xi32>
      %add3A_1281 = arith.addi %mul3A_1278, %add3A_1280 : vector<16xi32>
      %gather3A_1282 = tpu.vector_load_idx %arg10[%add3A_1281] : memref<1360xf32, #tpu.memory_space<vmem>>[vector<16xi32>], vector<16xf32>,
      %add3A_1283 = arith.addf %add3A_1275, %gather3A_1282 : vector<16xf32>
      %mul3A_1284 = arith.constant 17 : i32
      %mul3A_1285 = vector.broadcast %mul3A_1284 : i32 to vector<16xi32>
      %mul3A_1286 = arith.muli %add3A_1191, %mul3A_1285 : vector<16xi32>
      %add3A_1287 = arith.constant 12 : i32
      %add3A_1288 = vector.broadcast %add3A_1287 : i32 to vector<16xi32>
      %add3A_1289 = arith.addi %mul3A_1286, %add3A_1288 : vector<16xi32>
      %gather3A_1290 = tpu.vector_load_idx %arg10[%add3A_1289] : memref<1360xf32, #tpu.memory_space<vmem>>[vector<16xi32>], vector<16xf32>,
      %add3A_1291 = arith.addf %add3A_1283, %gather3A_1290 : vector<16xf32>
      %mul3A_1292 = arith.constant 17 : i32
      %mul3A_1293 = vector.broadcast %mul3A_1292 : i32 to vector<16xi32>
      %mul3A_1294 = arith.muli %add3A_1191, %mul3A_1293 : vector<16xi32>
      %add3A_1295 = arith.constant 13 : i32
      %add3A_1296 = vector.broadcast %add3A_1295 : i32 to vector<16xi32>
      %add3A_1297 = arith.addi %mul3A_1294, %add3A_1296 : vector<16xi32>
      %gather3A_1298 = tpu.vector_load_idx %arg10[%add3A_1297] : memref<1360xf32, #tpu.memory_space<vmem>>[vector<16xi32>], vector<16xf32>,
      %add3A_1299 = arith.addf %add3A_1291, %gather3A_1298 : vector<16xf32>
      %mul3A_1300 = arith.constant 17 : i32
      %mul3A_1301 = vector.broadcast %mul3A_1300 : i32 to vector<16xi32>
      %mul3A_1302 = arith.muli %add3A_1191, %mul3A_1301 : vector<16xi32>
      %add3A_1303 = arith.constant 14 : i32
      %add3A_1304 = vector.broadcast %add3A_1303 : i32 to vector<16xi32>
      %add3A_1305 = arith.addi %mul3A_1302, %add3A_1304 : vector<16xi32>
      %gather3A_1306 = tpu.vector_load_idx %arg10[%add3A_1305] : memref<1360xf32, #tpu.memory_space<vmem>>[vector<16xi32>], vector<16xf32>,
      %add3A_1307 = arith.addf %add3A_1299, %gather3A_1306 : vector<16xf32>
      %mul3A_1308 = arith.constant 17 : i32
      %mul3A_1309 = vector.broadcast %mul3A_1308 : i32 to vector<16xi32>
      %mul3A_1310 = arith.muli %add3A_1191, %mul3A_1309 : vector<16xi32>
      %add3A_1311 = arith.constant 15 : i32
      %add3A_1312 = vector.broadcast %add3A_1311 : i32 to vector<16xi32>
      %add3A_1313 = arith.addi %mul3A_1310, %add3A_1312 : vector<16xi32>
      %gather3A_1314 = tpu.vector_load_idx %arg10[%add3A_1313] : memref<1360xf32, #tpu.memory_space<vmem>>[vector<16xi32>], vector<16xf32>,
      %add3A_1315 = arith.addf %add3A_1307, %gather3A_1314 : vector<16xf32>
      %swap3A_1316 = arith.constant 0 : i32
      %swap3A_1317 = arith.index_cast %swap3A_1316 : i32 to index
      %swap3A_1318 = arith.constant 48 : index
      %swap3A_1319 = tpu.vector_load %arg11[%swap3A_1317, %swap3A_1318] {strides = array<i32>} : memref<2x80xf32, #tpu.memory_space<vmem>>, vector<16xf32>,
      tpu.vector_store %arg11[%swap3A_1317, %swap3A_1318], %add3A_1315 {strides = array<i32>} : memref<2x80xf32, #tpu.memory_space<vmem>>, vector<16xf32>,
      %add3A_1320 = arith.constant 64 : i32
      %add3A_1321 = vector.broadcast %add3A_1320 : i32 to vector<16xi32>
      %add3A_1322 = arith.addi %add3A_1321, %iota3A : vector<16xi32>
      %mul3A_1323 = arith.constant 17 : i32
      %mul3A_1324 = vector.broadcast %mul3A_1323 : i32 to vector<16xi32>
      %mul3A_1325 = arith.muli %add3A_1322, %mul3A_1324 : vector<16xi32>
      %gather3A_1326 = tpu.vector_load_idx %arg10[%mul3A_1325] : memref<1360xf32, #tpu.memory_space<vmem>>[vector<16xi32>], vector<16xf32>,
      %mul3A_1327 = arith.constant 17 : i32
      %mul3A_1328 = vector.broadcast %mul3A_1327 : i32 to vector<16xi32>
      %mul3A_1329 = arith.muli %add3A_1322, %mul3A_1328 : vector<16xi32>
      %add3A_1330 = arith.constant 1 : i32
      %add3A_1331 = vector.broadcast %add3A_1330 : i32 to vector<16xi32>
      %add3A_1332 = arith.addi %mul3A_1329, %add3A_1331 : vector<16xi32>
      %gather3A_1333 = tpu.vector_load_idx %arg10[%add3A_1332] : memref<1360xf32, #tpu.memory_space<vmem>>[vector<16xi32>], vector<16xf32>,
      %add3A_1334 = arith.addf %gather3A_1326, %gather3A_1333 : vector<16xf32>
      %mul3A_1335 = arith.constant 17 : i32
      %mul3A_1336 = vector.broadcast %mul3A_1335 : i32 to vector<16xi32>
      %mul3A_1337 = arith.muli %add3A_1322, %mul3A_1336 : vector<16xi32>
      %add3A_1338 = arith.constant 2 : i32
      %add3A_1339 = vector.broadcast %add3A_1338 : i32 to vector<16xi32>
      %add3A_1340 = arith.addi %mul3A_1337, %add3A_1339 : vector<16xi32>
      %gather3A_1341 = tpu.vector_load_idx %arg10[%add3A_1340] : memref<1360xf32, #tpu.memory_space<vmem>>[vector<16xi32>], vector<16xf32>,
      %add3A_1342 = arith.addf %add3A_1334, %gather3A_1341 : vector<16xf32>
      %mul3A_1343 = arith.constant 17 : i32
      %mul3A_1344 = vector.broadcast %mul3A_1343 : i32 to vector<16xi32>
      %mul3A_1345 = arith.muli %add3A_1322, %mul3A_1344 : vector<16xi32>
      %add3A_1346 = arith.constant 3 : i32
      %add3A_1347 = vector.broadcast %add3A_1346 : i32 to vector<16xi32>
      %add3A_1348 = arith.addi %mul3A_1345, %add3A_1347 : vector<16xi32>
      %gather3A_1349 = tpu.vector_load_idx %arg10[%add3A_1348] : memref<1360xf32, #tpu.memory_space<vmem>>[vector<16xi32>], vector<16xf32>,
      %add3A_1350 = arith.addf %add3A_1342, %gather3A_1349 : vector<16xf32>
      %mul3A_1351 = arith.constant 17 : i32
      %mul3A_1352 = vector.broadcast %mul3A_1351 : i32 to vector<16xi32>
      %mul3A_1353 = arith.muli %add3A_1322, %mul3A_1352 : vector<16xi32>
      %add3A_1354 = arith.constant 4 : i32
      %add3A_1355 = vector.broadcast %add3A_1354 : i32 to vector<16xi32>
      %add3A_1356 = arith.addi %mul3A_1353, %add3A_1355 : vector<16xi32>
      %gather3A_1357 = tpu.vector_load_idx %arg10[%add3A_1356] : memref<1360xf32, #tpu.memory_space<vmem>>[vector<16xi32>], vector<16xf32>,
      %add3A_1358 = arith.addf %add3A_1350, %gather3A_1357 : vector<16xf32>
      %mul3A_1359 = arith.constant 17 : i32
      %mul3A_1360 = vector.broadcast %mul3A_1359 : i32 to vector<16xi32>
      %mul3A_1361 = arith.muli %add3A_1322, %mul3A_1360 : vector<16xi32>
      %add3A_1362 = arith.constant 5 : i32
      %add3A_1363 = vector.broadcast %add3A_1362 : i32 to vector<16xi32>
      %add3A_1364 = arith.addi %mul3A_1361, %add3A_1363 : vector<16xi32>
      %gather3A_1365 = tpu.vector_load_idx %arg10[%add3A_1364] : memref<1360xf32, #tpu.memory_space<vmem>>[vector<16xi32>], vector<16xf32>,
      %add3A_1366 = arith.addf %add3A_1358, %gather3A_1365 : vector<16xf32>
      %mul3A_1367 = arith.constant 17 : i32
      %mul3A_1368 = vector.broadcast %mul3A_1367 : i32 to vector<16xi32>
      %mul3A_1369 = arith.muli %add3A_1322, %mul3A_1368 : vector<16xi32>
      %add3A_1370 = arith.constant 6 : i32
      %add3A_1371 = vector.broadcast %add3A_1370 : i32 to vector<16xi32>
      %add3A_1372 = arith.addi %mul3A_1369, %add3A_1371 : vector<16xi32>
      %gather3A_1373 = tpu.vector_load_idx %arg10[%add3A_1372] : memref<1360xf32, #tpu.memory_space<vmem>>[vector<16xi32>], vector<16xf32>,
      %add3A_1374 = arith.addf %add3A_1366, %gather3A_1373 : vector<16xf32>
      %mul3A_1375 = arith.constant 17 : i32
      %mul3A_1376 = vector.broadcast %mul3A_1375 : i32 to vector<16xi32>
      %mul3A_1377 = arith.muli %add3A_1322, %mul3A_1376 : vector<16xi32>
      %add3A_1378 = arith.constant 7 : i32
      %add3A_1379 = vector.broadcast %add3A_1378 : i32 to vector<16xi32>
      %add3A_1380 = arith.addi %mul3A_1377, %add3A_1379 : vector<16xi32>
      %gather3A_1381 = tpu.vector_load_idx %arg10[%add3A_1380] : memref<1360xf32, #tpu.memory_space<vmem>>[vector<16xi32>], vector<16xf32>,
      %add3A_1382 = arith.addf %add3A_1374, %gather3A_1381 : vector<16xf32>
      %mul3A_1383 = arith.constant 17 : i32
      %mul3A_1384 = vector.broadcast %mul3A_1383 : i32 to vector<16xi32>
      %mul3A_1385 = arith.muli %add3A_1322, %mul3A_1384 : vector<16xi32>
      %add3A_1386 = arith.constant 8 : i32
      %add3A_1387 = vector.broadcast %add3A_1386 : i32 to vector<16xi32>
      %add3A_1388 = arith.addi %mul3A_1385, %add3A_1387 : vector<16xi32>
      %gather3A_1389 = tpu.vector_load_idx %arg10[%add3A_1388] : memref<1360xf32, #tpu.memory_space<vmem>>[vector<16xi32>], vector<16xf32>,
      %add3A_1390 = arith.addf %add3A_1382, %gather3A_1389 : vector<16xf32>
      %mul3A_1391 = arith.constant 17 : i32
      %mul3A_1392 = vector.broadcast %mul3A_1391 : i32 to vector<16xi32>
      %mul3A_1393 = arith.muli %add3A_1322, %mul3A_1392 : vector<16xi32>
      %add3A_1394 = arith.constant 9 : i32
      %add3A_1395 = vector.broadcast %add3A_1394 : i32 to vector<16xi32>
      %add3A_1396 = arith.addi %mul3A_1393, %add3A_1395 : vector<16xi32>
      %gather3A_1397 = tpu.vector_load_idx %arg10[%add3A_1396] : memref<1360xf32, #tpu.memory_space<vmem>>[vector<16xi32>], vector<16xf32>,
      %add3A_1398 = arith.addf %add3A_1390, %gather3A_1397 : vector<16xf32>
      %mul3A_1399 = arith.constant 17 : i32
      %mul3A_1400 = vector.broadcast %mul3A_1399 : i32 to vector<16xi32>
      %mul3A_1401 = arith.muli %add3A_1322, %mul3A_1400 : vector<16xi32>
      %add3A_1402 = arith.constant 10 : i32
      %add3A_1403 = vector.broadcast %add3A_1402 : i32 to vector<16xi32>
      %add3A_1404 = arith.addi %mul3A_1401, %add3A_1403 : vector<16xi32>
      %gather3A_1405 = tpu.vector_load_idx %arg10[%add3A_1404] : memref<1360xf32, #tpu.memory_space<vmem>>[vector<16xi32>], vector<16xf32>,
      %add3A_1406 = arith.addf %add3A_1398, %gather3A_1405 : vector<16xf32>
      %mul3A_1407 = arith.constant 17 : i32
      %mul3A_1408 = vector.broadcast %mul3A_1407 : i32 to vector<16xi32>
      %mul3A_1409 = arith.muli %add3A_1322, %mul3A_1408 : vector<16xi32>
      %add3A_1410 = arith.constant 11 : i32
      %add3A_1411 = vector.broadcast %add3A_1410 : i32 to vector<16xi32>
      %add3A_1412 = arith.addi %mul3A_1409, %add3A_1411 : vector<16xi32>
      %gather3A_1413 = tpu.vector_load_idx %arg10[%add3A_1412] : memref<1360xf32, #tpu.memory_space<vmem>>[vector<16xi32>], vector<16xf32>,
      %add3A_1414 = arith.addf %add3A_1406, %gather3A_1413 : vector<16xf32>
      %mul3A_1415 = arith.constant 17 : i32
      %mul3A_1416 = vector.broadcast %mul3A_1415 : i32 to vector<16xi32>
      %mul3A_1417 = arith.muli %add3A_1322, %mul3A_1416 : vector<16xi32>
      %add3A_1418 = arith.constant 12 : i32
      %add3A_1419 = vector.broadcast %add3A_1418 : i32 to vector<16xi32>
      %add3A_1420 = arith.addi %mul3A_1417, %add3A_1419 : vector<16xi32>
      %gather3A_1421 = tpu.vector_load_idx %arg10[%add3A_1420] : memref<1360xf32, #tpu.memory_space<vmem>>[vector<16xi32>], vector<16xf32>,
      %add3A_1422 = arith.addf %add3A_1414, %gather3A_1421 : vector<16xf32>
      %mul3A_1423 = arith.constant 17 : i32
      %mul3A_1424 = vector.broadcast %mul3A_1423 : i32 to vector<16xi32>
      %mul3A_1425 = arith.muli %add3A_1322, %mul3A_1424 : vector<16xi32>
      %add3A_1426 = arith.constant 13 : i32
      %add3A_1427 = vector.broadcast %add3A_1426 : i32 to vector<16xi32>
      %add3A_1428 = arith.addi %mul3A_1425, %add3A_1427 : vector<16xi32>
      %gather3A_1429 = tpu.vector_load_idx %arg10[%add3A_1428] : memref<1360xf32, #tpu.memory_space<vmem>>[vector<16xi32>], vector<16xf32>,
      %add3A_1430 = arith.addf %add3A_1422, %gather3A_1429 : vector<16xf32>
      %mul3A_1431 = arith.constant 17 : i32
      %mul3A_1432 = vector.broadcast %mul3A_1431 : i32 to vector<16xi32>
      %mul3A_1433 = arith.muli %add3A_1322, %mul3A_1432 : vector<16xi32>
      %add3A_1434 = arith.constant 14 : i32
      %add3A_1435 = vector.broadcast %add3A_1434 : i32 to vector<16xi32>
      %add3A_1436 = arith.addi %mul3A_1433, %add3A_1435 : vector<16xi32>
      %gather3A_1437 = tpu.vector_load_idx %arg10[%add3A_1436] : memref<1360xf32, #tpu.memory_space<vmem>>[vector<16xi32>], vector<16xf32>,
      %add3A_1438 = arith.addf %add3A_1430, %gather3A_1437 : vector<16xf32>
      %mul3A_1439 = arith.constant 17 : i32
      %mul3A_1440 = vector.broadcast %mul3A_1439 : i32 to vector<16xi32>
      %mul3A_1441 = arith.muli %add3A_1322, %mul3A_1440 : vector<16xi32>
      %add3A_1442 = arith.constant 15 : i32
      %add3A_1443 = vector.broadcast %add3A_1442 : i32 to vector<16xi32>
      %add3A_1444 = arith.addi %mul3A_1441, %add3A_1443 : vector<16xi32>
      %gather3A_1445 = tpu.vector_load_idx %arg10[%add3A_1444] : memref<1360xf32, #tpu.memory_space<vmem>>[vector<16xi32>], vector<16xf32>,
      %add3A_1446 = arith.addf %add3A_1438, %gather3A_1445 : vector<16xf32>
      %swap3A_1447 = arith.constant 0 : i32
      %swap3A_1448 = arith.index_cast %swap3A_1447 : i32 to index
      %swap3A_1449 = arith.constant 64 : index
      %swap3A_1450 = tpu.vector_load %arg11[%swap3A_1448, %swap3A_1449] {strides = array<i32>} : memref<2x80xf32, #tpu.memory_space<vmem>>, vector<16xf32>,
      tpu.vector_store %arg11[%swap3A_1448, %swap3A_1449], %add3A_1446 {strides = array<i32>} : memref<2x80xf32, #tpu.memory_space<vmem>>, vector<16xf32>,
      %mul3A_1451 = arith.constant 2 : i32
      %mul3A_1452 = arith.muli %mul3A_1451, %scan3A_744 : i32
      %mul3A_1453 = arith.constant 80 : i32
      %mul3A_1454 = arith.muli %mul3A_1452, %mul3A_1453 : i32
      %add3A_1455 = arith.addi %mul3A_2, %mul3A_1454 : i32
      %dma_start3A_1456 = arith.constant 0 : i32
      %dma_start3A_1457 = arith.constant 0 : i32
      %dma_start3A_1458 = tpu.memref_slice %arg11[%dma_start3A_1456, %dma_start3A_1457] : memref<2x80xf32, #tpu.memory_space<vmem>> -> memref<1x80xf32, #tpu.memory_space<vmem>>
      %dma_start3A_1459 = tpu.memref_squeeze %dma_start3A_1458 : memref<1x80xf32, #tpu.memory_space<vmem>> -> memref<80xf32, #tpu.memory_space<vmem>>
      %dma_start3A_1460 = tpu.memref_slice %arg5[%add3A_1455] : memref<320000xf32, #tpu.memory_space<hbm>> -> memref<80xf32, #tpu.memory_space<hbm>>
      %dma_start3A_1461 = tpu.memref_slice %arg5[%add3A_1455] : memref<320000xf32, #tpu.memory_space<hbm>> -> memref<80xf32, #tpu.memory_space<hbm>>
      %dma_start3A_1462 = arith.constant 0 : i32
      %dma_start3A_1463 = tpu.memref_slice %arg11[%dma_start3A_1456, %dma_start3A_1462] : memref<2x80xf32, #tpu.memory_space<vmem>> -> memref<1x80xf32, #tpu.memory_space<vmem>>
      %dma_start3A_1464 = tpu.memref_squeeze %dma_start3A_1463 : memref<1x80xf32, #tpu.memory_space<vmem>> -> memref<80xf32, #tpu.memory_space<vmem>>
      tpu.enqueue_dma source(%dma_start3A_1464 : memref<80xf32, #tpu.memory_space<vmem>>) target(%dma_start3A_1461 : memref<80xf32, #tpu.memory_space<hbm>>) target_semaphore(%arg18 : memref<!tpu.dma_semaphore, #tpu.memory_space<semaphore_mem>>)
      %dma_wait3A_1465 = arith.constant 1 : i32
      %dma_wait3A_1466 = arith.constant 0 : i32
      %dma_wait3A_1467 = arith.constant 0 : i32
      %dma_wait3A_1468 = tpu.memref_slice %arg8[%dma_wait3A_1465, %dma_wait3A_1466, %dma_wait3A_1467] : memref<2x80x64xi32, #tpu.memory_space<vmem>> -> memref<1x80x64xi32, #tpu.memory_space<vmem>>
      %dma_wait3A_1469 = tpu.memref_squeeze %dma_wait3A_1468 : memref<1x80x64xi32, #tpu.memory_space<vmem>> -> memref<80x64xi32, #tpu.memory_space<vmem>>
      %dma_wait3A_1470 = arith.constant 0 : i32
      %dma_wait3A_1471 = tpu.memref_slice %arg6[%dma_wait3A_1470] : memref<10000xi32, #tpu.memory_space<vmem>> -> memref<80xi32, #tpu.memory_space<vmem>>
      %dma_wait3A_1472 = arith.constant 0 : i32
      %dma_wait3A_1473 = arith.constant 0 : i32
      %dma_wait3A_1474 = tpu.memref_slice %arg12[%dma_wait3A_1472, %dma_wait3A_1473] : memref<10000x64xi32, #tpu.memory_space<vmem_shared>> -> memref<10000x64xi32, #tpu.memory_space<vmem_shared>>
      tpu.wait_indirect_dma semaphore(%arg15 : memref<!tpu.dma_semaphore, #tpu.memory_space<semaphore_mem>>) src(%dma_wait3A_1474 : memref<10000x64xi32, #tpu.memory_space<vmem_shared>>) dst(%dma_wait3A_1469 : memref<80x64xi32, #tpu.memory_space<vmem>>)
      %dma_wait3A_1475 = arith.constant 1 : i32
      %dma_wait3A_1476 = arith.constant 0 : i32
      %dma_wait3A_1477 = arith.constant 0 : i32
      %dma_wait3A_1478 = tpu.memref_slice %arg9[%dma_wait3A_1475, %dma_wait3A_1476, %dma_wait3A_1477] : memref<2x80x64xi32, #tpu.memory_space<vmem>> -> memref<1x80x64xi32, #tpu.memory_space<vmem>>
      %dma_wait3A_1479 = tpu.memref_squeeze %dma_wait3A_1478 : memref<1x80x64xi32, #tpu.memory_space<vmem>> -> memref<80x64xi32, #tpu.memory_space<vmem>>
      %dma_wait3A_1480 = arith.constant 0 : i32
      %dma_wait3A_1481 = tpu.memref_slice %arg7[%dma_wait3A_1480] : memref<10000xi32, #tpu.memory_space<vmem>> -> memref<80xi32, #tpu.memory_space<vmem>>
      %dma_wait3A_1482 = arith.constant 0 : i32
      %dma_wait3A_1483 = arith.constant 0 : i32
      %dma_wait3A_1484 = tpu.memref_slice %arg13[%dma_wait3A_1482, %dma_wait3A_1483] : memref<10000x64xi32, #tpu.memory_space<vmem_shared>> -> memref<10000x64xi32, #tpu.memory_space<vmem_shared>>
      tpu.wait_indirect_dma semaphore(%arg17 : memref<!tpu.dma_semaphore, #tpu.memory_space<semaphore_mem>>) src(%dma_wait3A_1484 : memref<10000x64xi32, #tpu.memory_space<vmem_shared>>) dst(%dma_wait3A_1479 : memref<80x64xi32, #tpu.memory_space<vmem>>)
      %mul3A_1485 = arith.constant 2 : i32
      %mul3A_1486 = arith.muli %mul3A_1485, %scan3A_744 : i32
      %add3A_1487 = arith.constant 2 : i32
      %add3A_1488 = arith.addi %mul3A_1486, %add3A_1487 : i32
      %mul3A_1489 = arith.constant 80 : i32
      %mul3A_1490 = arith.muli %add3A_1488, %mul3A_1489 : i32
      %dma_start3A_1491 = arith.constant 0 : i32
      %dma_start3A_1492 = arith.constant 0 : i32
      %dma_start3A_1493 = arith.constant 0 : i32
      %dma_start3A_1494 = tpu.memref_slice %arg8[%dma_start3A_1491, %dma_start3A_1492, %dma_start3A_1493] : memref<2x80x64xi32, #tpu.memory_space<vmem>> -> memref<1x80x64xi32, #tpu.memory_space<vmem>>
      %dma_start3A_1495 = tpu.memref_squeeze %dma_start3A_1494 : memref<1x80x64xi32, #tpu.memory_space<vmem>> -> memref<80x64xi32, #tpu.memory_space<vmem>>
      %dma_start3A_1496 = tpu.memref_slice %arg6[%mul3A_1490] : memref<10000xi32, #tpu.memory_space<vmem>> -> memref<80xi32, #tpu.memory_space<vmem>>
      %dma_start3A_1497 = arith.constant 0 : i32
      %dma_start3A_1498 = arith.constant 0 : i32
      %dma_start3A_1499 = tpu.memref_slice %arg12[%dma_start3A_1497, %dma_start3A_1498] : memref<10000x64xi32, #tpu.memory_space<vmem_shared>> -> memref<10000x64xi32, #tpu.memory_space<vmem_shared>>
      tpu.enqueue_indirect_dma source(%dma_start3A_1499 : memref<10000x64xi32, #tpu.memory_space<vmem_shared>>) target(%dma_start3A_1495 : memref<80x64xi32, #tpu.memory_space<vmem>>) offsets(%dma_start3A_1496 : memref<80xi32, #tpu.memory_space<vmem>>) semaphore(%arg14 : memref<!tpu.dma_semaphore, #tpu.memory_space<semaphore_mem>>)
      %dma_start3A_1500 = arith.constant 0 : i32
      %dma_start3A_1501 = arith.constant 0 : i32
      %dma_start3A_1502 = arith.constant 0 : i32
      %dma_start3A_1503 = tpu.memref_slice %arg9[%dma_start3A_1500, %dma_start3A_1501, %dma_start3A_1502] : memref<2x80x64xi32, #tpu.memory_space<vmem>> -> memref<1x80x64xi32, #tpu.memory_space<vmem>>
      %dma_start3A_1504 = tpu.memref_squeeze %dma_start3A_1503 : memref<1x80x64xi32, #tpu.memory_space<vmem>> -> memref<80x64xi32, #tpu.memory_space<vmem>>
      %dma_start3A_1505 = tpu.memref_slice %arg7[%mul3A_1490] : memref<10000xi32, #tpu.memory_space<vmem>> -> memref<80xi32, #tpu.memory_space<vmem>>
      %dma_start3A_1506 = arith.constant 0 : i32
      %dma_start3A_1507 = arith.constant 0 : i32
      %dma_start3A_1508 = tpu.memref_slice %arg13[%dma_start3A_1506, %dma_start3A_1507] : memref<10000x64xi32, #tpu.memory_space<vmem_shared>> -> memref<10000x64xi32, #tpu.memory_space<vmem_shared>>
      tpu.enqueue_indirect_dma source(%dma_start3A_1508 : memref<10000x64xi32, #tpu.memory_space<vmem_shared>>) target(%dma_start3A_1504 : memref<80x64xi32, #tpu.memory_space<vmem>>) offsets(%dma_start3A_1505 : memref<80xi32, #tpu.memory_space<vmem>>) semaphore(%arg16 : memref<!tpu.dma_semaphore, #tpu.memory_space<semaphore_mem>>)
      %gt3A_1509 = arith.constant 0 : i32
      %gt3A_1510 = arith.cmpi sgt, %scan3A_744, %gt3A_1509 : i32
      %convert_element_type3A_1511 = arith.extui %gt3A_1510 : i1 to i32
      %cond3A_1512 = arith.constant 0 : i32
      %cond3A_1513 = arith.cmpi ne, %convert_element_type3A_1511, %cond3A_1512 : i32
      scf.if %cond3A_1513 {
        %dma_wait3A_2190 = arith.constant 1 : i32
        %dma_wait3A_2191 = arith.constant 0 : i32
        %dma_wait3A_2192 = tpu.memref_slice %arg11[%dma_wait3A_2190, %dma_wait3A_2191] : memref<2x80xf32, #tpu.memory_space<vmem>> -> memref<1x80xf32, #tpu.memory_space<vmem>>
        %dma_wait3A_2193 = tpu.memref_squeeze %dma_wait3A_2192 : memref<1x80xf32, #tpu.memory_space<vmem>> -> memref<80xf32, #tpu.memory_space<vmem>>
        %dma_wait3A_2194 = tpu.memref_slice %arg5[%mul3A_2] : memref<320000xf32, #tpu.memory_space<hbm>> -> memref<80xf32, #tpu.memory_space<hbm>>
        %dma_wait3A_2195 = tpu.memref_slice %arg5[%mul3A_2] : memref<320000xf32, #tpu.memory_space<hbm>> -> memref<80xf32, #tpu.memory_space<hbm>>
        %dma_wait3A_2196 = arith.constant 0 : i32
        %dma_wait3A_2197 = tpu.memref_slice %arg11[%dma_wait3A_2190, %dma_wait3A_2196] : memref<2x80xf32, #tpu.memory_space<vmem>> -> memref<1x80xf32, #tpu.memory_space<vmem>>
        %dma_wait3A_2198 = tpu.memref_squeeze %dma_wait3A_2197 : memref<1x80xf32, #tpu.memory_space<vmem>> -> memref<80xf32, #tpu.memory_space<vmem>>
        tpu.wait_dma2 semaphore(%arg19 : memref<!tpu.dma_semaphore, #tpu.memory_space<semaphore_mem>>) src(%dma_wait3A_2198 : memref<80xf32, #tpu.memory_space<vmem>>) dst(%dma_wait3A_2195 : memref<80xf32, #tpu.memory_space<hbm>>)
      } else {
      }
      %parallel_loop3A_1514 = arith.constant 0 : i32
      %parallel_loop3A_1515 = arith.constant 80 : i32
      %parallel_loop3A_1516 = arith.constant 1 : i32
      %parallel_loop3A_1517 = arith.constant 1 : i32
      %parallel_loop3A_1518 = arith.constant 1 : i32
      scf.for %parallel_loop3A_2190 = %parallel_loop3A_1514 to %parallel_loop3A_1515 step %parallel_loop3A_1516  : i32 {
        %parallel_loop3A_2191 = arith.constant 0 : i32
        %parallel_loop3A_2192 = arith.constant 0 : i32
        %parallel_loop3A_2193 = tpu.memref_slice %arg8[%parallel_loop3A_1517, %parallel_loop3A_2191, %parallel_loop3A_2192] : memref<2x80x64xi32, #tpu.memory_space<vmem>> -> memref<1x80x64xi32, #tpu.memory_space<vmem>>
        %parallel_loop3A_2194 = tpu.memref_squeeze %parallel_loop3A_2193 : memref<1x80x64xi32, #tpu.memory_space<vmem>> -> memref<80x64xi32, #tpu.memory_space<vmem>>
        %parallel_loop3A_2195 = arith.index_cast %parallel_loop3A_2190 : i32 to index
        %parallel_loop3A_2196 = arith.constant 0 : index
        %parallel_loop3A_2197 = tpu.vector_load %parallel_loop3A_2194[%parallel_loop3A_2195, %parallel_loop3A_2196] {strides = array<i32>} : memref<80x64xi32, #tpu.memory_space<vmem>>, vector<16xi32>,
        %parallel_loop3A_2198 = vector.bitcast %parallel_loop3A_2197 : vector<16xi32> to vector<32xbf16>
        %parallel_loop3A_2199 = arith.constant 0 : i32
        %parallel_loop3A_2200 = arith.constant 0 : i32
        %parallel_loop3A_2201 = tpu.memref_slice %arg9[%parallel_loop3A_1518, %parallel_loop3A_2199, %parallel_loop3A_2200] : memref<2x80x64xi32, #tpu.memory_space<vmem>> -> memref<1x80x64xi32, #tpu.memory_space<vmem>>
        %parallel_loop3A_2202 = tpu.memref_squeeze %parallel_loop3A_2201 : memref<1x80x64xi32, #tpu.memory_space<vmem>> -> memref<80x64xi32, #tpu.memory_space<vmem>>
        %parallel_loop3A_2203 = arith.index_cast %parallel_loop3A_2190 : i32 to index
        %parallel_loop3A_2204 = arith.constant 0 : index
        %parallel_loop3A_2205 = tpu.vector_load %parallel_loop3A_2202[%parallel_loop3A_2203, %parallel_loop3A_2204] {strides = array<i32>} : memref<80x64xi32, #tpu.memory_space<vmem>>, vector<16xi32>,
        %parallel_loop3A_2206 = vector.bitcast %parallel_loop3A_2205 : vector<16xi32> to vector<32xbf16>
        %parallel_loop3A_2207 = arith.mulf %parallel_loop3A_2198, %parallel_loop3A_2206 : vector<32xbf16>
        %parallel_loop3A_2208 = arith.constant 0 : i32
        %parallel_loop3A_2209 = arith.constant 0 : i32
        %parallel_loop3A_2210 = tpu.memref_slice %arg8[%parallel_loop3A_1517, %parallel_loop3A_2208, %parallel_loop3A_2209] : memref<2x80x64xi32, #tpu.memory_space<vmem>> -> memref<1x80x64xi32, #tpu.memory_space<vmem>>
        %parallel_loop3A_2211 = tpu.memref_squeeze %parallel_loop3A_2210 : memref<1x80x64xi32, #tpu.memory_space<vmem>> -> memref<80x64xi32, #tpu.memory_space<vmem>>
        %parallel_loop3A_2212 = arith.index_cast %parallel_loop3A_2190 : i32 to index
        %parallel_loop3A_2213 = arith.constant 16 : index
        %parallel_loop3A_2214 = tpu.vector_load %parallel_loop3A_2211[%parallel_loop3A_2212, %parallel_loop3A_2213] {strides = array<i32>} : memref<80x64xi32, #tpu.memory_space<vmem>>, vector<16xi32>,
        %parallel_loop3A_2215 = vector.bitcast %parallel_loop3A_2214 : vector<16xi32> to vector<32xbf16>
        %parallel_loop3A_2216 = arith.constant 0 : i32
        %parallel_loop3A_2217 = arith.constant 0 : i32
        %parallel_loop3A_2218 = tpu.memref_slice %arg9[%parallel_loop3A_1518, %parallel_loop3A_2216, %parallel_loop3A_2217] : memref<2x80x64xi32, #tpu.memory_space<vmem>> -> memref<1x80x64xi32, #tpu.memory_space<vmem>>
        %parallel_loop3A_2219 = tpu.memref_squeeze %parallel_loop3A_2218 : memref<1x80x64xi32, #tpu.memory_space<vmem>> -> memref<80x64xi32, #tpu.memory_space<vmem>>
        %parallel_loop3A_2220 = arith.index_cast %parallel_loop3A_2190 : i32 to index
        %parallel_loop3A_2221 = arith.constant 16 : index
        %parallel_loop3A_2222 = tpu.vector_load %parallel_loop3A_2219[%parallel_loop3A_2220, %parallel_loop3A_2221] {strides = array<i32>} : memref<80x64xi32, #tpu.memory_space<vmem>>, vector<16xi32>,
        %parallel_loop3A_2223 = vector.bitcast %parallel_loop3A_2222 : vector<16xi32> to vector<32xbf16>
        %parallel_loop3A_2224 = arith.mulf %parallel_loop3A_2215, %parallel_loop3A_2223 : vector<32xbf16>
        %parallel_loop3A_2225 = arith.constant 0 : i32
        %parallel_loop3A_2226 = arith.constant 0 : i32
        %parallel_loop3A_2227 = tpu.memref_slice %arg8[%parallel_loop3A_1517, %parallel_loop3A_2225, %parallel_loop3A_2226] : memref<2x80x64xi32, #tpu.memory_space<vmem>> -> memref<1x80x64xi32, #tpu.memory_space<vmem>>
        %parallel_loop3A_2228 = tpu.memref_squeeze %parallel_loop3A_2227 : memref<1x80x64xi32, #tpu.memory_space<vmem>> -> memref<80x64xi32, #tpu.memory_space<vmem>>
        %parallel_loop3A_2229 = arith.index_cast %parallel_loop3A_2190 : i32 to index
        %parallel_loop3A_2230 = arith.constant 32 : index
        %parallel_loop3A_2231 = tpu.vector_load %parallel_loop3A_2228[%parallel_loop3A_2229, %parallel_loop3A_2230] {strides = array<i32>} : memref<80x64xi32, #tpu.memory_space<vmem>>, vector<16xi32>,
        %parallel_loop3A_2232 = vector.bitcast %parallel_loop3A_2231 : vector<16xi32> to vector<32xbf16>
        %parallel_loop3A_2233 = arith.constant 0 : i32
        %parallel_loop3A_2234 = arith.constant 0 : i32
        %parallel_loop3A_2235 = tpu.memref_slice %arg9[%parallel_loop3A_1518, %parallel_loop3A_2233, %parallel_loop3A_2234] : memref<2x80x64xi32, #tpu.memory_space<vmem>> -> memref<1x80x64xi32, #tpu.memory_space<vmem>>
        %parallel_loop3A_2236 = tpu.memref_squeeze %parallel_loop3A_2235 : memref<1x80x64xi32, #tpu.memory_space<vmem>> -> memref<80x64xi32, #tpu.memory_space<vmem>>
        %parallel_loop3A_2237 = arith.index_cast %parallel_loop3A_2190 : i32 to index
        %parallel_loop3A_2238 = arith.constant 32 : index
        %parallel_loop3A_2239 = tpu.vector_load %parallel_loop3A_2236[%parallel_loop3A_2237, %parallel_loop3A_2238] {strides = array<i32>} : memref<80x64xi32, #tpu.memory_space<vmem>>, vector<16xi32>,
        %parallel_loop3A_2240 = vector.bitcast %parallel_loop3A_2239 : vector<16xi32> to vector<32xbf16>
        %parallel_loop3A_2241 = arith.mulf %parallel_loop3A_2232, %parallel_loop3A_2240 : vector<32xbf16>
        %parallel_loop3A_2242 = arith.constant 0 : i32
        %parallel_loop3A_2243 = arith.constant 0 : i32
        %parallel_loop3A_2244 = tpu.memref_slice %arg8[%parallel_loop3A_1517, %parallel_loop3A_2242, %parallel_loop3A_2243] : memref<2x80x64xi32, #tpu.memory_space<vmem>> -> memref<1x80x64xi32, #tpu.memory_space<vmem>>
        %parallel_loop3A_2245 = tpu.memref_squeeze %parallel_loop3A_2244 : memref<1x80x64xi32, #tpu.memory_space<vmem>> -> memref<80x64xi32, #tpu.memory_space<vmem>>
        %parallel_loop3A_2246 = arith.index_cast %parallel_loop3A_2190 : i32 to index
        %parallel_loop3A_2247 = arith.constant 48 : index
        %parallel_loop3A_2248 = tpu.vector_load %parallel_loop3A_2245[%parallel_loop3A_2246, %parallel_loop3A_2247] {strides = array<i32>} : memref<80x64xi32, #tpu.memory_space<vmem>>, vector<16xi32>,
        %parallel_loop3A_2249 = vector.bitcast %parallel_loop3A_2248 : vector<16xi32> to vector<32xbf16>
        %parallel_loop3A_2250 = arith.constant 0 : i32
        %parallel_loop3A_2251 = arith.constant 0 : i32
        %parallel_loop3A_2252 = tpu.memref_slice %arg9[%parallel_loop3A_1518, %parallel_loop3A_2250, %parallel_loop3A_2251] : memref<2x80x64xi32, #tpu.memory_space<vmem>> -> memref<1x80x64xi32, #tpu.memory_space<vmem>>
        %parallel_loop3A_2253 = tpu.memref_squeeze %parallel_loop3A_2252 : memref<1x80x64xi32, #tpu.memory_space<vmem>> -> memref<80x64xi32, #tpu.memory_space<vmem>>
        %parallel_loop3A_2254 = arith.index_cast %parallel_loop3A_2190 : i32 to index
        %parallel_loop3A_2255 = arith.constant 48 : index
        %parallel_loop3A_2256 = tpu.vector_load %parallel_loop3A_2253[%parallel_loop3A_2254, %parallel_loop3A_2255] {strides = array<i32>} : memref<80x64xi32, #tpu.memory_space<vmem>>, vector<16xi32>,
        %parallel_loop3A_2257 = vector.bitcast %parallel_loop3A_2256 : vector<16xi32> to vector<32xbf16>
        %parallel_loop3A_2258 = arith.mulf %parallel_loop3A_2249, %parallel_loop3A_2257 : vector<32xbf16>
        %parallel_loop3A_2259 = arith.addf %parallel_loop3A_2207, %parallel_loop3A_2224 : vector<32xbf16>
        %parallel_loop3A_2260 = arith.addf %parallel_loop3A_2241, %parallel_loop3A_2258 : vector<32xbf16>
        %parallel_loop3A_2261 = arith.addf %parallel_loop3A_2259, %parallel_loop3A_2260 : vector<32xbf16>
        %parallel_loop3A_2262 = tpu.unpack_subelements %parallel_loop3A_2261, 0 {pack_format = #tpu.pack_format<interleaved>} : vector<32xbf16> -> vector<16xf32>
        %parallel_loop3A_2263 = tpu.unpack_subelements %parallel_loop3A_2261, 1 {pack_format = #tpu.pack_format<interleaved>} : vector<32xbf16> -> vector<16xf32>
        %parallel_loop3A_2264 = arith.constant 17 : i32
        %parallel_loop3A_2265 = arith.muli %parallel_loop3A_2190, %parallel_loop3A_2264 : i32
        %parallel_loop3A_2266 = vector.broadcast %parallel_loop3A_2265 : i32 to vector<16xi32>
        %parallel_loop3A_2267 = arith.addi %parallel_loop3A_2266, %iota3A : vector<16xi32>
        %parallel_loop3A_2268 = arith.addf %parallel_loop3A_2262, %parallel_loop3A_2263 : vector<16xf32>
        tpu.vector_store_idx %arg10[%parallel_loop3A_2267], %parallel_loop3A_2268 : memref<1360xf32, #tpu.memory_space<vmem>>[vector<16xi32>], vector<16xf32>,
      } {sc.loop_unroll_factor = 4 : i64, sc.parallel_access}
      %add3A_1519 = arith.constant 0 : i32
      %add3A_1520 = vector.broadcast %add3A_1519 : i32 to vector<16xi32>
      %add3A_1521 = arith.addi %add3A_1520, %iota3A : vector<16xi32>
      %mul3A_1522 = arith.constant 17 : i32
      %mul3A_1523 = vector.broadcast %mul3A_1522 : i32 to vector<16xi32>
      %mul3A_1524 = arith.muli %add3A_1521, %mul3A_1523 : vector<16xi32>
      %gather3A_1525 = tpu.vector_load_idx %arg10[%mul3A_1524] : memref<1360xf32, #tpu.memory_space<vmem>>[vector<16xi32>], vector<16xf32>,
      %mul3A_1526 = arith.constant 17 : i32
      %mul3A_1527 = vector.broadcast %mul3A_1526 : i32 to vector<16xi32>
      %mul3A_1528 = arith.muli %add3A_1521, %mul3A_1527 : vector<16xi32>
      %add3A_1529 = arith.constant 1 : i32
      %add3A_1530 = vector.broadcast %add3A_1529 : i32 to vector<16xi32>
      %add3A_1531 = arith.addi %mul3A_1528, %add3A_1530 : vector<16xi32>
      %gather3A_1532 = tpu.vector_load_idx %arg10[%add3A_1531] : memref<1360xf32, #tpu.memory_space<vmem>>[vector<16xi32>], vector<16xf32>,
      %add3A_1533 = arith.addf %gather3A_1525, %gather3A_1532 : vector<16xf32>
      %mul3A_1534 = arith.constant 17 : i32
      %mul3A_1535 = vector.broadcast %mul3A_1534 : i32 to vector<16xi32>
      %mul3A_1536 = arith.muli %add3A_1521, %mul3A_1535 : vector<16xi32>
      %add3A_1537 = arith.constant 2 : i32
      %add3A_1538 = vector.broadcast %add3A_1537 : i32 to vector<16xi32>
      %add3A_1539 = arith.addi %mul3A_1536, %add3A_1538 : vector<16xi32>
      %gather3A_1540 = tpu.vector_load_idx %arg10[%add3A_1539] : memref<1360xf32, #tpu.memory_space<vmem>>[vector<16xi32>], vector<16xf32>,
      %add3A_1541 = arith.addf %add3A_1533, %gather3A_1540 : vector<16xf32>
      %mul3A_1542 = arith.constant 17 : i32
      %mul3A_1543 = vector.broadcast %mul3A_1542 : i32 to vector<16xi32>
      %mul3A_1544 = arith.muli %add3A_1521, %mul3A_1543 : vector<16xi32>
      %add3A_1545 = arith.constant 3 : i32
      %add3A_1546 = vector.broadcast %add3A_1545 : i32 to vector<16xi32>
      %add3A_1547 = arith.addi %mul3A_1544, %add3A_1546 : vector<16xi32>
      %gather3A_1548 = tpu.vector_load_idx %arg10[%add3A_1547] : memref<1360xf32, #tpu.memory_space<vmem>>[vector<16xi32>], vector<16xf32>,
      %add3A_1549 = arith.addf %add3A_1541, %gather3A_1548 : vector<16xf32>
      %mul3A_1550 = arith.constant 17 : i32
      %mul3A_1551 = vector.broadcast %mul3A_1550 : i32 to vector<16xi32>
      %mul3A_1552 = arith.muli %add3A_1521, %mul3A_1551 : vector<16xi32>
      %add3A_1553 = arith.constant 4 : i32
      %add3A_1554 = vector.broadcast %add3A_1553 : i32 to vector<16xi32>
      %add3A_1555 = arith.addi %mul3A_1552, %add3A_1554 : vector<16xi32>
      %gather3A_1556 = tpu.vector_load_idx %arg10[%add3A_1555] : memref<1360xf32, #tpu.memory_space<vmem>>[vector<16xi32>], vector<16xf32>,
      %add3A_1557 = arith.addf %add3A_1549, %gather3A_1556 : vector<16xf32>
      %mul3A_1558 = arith.constant 17 : i32
      %mul3A_1559 = vector.broadcast %mul3A_1558 : i32 to vector<16xi32>
      %mul3A_1560 = arith.muli %add3A_1521, %mul3A_1559 : vector<16xi32>
      %add3A_1561 = arith.constant 5 : i32
      %add3A_1562 = vector.broadcast %add3A_1561 : i32 to vector<16xi32>
      %add3A_1563 = arith.addi %mul3A_1560, %add3A_1562 : vector<16xi32>
      %gather3A_1564 = tpu.vector_load_idx %arg10[%add3A_1563] : memref<1360xf32, #tpu.memory_space<vmem>>[vector<16xi32>], vector<16xf32>,
      %add3A_1565 = arith.addf %add3A_1557, %gather3A_1564 : vector<16xf32>
      %mul3A_1566 = arith.constant 17 : i32
      %mul3A_1567 = vector.broadcast %mul3A_1566 : i32 to vector<16xi32>
      %mul3A_1568 = arith.muli %add3A_1521, %mul3A_1567 : vector<16xi32>
      %add3A_1569 = arith.constant 6 : i32
      %add3A_1570 = vector.broadcast %add3A_1569 : i32 to vector<16xi32>
      %add3A_1571 = arith.addi %mul3A_1568, %add3A_1570 : vector<16xi32>
      %gather3A_1572 = tpu.vector_load_idx %arg10[%add3A_1571] : memref<1360xf32, #tpu.memory_space<vmem>>[vector<16xi32>], vector<16xf32>,
      %add3A_1573 = arith.addf %add3A_1565, %gather3A_1572 : vector<16xf32>
      %mul3A_1574 = arith.constant 17 : i32
      %mul3A_1575 = vector.broadcast %mul3A_1574 : i32 to vector<16xi32>
      %mul3A_1576 = arith.muli %add3A_1521, %mul3A_1575 : vector<16xi32>
      %add3A_1577 = arith.constant 7 : i32
      %add3A_1578 = vector.broadcast %add3A_1577 : i32 to vector<16xi32>
      %add3A_1579 = arith.addi %mul3A_1576, %add3A_1578 : vector<16xi32>
      %gather3A_1580 = tpu.vector_load_idx %arg10[%add3A_1579] : memref<1360xf32, #tpu.memory_space<vmem>>[vector<16xi32>], vector<16xf32>,
      %add3A_1581 = arith.addf %add3A_1573, %gather3A_1580 : vector<16xf32>
      %mul3A_1582 = arith.constant 17 : i32
      %mul3A_1583 = vector.broadcast %mul3A_1582 : i32 to vector<16xi32>
      %mul3A_1584 = arith.muli %add3A_1521, %mul3A_1583 : vector<16xi32>
      %add3A_1585 = arith.constant 8 : i32
      %add3A_1586 = vector.broadcast %add3A_1585 : i32 to vector<16xi32>
      %add3A_1587 = arith.addi %mul3A_1584, %add3A_1586 : vector<16xi32>
      %gather3A_1588 = tpu.vector_load_idx %arg10[%add3A_1587] : memref<1360xf32, #tpu.memory_space<vmem>>[vector<16xi32>], vector<16xf32>,
      %add3A_1589 = arith.addf %add3A_1581, %gather3A_1588 : vector<16xf32>
      %mul3A_1590 = arith.constant 17 : i32
      %mul3A_1591 = vector.broadcast %mul3A_1590 : i32 to vector<16xi32>
      %mul3A_1592 = arith.muli %add3A_1521, %mul3A_1591 : vector<16xi32>
      %add3A_1593 = arith.constant 9 : i32
      %add3A_1594 = vector.broadcast %add3A_1593 : i32 to vector<16xi32>
      %add3A_1595 = arith.addi %mul3A_1592, %add3A_1594 : vector<16xi32>
      %gather3A_1596 = tpu.vector_load_idx %arg10[%add3A_1595] : memref<1360xf32, #tpu.memory_space<vmem>>[vector<16xi32>], vector<16xf32>,
      %add3A_1597 = arith.addf %add3A_1589, %gather3A_1596 : vector<16xf32>
      %mul3A_1598 = arith.constant 17 : i32
      %mul3A_1599 = vector.broadcast %mul3A_1598 : i32 to vector<16xi32>
      %mul3A_1600 = arith.muli %add3A_1521, %mul3A_1599 : vector<16xi32>
      %add3A_1601 = arith.constant 10 : i32
      %add3A_1602 = vector.broadcast %add3A_1601 : i32 to vector<16xi32>
      %add3A_1603 = arith.addi %mul3A_1600, %add3A_1602 : vector<16xi32>
      %gather3A_1604 = tpu.vector_load_idx %arg10[%add3A_1603] : memref<1360xf32, #tpu.memory_space<vmem>>[vector<16xi32>], vector<16xf32>,
      %add3A_1605 = arith.addf %add3A_1597, %gather3A_1604 : vector<16xf32>
      %mul3A_1606 = arith.constant 17 : i32
      %mul3A_1607 = vector.broadcast %mul3A_1606 : i32 to vector<16xi32>
      %mul3A_1608 = arith.muli %add3A_1521, %mul3A_1607 : vector<16xi32>
      %add3A_1609 = arith.constant 11 : i32
      %add3A_1610 = vector.broadcast %add3A_1609 : i32 to vector<16xi32>
      %add3A_1611 = arith.addi %mul3A_1608, %add3A_1610 : vector<16xi32>
      %gather3A_1612 = tpu.vector_load_idx %arg10[%add3A_1611] : memref<1360xf32, #tpu.memory_space<vmem>>[vector<16xi32>], vector<16xf32>,
      %add3A_1613 = arith.addf %add3A_1605, %gather3A_1612 : vector<16xf32>
      %mul3A_1614 = arith.constant 17 : i32
      %mul3A_1615 = vector.broadcast %mul3A_1614 : i32 to vector<16xi32>
      %mul3A_1616 = arith.muli %add3A_1521, %mul3A_1615 : vector<16xi32>
      %add3A_1617 = arith.constant 12 : i32
      %add3A_1618 = vector.broadcast %add3A_1617 : i32 to vector<16xi32>
      %add3A_1619 = arith.addi %mul3A_1616, %add3A_1618 : vector<16xi32>
      %gather3A_1620 = tpu.vector_load_idx %arg10[%add3A_1619] : memref<1360xf32, #tpu.memory_space<vmem>>[vector<16xi32>], vector<16xf32>,
      %add3A_1621 = arith.addf %add3A_1613, %gather3A_1620 : vector<16xf32>
      %mul3A_1622 = arith.constant 17 : i32
      %mul3A_1623 = vector.broadcast %mul3A_1622 : i32 to vector<16xi32>
      %mul3A_1624 = arith.muli %add3A_1521, %mul3A_1623 : vector<16xi32>
      %add3A_1625 = arith.constant 13 : i32
      %add3A_1626 = vector.broadcast %add3A_1625 : i32 to vector<16xi32>
      %add3A_1627 = arith.addi %mul3A_1624, %add3A_1626 : vector<16xi32>
      %gather3A_1628 = tpu.vector_load_idx %arg10[%add3A_1627] : memref<1360xf32, #tpu.memory_space<vmem>>[vector<16xi32>], vector<16xf32>,
      %add3A_1629 = arith.addf %add3A_1621, %gather3A_1628 : vector<16xf32>
      %mul3A_1630 = arith.constant 17 : i32
      %mul3A_1631 = vector.broadcast %mul3A_1630 : i32 to vector<16xi32>
      %mul3A_1632 = arith.muli %add3A_1521, %mul3A_1631 : vector<16xi32>
      %add3A_1633 = arith.constant 14 : i32
      %add3A_1634 = vector.broadcast %add3A_1633 : i32 to vector<16xi32>
      %add3A_1635 = arith.addi %mul3A_1632, %add3A_1634 : vector<16xi32>
      %gather3A_1636 = tpu.vector_load_idx %arg10[%add3A_1635] : memref<1360xf32, #tpu.memory_space<vmem>>[vector<16xi32>], vector<16xf32>,
      %add3A_1637 = arith.addf %add3A_1629, %gather3A_1636 : vector<16xf32>
      %mul3A_1638 = arith.constant 17 : i32
      %mul3A_1639 = vector.broadcast %mul3A_1638 : i32 to vector<16xi32>
      %mul3A_1640 = arith.muli %add3A_1521, %mul3A_1639 : vector<16xi32>
      %add3A_1641 = arith.constant 15 : i32
      %add3A_1642 = vector.broadcast %add3A_1641 : i32 to vector<16xi32>
      %add3A_1643 = arith.addi %mul3A_1640, %add3A_1642 : vector<16xi32>
      %gather3A_1644 = tpu.vector_load_idx %arg10[%add3A_1643] : memref<1360xf32, #tpu.memory_space<vmem>>[vector<16xi32>], vector<16xf32>,
      %add3A_1645 = arith.addf %add3A_1637, %gather3A_1644 : vector<16xf32>
      %swap3A_1646 = arith.constant 1 : i32
      %swap3A_1647 = arith.index_cast %swap3A_1646 : i32 to index
      %swap3A_1648 = arith.constant 0 : index
      %swap3A_1649 = tpu.vector_load %arg11[%swap3A_1647, %swap3A_1648] {strides = array<i32>} : memref<2x80xf32, #tpu.memory_space<vmem>>, vector<16xf32>,
      tpu.vector_store %arg11[%swap3A_1647, %swap3A_1648], %add3A_1645 {strides = array<i32>} : memref<2x80xf32, #tpu.memory_space<vmem>>, vector<16xf32>,
      %add3A_1650 = arith.constant 16 : i32
      %add3A_1651 = vector.broadcast %add3A_1650 : i32 to vector<16xi32>
      %add3A_1652 = arith.addi %add3A_1651, %iota3A : vector<16xi32>
      %mul3A_1653 = arith.constant 17 : i32
      %mul3A_1654 = vector.broadcast %mul3A_1653 : i32 to vector<16xi32>
      %mul3A_1655 = arith.muli %add3A_1652, %mul3A_1654 : vector<16xi32>
      %gather3A_1656 = tpu.vector_load_idx %arg10[%mul3A_1655] : memref<1360xf32, #tpu.memory_space<vmem>>[vector<16xi32>], vector<16xf32>,
      %mul3A_1657 = arith.constant 17 : i32
      %mul3A_1658 = vector.broadcast %mul3A_1657 : i32 to vector<16xi32>
      %mul3A_1659 = arith.muli %add3A_1652, %mul3A_1658 : vector<16xi32>
      %add3A_1660 = arith.constant 1 : i32
      %add3A_1661 = vector.broadcast %add3A_1660 : i32 to vector<16xi32>
      %add3A_1662 = arith.addi %mul3A_1659, %add3A_1661 : vector<16xi32>
      %gather3A_1663 = tpu.vector_load_idx %arg10[%add3A_1662] : memref<1360xf32, #tpu.memory_space<vmem>>[vector<16xi32>], vector<16xf32>,
      %add3A_1664 = arith.addf %gather3A_1656, %gather3A_1663 : vector<16xf32>
      %mul3A_1665 = arith.constant 17 : i32
      %mul3A_1666 = vector.broadcast %mul3A_1665 : i32 to vector<16xi32>
      %mul3A_1667 = arith.muli %add3A_1652, %mul3A_1666 : vector<16xi32>
      %add3A_1668 = arith.constant 2 : i32
      %add3A_1669 = vector.broadcast %add3A_1668 : i32 to vector<16xi32>
      %add3A_1670 = arith.addi %mul3A_1667, %add3A_1669 : vector<16xi32>
      %gather3A_1671 = tpu.vector_load_idx %arg10[%add3A_1670] : memref<1360xf32, #tpu.memory_space<vmem>>[vector<16xi32>], vector<16xf32>,
      %add3A_1672 = arith.addf %add3A_1664, %gather3A_1671 : vector<16xf32>
      %mul3A_1673 = arith.constant 17 : i32
      %mul3A_1674 = vector.broadcast %mul3A_1673 : i32 to vector<16xi32>
      %mul3A_1675 = arith.muli %add3A_1652, %mul3A_1674 : vector<16xi32>
      %add3A_1676 = arith.constant 3 : i32
      %add3A_1677 = vector.broadcast %add3A_1676 : i32 to vector<16xi32>
      %add3A_1678 = arith.addi %mul3A_1675, %add3A_1677 : vector<16xi32>
      %gather3A_1679 = tpu.vector_load_idx %arg10[%add3A_1678] : memref<1360xf32, #tpu.memory_space<vmem>>[vector<16xi32>], vector<16xf32>,
      %add3A_1680 = arith.addf %add3A_1672, %gather3A_1679 : vector<16xf32>
      %mul3A_1681 = arith.constant 17 : i32
      %mul3A_1682 = vector.broadcast %mul3A_1681 : i32 to vector<16xi32>
      %mul3A_1683 = arith.muli %add3A_1652, %mul3A_1682 : vector<16xi32>
      %add3A_1684 = arith.constant 4 : i32
      %add3A_1685 = vector.broadcast %add3A_1684 : i32 to vector<16xi32>
      %add3A_1686 = arith.addi %mul3A_1683, %add3A_1685 : vector<16xi32>
      %gather3A_1687 = tpu.vector_load_idx %arg10[%add3A_1686] : memref<1360xf32, #tpu.memory_space<vmem>>[vector<16xi32>], vector<16xf32>,
      %add3A_1688 = arith.addf %add3A_1680, %gather3A_1687 : vector<16xf32>
      %mul3A_1689 = arith.constant 17 : i32
      %mul3A_1690 = vector.broadcast %mul3A_1689 : i32 to vector<16xi32>
      %mul3A_1691 = arith.muli %add3A_1652, %mul3A_1690 : vector<16xi32>
      %add3A_1692 = arith.constant 5 : i32
      %add3A_1693 = vector.broadcast %add3A_1692 : i32 to vector<16xi32>
      %add3A_1694 = arith.addi %mul3A_1691, %add3A_1693 : vector<16xi32>
      %gather3A_1695 = tpu.vector_load_idx %arg10[%add3A_1694] : memref<1360xf32, #tpu.memory_space<vmem>>[vector<16xi32>], vector<16xf32>,
      %add3A_1696 = arith.addf %add3A_1688, %gather3A_1695 : vector<16xf32>
      %mul3A_1697 = arith.constant 17 : i32
      %mul3A_1698 = vector.broadcast %mul3A_1697 : i32 to vector<16xi32>
      %mul3A_1699 = arith.muli %add3A_1652, %mul3A_1698 : vector<16xi32>
      %add3A_1700 = arith.constant 6 : i32
      %add3A_1701 = vector.broadcast %add3A_1700 : i32 to vector<16xi32>
      %add3A_1702 = arith.addi %mul3A_1699, %add3A_1701 : vector<16xi32>
      %gather3A_1703 = tpu.vector_load_idx %arg10[%add3A_1702] : memref<1360xf32, #tpu.memory_space<vmem>>[vector<16xi32>], vector<16xf32>,
      %add3A_1704 = arith.addf %add3A_1696, %gather3A_1703 : vector<16xf32>
      %mul3A_1705 = arith.constant 17 : i32
      %mul3A_1706 = vector.broadcast %mul3A_1705 : i32 to vector<16xi32>
      %mul3A_1707 = arith.muli %add3A_1652, %mul3A_1706 : vector<16xi32>
      %add3A_1708 = arith.constant 7 : i32
      %add3A_1709 = vector.broadcast %add3A_1708 : i32 to vector<16xi32>
      %add3A_1710 = arith.addi %mul3A_1707, %add3A_1709 : vector<16xi32>
      %gather3A_1711 = tpu.vector_load_idx %arg10[%add3A_1710] : memref<1360xf32, #tpu.memory_space<vmem>>[vector<16xi32>], vector<16xf32>,
      %add3A_1712 = arith.addf %add3A_1704, %gather3A_1711 : vector<16xf32>
      %mul3A_1713 = arith.constant 17 : i32
      %mul3A_1714 = vector.broadcast %mul3A_1713 : i32 to vector<16xi32>
      %mul3A_1715 = arith.muli %add3A_1652, %mul3A_1714 : vector<16xi32>
      %add3A_1716 = arith.constant 8 : i32
      %add3A_1717 = vector.broadcast %add3A_1716 : i32 to vector<16xi32>
      %add3A_1718 = arith.addi %mul3A_1715, %add3A_1717 : vector<16xi32>
      %gather3A_1719 = tpu.vector_load_idx %arg10[%add3A_1718] : memref<1360xf32, #tpu.memory_space<vmem>>[vector<16xi32>], vector<16xf32>,
      %add3A_1720 = arith.addf %add3A_1712, %gather3A_1719 : vector<16xf32>
      %mul3A_1721 = arith.constant 17 : i32
      %mul3A_1722 = vector.broadcast %mul3A_1721 : i32 to vector<16xi32>
      %mul3A_1723 = arith.muli %add3A_1652, %mul3A_1722 : vector<16xi32>
      %add3A_1724 = arith.constant 9 : i32
      %add3A_1725 = vector.broadcast %add3A_1724 : i32 to vector<16xi32>
      %add3A_1726 = arith.addi %mul3A_1723, %add3A_1725 : vector<16xi32>
      %gather3A_1727 = tpu.vector_load_idx %arg10[%add3A_1726] : memref<1360xf32, #tpu.memory_space<vmem>>[vector<16xi32>], vector<16xf32>,
      %add3A_1728 = arith.addf %add3A_1720, %gather3A_1727 : vector<16xf32>
      %mul3A_1729 = arith.constant 17 : i32
      %mul3A_1730 = vector.broadcast %mul3A_1729 : i32 to vector<16xi32>
      %mul3A_1731 = arith.muli %add3A_1652, %mul3A_1730 : vector<16xi32>
      %add3A_1732 = arith.constant 10 : i32
      %add3A_1733 = vector.broadcast %add3A_1732 : i32 to vector<16xi32>
      %add3A_1734 = arith.addi %mul3A_1731, %add3A_1733 : vector<16xi32>
      %gather3A_1735 = tpu.vector_load_idx %arg10[%add3A_1734] : memref<1360xf32, #tpu.memory_space<vmem>>[vector<16xi32>], vector<16xf32>,
      %add3A_1736 = arith.addf %add3A_1728, %gather3A_1735 : vector<16xf32>
      %mul3A_1737 = arith.constant 17 : i32
      %mul3A_1738 = vector.broadcast %mul3A_1737 : i32 to vector<16xi32>
      %mul3A_1739 = arith.muli %add3A_1652, %mul3A_1738 : vector<16xi32>
      %add3A_1740 = arith.constant 11 : i32
      %add3A_1741 = vector.broadcast %add3A_1740 : i32 to vector<16xi32>
      %add3A_1742 = arith.addi %mul3A_1739, %add3A_1741 : vector<16xi32>
      %gather3A_1743 = tpu.vector_load_idx %arg10[%add3A_1742] : memref<1360xf32, #tpu.memory_space<vmem>>[vector<16xi32>], vector<16xf32>,
      %add3A_1744 = arith.addf %add3A_1736, %gather3A_1743 : vector<16xf32>
      %mul3A_1745 = arith.constant 17 : i32
      %mul3A_1746 = vector.broadcast %mul3A_1745 : i32 to vector<16xi32>
      %mul3A_1747 = arith.muli %add3A_1652, %mul3A_1746 : vector<16xi32>
      %add3A_1748 = arith.constant 12 : i32
      %add3A_1749 = vector.broadcast %add3A_1748 : i32 to vector<16xi32>
      %add3A_1750 = arith.addi %mul3A_1747, %add3A_1749 : vector<16xi32>
      %gather3A_1751 = tpu.vector_load_idx %arg10[%add3A_1750] : memref<1360xf32, #tpu.memory_space<vmem>>[vector<16xi32>], vector<16xf32>,
      %add3A_1752 = arith.addf %add3A_1744, %gather3A_1751 : vector<16xf32>
      %mul3A_1753 = arith.constant 17 : i32
      %mul3A_1754 = vector.broadcast %mul3A_1753 : i32 to vector<16xi32>
      %mul3A_1755 = arith.muli %add3A_1652, %mul3A_1754 : vector<16xi32>
      %add3A_1756 = arith.constant 13 : i32
      %add3A_1757 = vector.broadcast %add3A_1756 : i32 to vector<16xi32>
      %add3A_1758 = arith.addi %mul3A_1755, %add3A_1757 : vector<16xi32>
      %gather3A_1759 = tpu.vector_load_idx %arg10[%add3A_1758] : memref<1360xf32, #tpu.memory_space<vmem>>[vector<16xi32>], vector<16xf32>,
      %add3A_1760 = arith.addf %add3A_1752, %gather3A_1759 : vector<16xf32>
      %mul3A_1761 = arith.constant 17 : i32
      %mul3A_1762 = vector.broadcast %mul3A_1761 : i32 to vector<16xi32>
      %mul3A_1763 = arith.muli %add3A_1652, %mul3A_1762 : vector<16xi32>
      %add3A_1764 = arith.constant 14 : i32
      %add3A_1765 = vector.broadcast %add3A_1764 : i32 to vector<16xi32>
      %add3A_1766 = arith.addi %mul3A_1763, %add3A_1765 : vector<16xi32>
      %gather3A_1767 = tpu.vector_load_idx %arg10[%add3A_1766] : memref<1360xf32, #tpu.memory_space<vmem>>[vector<16xi32>], vector<16xf32>,
      %add3A_1768 = arith.addf %add3A_1760, %gather3A_1767 : vector<16xf32>
      %mul3A_1769 = arith.constant 17 : i32
      %mul3A_1770 = vector.broadcast %mul3A_1769 : i32 to vector<16xi32>
      %mul3A_1771 = arith.muli %add3A_1652, %mul3A_1770 : vector<16xi32>
      %add3A_1772 = arith.constant 15 : i32
      %add3A_1773 = vector.broadcast %add3A_1772 : i32 to vector<16xi32>
      %add3A_1774 = arith.addi %mul3A_1771, %add3A_1773 : vector<16xi32>
      %gather3A_1775 = tpu.vector_load_idx %arg10[%add3A_1774] : memref<1360xf32, #tpu.memory_space<vmem>>[vector<16xi32>], vector<16xf32>,
      %add3A_1776 = arith.addf %add3A_1768, %gather3A_1775 : vector<16xf32>
      %swap3A_1777 = arith.constant 1 : i32
      %swap3A_1778 = arith.index_cast %swap3A_1777 : i32 to index
      %swap3A_1779 = arith.constant 16 : index
      %swap3A_1780 = tpu.vector_load %arg11[%swap3A_1778, %swap3A_1779] {strides = array<i32>} : memref<2x80xf32, #tpu.memory_space<vmem>>, vector<16xf32>,
      tpu.vector_store %arg11[%swap3A_1778, %swap3A_1779], %add3A_1776 {strides = array<i32>} : memref<2x80xf32, #tpu.memory_space<vmem>>, vector<16xf32>,
      %add3A_1781 = arith.constant 32 : i32
      %add3A_1782 = vector.broadcast %add3A_1781 : i32 to vector<16xi32>
      %add3A_1783 = arith.addi %add3A_1782, %iota3A : vector<16xi32>
      %mul3A_1784 = arith.constant 17 : i32
      %mul3A_1785 = vector.broadcast %mul3A_1784 : i32 to vector<16xi32>
      %mul3A_1786 = arith.muli %add3A_1783, %mul3A_1785 : vector<16xi32>
      %gather3A_1787 = tpu.vector_load_idx %arg10[%mul3A_1786] : memref<1360xf32, #tpu.memory_space<vmem>>[vector<16xi32>], vector<16xf32>,
      %mul3A_1788 = arith.constant 17 : i32
      %mul3A_1789 = vector.broadcast %mul3A_1788 : i32 to vector<16xi32>
      %mul3A_1790 = arith.muli %add3A_1783, %mul3A_1789 : vector<16xi32>
      %add3A_1791 = arith.constant 1 : i32
      %add3A_1792 = vector.broadcast %add3A_1791 : i32 to vector<16xi32>
      %add3A_1793 = arith.addi %mul3A_1790, %add3A_1792 : vector<16xi32>
      %gather3A_1794 = tpu.vector_load_idx %arg10[%add3A_1793] : memref<1360xf32, #tpu.memory_space<vmem>>[vector<16xi32>], vector<16xf32>,
      %add3A_1795 = arith.addf %gather3A_1787, %gather3A_1794 : vector<16xf32>
      %mul3A_1796 = arith.constant 17 : i32
      %mul3A_1797 = vector.broadcast %mul3A_1796 : i32 to vector<16xi32>
      %mul3A_1798 = arith.muli %add3A_1783, %mul3A_1797 : vector<16xi32>
      %add3A_1799 = arith.constant 2 : i32
      %add3A_1800 = vector.broadcast %add3A_1799 : i32 to vector<16xi32>
      %add3A_1801 = arith.addi %mul3A_1798, %add3A_1800 : vector<16xi32>
      %gather3A_1802 = tpu.vector_load_idx %arg10[%add3A_1801] : memref<1360xf32, #tpu.memory_space<vmem>>[vector<16xi32>], vector<16xf32>,
      %add3A_1803 = arith.addf %add3A_1795, %gather3A_1802 : vector<16xf32>
      %mul3A_1804 = arith.constant 17 : i32
      %mul3A_1805 = vector.broadcast %mul3A_1804 : i32 to vector<16xi32>
      %mul3A_1806 = arith.muli %add3A_1783, %mul3A_1805 : vector<16xi32>
      %add3A_1807 = arith.constant 3 : i32
      %add3A_1808 = vector.broadcast %add3A_1807 : i32 to vector<16xi32>
      %add3A_1809 = arith.addi %mul3A_1806, %add3A_1808 : vector<16xi32>
      %gather3A_1810 = tpu.vector_load_idx %arg10[%add3A_1809] : memref<1360xf32, #tpu.memory_space<vmem>>[vector<16xi32>], vector<16xf32>,
      %add3A_1811 = arith.addf %add3A_1803, %gather3A_1810 : vector<16xf32>
      %mul3A_1812 = arith.constant 17 : i32
      %mul3A_1813 = vector.broadcast %mul3A_1812 : i32 to vector<16xi32>
      %mul3A_1814 = arith.muli %add3A_1783, %mul3A_1813 : vector<16xi32>
      %add3A_1815 = arith.constant 4 : i32
      %add3A_1816 = vector.broadcast %add3A_1815 : i32 to vector<16xi32>
      %add3A_1817 = arith.addi %mul3A_1814, %add3A_1816 : vector<16xi32>
      %gather3A_1818 = tpu.vector_load_idx %arg10[%add3A_1817] : memref<1360xf32, #tpu.memory_space<vmem>>[vector<16xi32>], vector<16xf32>,
      %add3A_1819 = arith.addf %add3A_1811, %gather3A_1818 : vector<16xf32>
      %mul3A_1820 = arith.constant 17 : i32
      %mul3A_1821 = vector.broadcast %mul3A_1820 : i32 to vector<16xi32>
      %mul3A_1822 = arith.muli %add3A_1783, %mul3A_1821 : vector<16xi32>
      %add3A_1823 = arith.constant 5 : i32
      %add3A_1824 = vector.broadcast %add3A_1823 : i32 to vector<16xi32>
      %add3A_1825 = arith.addi %mul3A_1822, %add3A_1824 : vector<16xi32>
      %gather3A_1826 = tpu.vector_load_idx %arg10[%add3A_1825] : memref<1360xf32, #tpu.memory_space<vmem>>[vector<16xi32>], vector<16xf32>,
      %add3A_1827 = arith.addf %add3A_1819, %gather3A_1826 : vector<16xf32>
      %mul3A_1828 = arith.constant 17 : i32
      %mul3A_1829 = vector.broadcast %mul3A_1828 : i32 to vector<16xi32>
      %mul3A_1830 = arith.muli %add3A_1783, %mul3A_1829 : vector<16xi32>
      %add3A_1831 = arith.constant 6 : i32
      %add3A_1832 = vector.broadcast %add3A_1831 : i32 to vector<16xi32>
      %add3A_1833 = arith.addi %mul3A_1830, %add3A_1832 : vector<16xi32>
      %gather3A_1834 = tpu.vector_load_idx %arg10[%add3A_1833] : memref<1360xf32, #tpu.memory_space<vmem>>[vector<16xi32>], vector<16xf32>,
      %add3A_1835 = arith.addf %add3A_1827, %gather3A_1834 : vector<16xf32>
      %mul3A_1836 = arith.constant 17 : i32
      %mul3A_1837 = vector.broadcast %mul3A_1836 : i32 to vector<16xi32>
      %mul3A_1838 = arith.muli %add3A_1783, %mul3A_1837 : vector<16xi32>
      %add3A_1839 = arith.constant 7 : i32
      %add3A_1840 = vector.broadcast %add3A_1839 : i32 to vector<16xi32>
      %add3A_1841 = arith.addi %mul3A_1838, %add3A_1840 : vector<16xi32>
      %gather3A_1842 = tpu.vector_load_idx %arg10[%add3A_1841] : memref<1360xf32, #tpu.memory_space<vmem>>[vector<16xi32>], vector<16xf32>,
      %add3A_1843 = arith.addf %add3A_1835, %gather3A_1842 : vector<16xf32>
      %mul3A_1844 = arith.constant 17 : i32
      %mul3A_1845 = vector.broadcast %mul3A_1844 : i32 to vector<16xi32>
      %mul3A_1846 = arith.muli %add3A_1783, %mul3A_1845 : vector<16xi32>
      %add3A_1847 = arith.constant 8 : i32
      %add3A_1848 = vector.broadcast %add3A_1847 : i32 to vector<16xi32>
      %add3A_1849 = arith.addi %mul3A_1846, %add3A_1848 : vector<16xi32>
      %gather3A_1850 = tpu.vector_load_idx %arg10[%add3A_1849] : memref<1360xf32, #tpu.memory_space<vmem>>[vector<16xi32>], vector<16xf32>,
      %add3A_1851 = arith.addf %add3A_1843, %gather3A_1850 : vector<16xf32>
      %mul3A_1852 = arith.constant 17 : i32
      %mul3A_1853 = vector.broadcast %mul3A_1852 : i32 to vector<16xi32>
      %mul3A_1854 = arith.muli %add3A_1783, %mul3A_1853 : vector<16xi32>
      %add3A_1855 = arith.constant 9 : i32
      %add3A_1856 = vector.broadcast %add3A_1855 : i32 to vector<16xi32>
      %add3A_1857 = arith.addi %mul3A_1854, %add3A_1856 : vector<16xi32>
      %gather3A_1858 = tpu.vector_load_idx %arg10[%add3A_1857] : memref<1360xf32, #tpu.memory_space<vmem>>[vector<16xi32>], vector<16xf32>,
      %add3A_1859 = arith.addf %add3A_1851, %gather3A_1858 : vector<16xf32>
      %mul3A_1860 = arith.constant 17 : i32
      %mul3A_1861 = vector.broadcast %mul3A_1860 : i32 to vector<16xi32>
      %mul3A_1862 = arith.muli %add3A_1783, %mul3A_1861 : vector<16xi32>
      %add3A_1863 = arith.constant 10 : i32
      %add3A_1864 = vector.broadcast %add3A_1863 : i32 to vector<16xi32>
      %add3A_1865 = arith.addi %mul3A_1862, %add3A_1864 : vector<16xi32>
      %gather3A_1866 = tpu.vector_load_idx %arg10[%add3A_1865] : memref<1360xf32, #tpu.memory_space<vmem>>[vector<16xi32>], vector<16xf32>,
      %add3A_1867 = arith.addf %add3A_1859, %gather3A_1866 : vector<16xf32>
      %mul3A_1868 = arith.constant 17 : i32
      %mul3A_1869 = vector.broadcast %mul3A_1868 : i32 to vector<16xi32>
      %mul3A_1870 = arith.muli %add3A_1783, %mul3A_1869 : vector<16xi32>
      %add3A_1871 = arith.constant 11 : i32
      %add3A_1872 = vector.broadcast %add3A_1871 : i32 to vector<16xi32>
      %add3A_1873 = arith.addi %mul3A_1870, %add3A_1872 : vector<16xi32>
      %gather3A_1874 = tpu.vector_load_idx %arg10[%add3A_1873] : memref<1360xf32, #tpu.memory_space<vmem>>[vector<16xi32>], vector<16xf32>,
      %add3A_1875 = arith.addf %add3A_1867, %gather3A_1874 : vector<16xf32>
      %mul3A_1876 = arith.constant 17 : i32
      %mul3A_1877 = vector.broadcast %mul3A_1876 : i32 to vector<16xi32>
      %mul3A_1878 = arith.muli %add3A_1783, %mul3A_1877 : vector<16xi32>
      %add3A_1879 = arith.constant 12 : i32
      %add3A_1880 = vector.broadcast %add3A_1879 : i32 to vector<16xi32>
      %add3A_1881 = arith.addi %mul3A_1878, %add3A_1880 : vector<16xi32>
      %gather3A_1882 = tpu.vector_load_idx %arg10[%add3A_1881] : memref<1360xf32, #tpu.memory_space<vmem>>[vector<16xi32>], vector<16xf32>,
      %add3A_1883 = arith.addf %add3A_1875, %gather3A_1882 : vector<16xf32>
      %mul3A_1884 = arith.constant 17 : i32
      %mul3A_1885 = vector.broadcast %mul3A_1884 : i32 to vector<16xi32>
      %mul3A_1886 = arith.muli %add3A_1783, %mul3A_1885 : vector<16xi32>
      %add3A_1887 = arith.constant 13 : i32
      %add3A_1888 = vector.broadcast %add3A_1887 : i32 to vector<16xi32>
      %add3A_1889 = arith.addi %mul3A_1886, %add3A_1888 : vector<16xi32>
      %gather3A_1890 = tpu.vector_load_idx %arg10[%add3A_1889] : memref<1360xf32, #tpu.memory_space<vmem>>[vector<16xi32>], vector<16xf32>,
      %add3A_1891 = arith.addf %add3A_1883, %gather3A_1890 : vector<16xf32>
      %mul3A_1892 = arith.constant 17 : i32
      %mul3A_1893 = vector.broadcast %mul3A_1892 : i32 to vector<16xi32>
      %mul3A_1894 = arith.muli %add3A_1783, %mul3A_1893 : vector<16xi32>
      %add3A_1895 = arith.constant 14 : i32
      %add3A_1896 = vector.broadcast %add3A_1895 : i32 to vector<16xi32>
      %add3A_1897 = arith.addi %mul3A_1894, %add3A_1896 : vector<16xi32>
      %gather3A_1898 = tpu.vector_load_idx %arg10[%add3A_1897] : memref<1360xf32, #tpu.memory_space<vmem>>[vector<16xi32>], vector<16xf32>,
      %add3A_1899 = arith.addf %add3A_1891, %gather3A_1898 : vector<16xf32>
      %mul3A_1900 = arith.constant 17 : i32
      %mul3A_1901 = vector.broadcast %mul3A_1900 : i32 to vector<16xi32>
      %mul3A_1902 = arith.muli %add3A_1783, %mul3A_1901 : vector<16xi32>
      %add3A_1903 = arith.constant 15 : i32
      %add3A_1904 = vector.broadcast %add3A_1903 : i32 to vector<16xi32>
      %add3A_1905 = arith.addi %mul3A_1902, %add3A_1904 : vector<16xi32>
      %gather3A_1906 = tpu.vector_load_idx %arg10[%add3A_1905] : memref<1360xf32, #tpu.memory_space<vmem>>[vector<16xi32>], vector<16xf32>,
      %add3A_1907 = arith.addf %add3A_1899, %gather3A_1906 : vector<16xf32>
      %swap3A_1908 = arith.constant 1 : i32
      %swap3A_1909 = arith.index_cast %swap3A_1908 : i32 to index
      %swap3A_1910 = arith.constant 32 : index
      %swap3A_1911 = tpu.vector_load %arg11[%swap3A_1909, %swap3A_1910] {strides = array<i32>} : memref<2x80xf32, #tpu.memory_space<vmem>>, vector<16xf32>,
      tpu.vector_store %arg11[%swap3A_1909, %swap3A_1910], %add3A_1907 {strides = array<i32>} : memref<2x80xf32, #tpu.memory_space<vmem>>, vector<16xf32>,
      %add3A_1912 = arith.constant 48 : i32
      %add3A_1913 = vector.broadcast %add3A_1912 : i32 to vector<16xi32>
      %add3A_1914 = arith.addi %add3A_1913, %iota3A : vector<16xi32>
      %mul3A_1915 = arith.constant 17 : i32
      %mul3A_1916 = vector.broadcast %mul3A_1915 : i32 to vector<16xi32>
      %mul3A_1917 = arith.muli %add3A_1914, %mul3A_1916 : vector<16xi32>
      %gather3A_1918 = tpu.vector_load_idx %arg10[%mul3A_1917] : memref<1360xf32, #tpu.memory_space<vmem>>[vector<16xi32>], vector<16xf32>,
      %mul3A_1919 = arith.constant 17 : i32
      %mul3A_1920 = vector.broadcast %mul3A_1919 : i32 to vector<16xi32>
      %mul3A_1921 = arith.muli %add3A_1914, %mul3A_1920 : vector<16xi32>
      %add3A_1922 = arith.constant 1 : i32
      %add3A_1923 = vector.broadcast %add3A_1922 : i32 to vector<16xi32>
      %add3A_1924 = arith.addi %mul3A_1921, %add3A_1923 : vector<16xi32>
      %gather3A_1925 = tpu.vector_load_idx %arg10[%add3A_1924] : memref<1360xf32, #tpu.memory_space<vmem>>[vector<16xi32>], vector<16xf32>,
      %add3A_1926 = arith.addf %gather3A_1918, %gather3A_1925 : vector<16xf32>
      %mul3A_1927 = arith.constant 17 : i32
      %mul3A_1928 = vector.broadcast %mul3A_1927 : i32 to vector<16xi32>
      %mul3A_1929 = arith.muli %add3A_1914, %mul3A_1928 : vector<16xi32>
      %add3A_1930 = arith.constant 2 : i32
      %add3A_1931 = vector.broadcast %add3A_1930 : i32 to vector<16xi32>
      %add3A_1932 = arith.addi %mul3A_1929, %add3A_1931 : vector<16xi32>
      %gather3A_1933 = tpu.vector_load_idx %arg10[%add3A_1932] : memref<1360xf32, #tpu.memory_space<vmem>>[vector<16xi32>], vector<16xf32>,
      %add3A_1934 = arith.addf %add3A_1926, %gather3A_1933 : vector<16xf32>
      %mul3A_1935 = arith.constant 17 : i32
      %mul3A_1936 = vector.broadcast %mul3A_1935 : i32 to vector<16xi32>
      %mul3A_1937 = arith.muli %add3A_1914, %mul3A_1936 : vector<16xi32>
      %add3A_1938 = arith.constant 3 : i32
      %add3A_1939 = vector.broadcast %add3A_1938 : i32 to vector<16xi32>
      %add3A_1940 = arith.addi %mul3A_1937, %add3A_1939 : vector<16xi32>
      %gather3A_1941 = tpu.vector_load_idx %arg10[%add3A_1940] : memref<1360xf32, #tpu.memory_space<vmem>>[vector<16xi32>], vector<16xf32>,
      %add3A_1942 = arith.addf %add3A_1934, %gather3A_1941 : vector<16xf32>
      %mul3A_1943 = arith.constant 17 : i32
      %mul3A_1944 = vector.broadcast %mul3A_1943 : i32 to vector<16xi32>
      %mul3A_1945 = arith.muli %add3A_1914, %mul3A_1944 : vector<16xi32>
      %add3A_1946 = arith.constant 4 : i32
      %add3A_1947 = vector.broadcast %add3A_1946 : i32 to vector<16xi32>
      %add3A_1948 = arith.addi %mul3A_1945, %add3A_1947 : vector<16xi32>
      %gather3A_1949 = tpu.vector_load_idx %arg10[%add3A_1948] : memref<1360xf32, #tpu.memory_space<vmem>>[vector<16xi32>], vector<16xf32>,
      %add3A_1950 = arith.addf %add3A_1942, %gather3A_1949 : vector<16xf32>
      %mul3A_1951 = arith.constant 17 : i32
      %mul3A_1952 = vector.broadcast %mul3A_1951 : i32 to vector<16xi32>
      %mul3A_1953 = arith.muli %add3A_1914, %mul3A_1952 : vector<16xi32>
      %add3A_1954 = arith.constant 5 : i32
      %add3A_1955 = vector.broadcast %add3A_1954 : i32 to vector<16xi32>
      %add3A_1956 = arith.addi %mul3A_1953, %add3A_1955 : vector<16xi32>
      %gather3A_1957 = tpu.vector_load_idx %arg10[%add3A_1956] : memref<1360xf32, #tpu.memory_space<vmem>>[vector<16xi32>], vector<16xf32>,
      %add3A_1958 = arith.addf %add3A_1950, %gather3A_1957 : vector<16xf32>
      %mul3A_1959 = arith.constant 17 : i32
      %mul3A_1960 = vector.broadcast %mul3A_1959 : i32 to vector<16xi32>
      %mul3A_1961 = arith.muli %add3A_1914, %mul3A_1960 : vector<16xi32>
      %add3A_1962 = arith.constant 6 : i32
      %add3A_1963 = vector.broadcast %add3A_1962 : i32 to vector<16xi32>
      %add3A_1964 = arith.addi %mul3A_1961, %add3A_1963 : vector<16xi32>
      %gather3A_1965 = tpu.vector_load_idx %arg10[%add3A_1964] : memref<1360xf32, #tpu.memory_space<vmem>>[vector<16xi32>], vector<16xf32>,
      %add3A_1966 = arith.addf %add3A_1958, %gather3A_1965 : vector<16xf32>
      %mul3A_1967 = arith.constant 17 : i32
      %mul3A_1968 = vector.broadcast %mul3A_1967 : i32 to vector<16xi32>
      %mul3A_1969 = arith.muli %add3A_1914, %mul3A_1968 : vector<16xi32>
      %add3A_1970 = arith.constant 7 : i32
      %add3A_1971 = vector.broadcast %add3A_1970 : i32 to vector<16xi32>
      %add3A_1972 = arith.addi %mul3A_1969, %add3A_1971 : vector<16xi32>
      %gather3A_1973 = tpu.vector_load_idx %arg10[%add3A_1972] : memref<1360xf32, #tpu.memory_space<vmem>>[vector<16xi32>], vector<16xf32>,
      %add3A_1974 = arith.addf %add3A_1966, %gather3A_1973 : vector<16xf32>
      %mul3A_1975 = arith.constant 17 : i32
      %mul3A_1976 = vector.broadcast %mul3A_1975 : i32 to vector<16xi32>
      %mul3A_1977 = arith.muli %add3A_1914, %mul3A_1976 : vector<16xi32>
      %add3A_1978 = arith.constant 8 : i32
      %add3A_1979 = vector.broadcast %add3A_1978 : i32 to vector<16xi32>
      %add3A_1980 = arith.addi %mul3A_1977, %add3A_1979 : vector<16xi32>
      %gather3A_1981 = tpu.vector_load_idx %arg10[%add3A_1980] : memref<1360xf32, #tpu.memory_space<vmem>>[vector<16xi32>], vector<16xf32>,
      %add3A_1982 = arith.addf %add3A_1974, %gather3A_1981 : vector<16xf32>
      %mul3A_1983 = arith.constant 17 : i32
      %mul3A_1984 = vector.broadcast %mul3A_1983 : i32 to vector<16xi32>
      %mul3A_1985 = arith.muli %add3A_1914, %mul3A_1984 : vector<16xi32>
      %add3A_1986 = arith.constant 9 : i32
      %add3A_1987 = vector.broadcast %add3A_1986 : i32 to vector<16xi32>
      %add3A_1988 = arith.addi %mul3A_1985, %add3A_1987 : vector<16xi32>
      %gather3A_1989 = tpu.vector_load_idx %arg10[%add3A_1988] : memref<1360xf32, #tpu.memory_space<vmem>>[vector<16xi32>], vector<16xf32>,
      %add3A_1990 = arith.addf %add3A_1982, %gather3A_1989 : vector<16xf32>
      %mul3A_1991 = arith.constant 17 : i32
      %mul3A_1992 = vector.broadcast %mul3A_1991 : i32 to vector<16xi32>
      %mul3A_1993 = arith.muli %add3A_1914, %mul3A_1992 : vector<16xi32>
      %add3A_1994 = arith.constant 10 : i32
      %add3A_1995 = vector.broadcast %add3A_1994 : i32 to vector<16xi32>
      %add3A_1996 = arith.addi %mul3A_1993, %add3A_1995 : vector<16xi32>
      %gather3A_1997 = tpu.vector_load_idx %arg10[%add3A_1996] : memref<1360xf32, #tpu.memory_space<vmem>>[vector<16xi32>], vector<16xf32>,
      %add3A_1998 = arith.addf %add3A_1990, %gather3A_1997 : vector<16xf32>
      %mul3A_1999 = arith.constant 17 : i32
      %mul3A_2000 = vector.broadcast %mul3A_1999 : i32 to vector<16xi32>
      %mul3A_2001 = arith.muli %add3A_1914, %mul3A_2000 : vector<16xi32>
      %add3A_2002 = arith.constant 11 : i32
      %add3A_2003 = vector.broadcast %add3A_2002 : i32 to vector<16xi32>
      %add3A_2004 = arith.addi %mul3A_2001, %add3A_2003 : vector<16xi32>
      %gather3A_2005 = tpu.vector_load_idx %arg10[%add3A_2004] : memref<1360xf32, #tpu.memory_space<vmem>>[vector<16xi32>], vector<16xf32>,
      %add3A_2006 = arith.addf %add3A_1998, %gather3A_2005 : vector<16xf32>
      %mul3A_2007 = arith.constant 17 : i32
      %mul3A_2008 = vector.broadcast %mul3A_2007 : i32 to vector<16xi32>
      %mul3A_2009 = arith.muli %add3A_1914, %mul3A_2008 : vector<16xi32>
      %add3A_2010 = arith.constant 12 : i32
      %add3A_2011 = vector.broadcast %add3A_2010 : i32 to vector<16xi32>
      %add3A_2012 = arith.addi %mul3A_2009, %add3A_2011 : vector<16xi32>
      %gather3A_2013 = tpu.vector_load_idx %arg10[%add3A_2012] : memref<1360xf32, #tpu.memory_space<vmem>>[vector<16xi32>], vector<16xf32>,
      %add3A_2014 = arith.addf %add3A_2006, %gather3A_2013 : vector<16xf32>
      %mul3A_2015 = arith.constant 17 : i32
      %mul3A_2016 = vector.broadcast %mul3A_2015 : i32 to vector<16xi32>
      %mul3A_2017 = arith.muli %add3A_1914, %mul3A_2016 : vector<16xi32>
      %add3A_2018 = arith.constant 13 : i32
      %add3A_2019 = vector.broadcast %add3A_2018 : i32 to vector<16xi32>
      %add3A_2020 = arith.addi %mul3A_2017, %add3A_2019 : vector<16xi32>
      %gather3A_2021 = tpu.vector_load_idx %arg10[%add3A_2020] : memref<1360xf32, #tpu.memory_space<vmem>>[vector<16xi32>], vector<16xf32>,
      %add3A_2022 = arith.addf %add3A_2014, %gather3A_2021 : vector<16xf32>
      %mul3A_2023 = arith.constant 17 : i32
      %mul3A_2024 = vector.broadcast %mul3A_2023 : i32 to vector<16xi32>
      %mul3A_2025 = arith.muli %add3A_1914, %mul3A_2024 : vector<16xi32>
      %add3A_2026 = arith.constant 14 : i32
      %add3A_2027 = vector.broadcast %add3A_2026 : i32 to vector<16xi32>
      %add3A_2028 = arith.addi %mul3A_2025, %add3A_2027 : vector<16xi32>
      %gather3A_2029 = tpu.vector_load_idx %arg10[%add3A_2028] : memref<1360xf32, #tpu.memory_space<vmem>>[vector<16xi32>], vector<16xf32>,
      %add3A_2030 = arith.addf %add3A_2022, %gather3A_2029 : vector<16xf32>
      %mul3A_2031 = arith.constant 17 : i32
      %mul3A_2032 = vector.broadcast %mul3A_2031 : i32 to vector<16xi32>
      %mul3A_2033 = arith.muli %add3A_1914, %mul3A_2032 : vector<16xi32>
      %add3A_2034 = arith.constant 15 : i32
      %add3A_2035 = vector.broadcast %add3A_2034 : i32 to vector<16xi32>
      %add3A_2036 = arith.addi %mul3A_2033, %add3A_2035 : vector<16xi32>
      %gather3A_2037 = tpu.vector_load_idx %arg10[%add3A_2036] : memref<1360xf32, #tpu.memory_space<vmem>>[vector<16xi32>], vector<16xf32>,
      %add3A_2038 = arith.addf %add3A_2030, %gather3A_2037 : vector<16xf32>
      %swap3A_2039 = arith.constant 1 : i32
      %swap3A_2040 = arith.index_cast %swap3A_2039 : i32 to index
      %swap3A_2041 = arith.constant 48 : index
      %swap3A_2042 = tpu.vector_load %arg11[%swap3A_2040, %swap3A_2041] {strides = array<i32>} : memref<2x80xf32, #tpu.memory_space<vmem>>, vector<16xf32>,
      tpu.vector_store %arg11[%swap3A_2040, %swap3A_2041], %add3A_2038 {strides = array<i32>} : memref<2x80xf32, #tpu.memory_space<vmem>>, vector<16xf32>,
      %add3A_2043 = arith.constant 64 : i32
      %add3A_2044 = vector.broadcast %add3A_2043 : i32 to vector<16xi32>
      %add3A_2045 = arith.addi %add3A_2044, %iota3A : vector<16xi32>
      %mul3A_2046 = arith.constant 17 : i32
      %mul3A_2047 = vector.broadcast %mul3A_2046 : i32 to vector<16xi32>
      %mul3A_2048 = arith.muli %add3A_2045, %mul3A_2047 : vector<16xi32>
      %gather3A_2049 = tpu.vector_load_idx %arg10[%mul3A_2048] : memref<1360xf32, #tpu.memory_space<vmem>>[vector<16xi32>], vector<16xf32>,
      %mul3A_2050 = arith.constant 17 : i32
      %mul3A_2051 = vector.broadcast %mul3A_2050 : i32 to vector<16xi32>
      %mul3A_2052 = arith.muli %add3A_2045, %mul3A_2051 : vector<16xi32>
      %add3A_2053 = arith.constant 1 : i32
      %add3A_2054 = vector.broadcast %add3A_2053 : i32 to vector<16xi32>
      %add3A_2055 = arith.addi %mul3A_2052, %add3A_2054 : vector<16xi32>
      %gather3A_2056 = tpu.vector_load_idx %arg10[%add3A_2055] : memref<1360xf32, #tpu.memory_space<vmem>>[vector<16xi32>], vector<16xf32>,
      %add3A_2057 = arith.addf %gather3A_2049, %gather3A_2056 : vector<16xf32>
      %mul3A_2058 = arith.constant 17 : i32
      %mul3A_2059 = vector.broadcast %mul3A_2058 : i32 to vector<16xi32>
      %mul3A_2060 = arith.muli %add3A_2045, %mul3A_2059 : vector<16xi32>
      %add3A_2061 = arith.constant 2 : i32
      %add3A_2062 = vector.broadcast %add3A_2061 : i32 to vector<16xi32>
      %add3A_2063 = arith.addi %mul3A_2060, %add3A_2062 : vector<16xi32>
      %gather3A_2064 = tpu.vector_load_idx %arg10[%add3A_2063] : memref<1360xf32, #tpu.memory_space<vmem>>[vector<16xi32>], vector<16xf32>,
      %add3A_2065 = arith.addf %add3A_2057, %gather3A_2064 : vector<16xf32>
      %mul3A_2066 = arith.constant 17 : i32
      %mul3A_2067 = vector.broadcast %mul3A_2066 : i32 to vector<16xi32>
      %mul3A_2068 = arith.muli %add3A_2045, %mul3A_2067 : vector<16xi32>
      %add3A_2069 = arith.constant 3 : i32
      %add3A_2070 = vector.broadcast %add3A_2069 : i32 to vector<16xi32>
      %add3A_2071 = arith.addi %mul3A_2068, %add3A_2070 : vector<16xi32>
      %gather3A_2072 = tpu.vector_load_idx %arg10[%add3A_2071] : memref<1360xf32, #tpu.memory_space<vmem>>[vector<16xi32>], vector<16xf32>,
      %add3A_2073 = arith.addf %add3A_2065, %gather3A_2072 : vector<16xf32>
      %mul3A_2074 = arith.constant 17 : i32
      %mul3A_2075 = vector.broadcast %mul3A_2074 : i32 to vector<16xi32>
      %mul3A_2076 = arith.muli %add3A_2045, %mul3A_2075 : vector<16xi32>
      %add3A_2077 = arith.constant 4 : i32
      %add3A_2078 = vector.broadcast %add3A_2077 : i32 to vector<16xi32>
      %add3A_2079 = arith.addi %mul3A_2076, %add3A_2078 : vector<16xi32>
      %gather3A_2080 = tpu.vector_load_idx %arg10[%add3A_2079] : memref<1360xf32, #tpu.memory_space<vmem>>[vector<16xi32>], vector<16xf32>,
      %add3A_2081 = arith.addf %add3A_2073, %gather3A_2080 : vector<16xf32>
      %mul3A_2082 = arith.constant 17 : i32
      %mul3A_2083 = vector.broadcast %mul3A_2082 : i32 to vector<16xi32>
      %mul3A_2084 = arith.muli %add3A_2045, %mul3A_2083 : vector<16xi32>
      %add3A_2085 = arith.constant 5 : i32
      %add3A_2086 = vector.broadcast %add3A_2085 : i32 to vector<16xi32>
      %add3A_2087 = arith.addi %mul3A_2084, %add3A_2086 : vector<16xi32>
      %gather3A_2088 = tpu.vector_load_idx %arg10[%add3A_2087] : memref<1360xf32, #tpu.memory_space<vmem>>[vector<16xi32>], vector<16xf32>,
      %add3A_2089 = arith.addf %add3A_2081, %gather3A_2088 : vector<16xf32>
      %mul3A_2090 = arith.constant 17 : i32
      %mul3A_2091 = vector.broadcast %mul3A_2090 : i32 to vector<16xi32>
      %mul3A_2092 = arith.muli %add3A_2045, %mul3A_2091 : vector<16xi32>
      %add3A_2093 = arith.constant 6 : i32
      %add3A_2094 = vector.broadcast %add3A_2093 : i32 to vector<16xi32>
      %add3A_2095 = arith.addi %mul3A_2092, %add3A_2094 : vector<16xi32>
      %gather3A_2096 = tpu.vector_load_idx %arg10[%add3A_2095] : memref<1360xf32, #tpu.memory_space<vmem>>[vector<16xi32>], vector<16xf32>,
      %add3A_2097 = arith.addf %add3A_2089, %gather3A_2096 : vector<16xf32>
      %mul3A_2098 = arith.constant 17 : i32
      %mul3A_2099 = vector.broadcast %mul3A_2098 : i32 to vector<16xi32>
      %mul3A_2100 = arith.muli %add3A_2045, %mul3A_2099 : vector<16xi32>
      %add3A_2101 = arith.constant 7 : i32
      %add3A_2102 = vector.broadcast %add3A_2101 : i32 to vector<16xi32>
      %add3A_2103 = arith.addi %mul3A_2100, %add3A_2102 : vector<16xi32>
      %gather3A_2104 = tpu.vector_load_idx %arg10[%add3A_2103] : memref<1360xf32, #tpu.memory_space<vmem>>[vector<16xi32>], vector<16xf32>,
      %add3A_2105 = arith.addf %add3A_2097, %gather3A_2104 : vector<16xf32>
      %mul3A_2106 = arith.constant 17 : i32
      %mul3A_2107 = vector.broadcast %mul3A_2106 : i32 to vector<16xi32>
      %mul3A_2108 = arith.muli %add3A_2045, %mul3A_2107 : vector<16xi32>
      %add3A_2109 = arith.constant 8 : i32
      %add3A_2110 = vector.broadcast %add3A_2109 : i32 to vector<16xi32>
      %add3A_2111 = arith.addi %mul3A_2108, %add3A_2110 : vector<16xi32>
      %gather3A_2112 = tpu.vector_load_idx %arg10[%add3A_2111] : memref<1360xf32, #tpu.memory_space<vmem>>[vector<16xi32>], vector<16xf32>,
      %add3A_2113 = arith.addf %add3A_2105, %gather3A_2112 : vector<16xf32>
      %mul3A_2114 = arith.constant 17 : i32
      %mul3A_2115 = vector.broadcast %mul3A_2114 : i32 to vector<16xi32>
      %mul3A_2116 = arith.muli %add3A_2045, %mul3A_2115 : vector<16xi32>
      %add3A_2117 = arith.constant 9 : i32
      %add3A_2118 = vector.broadcast %add3A_2117 : i32 to vector<16xi32>
      %add3A_2119 = arith.addi %mul3A_2116, %add3A_2118 : vector<16xi32>
      %gather3A_2120 = tpu.vector_load_idx %arg10[%add3A_2119] : memref<1360xf32, #tpu.memory_space<vmem>>[vector<16xi32>], vector<16xf32>,
      %add3A_2121 = arith.addf %add3A_2113, %gather3A_2120 : vector<16xf32>
      %mul3A_2122 = arith.constant 17 : i32
      %mul3A_2123 = vector.broadcast %mul3A_2122 : i32 to vector<16xi32>
      %mul3A_2124 = arith.muli %add3A_2045, %mul3A_2123 : vector<16xi32>
      %add3A_2125 = arith.constant 10 : i32
      %add3A_2126 = vector.broadcast %add3A_2125 : i32 to vector<16xi32>
      %add3A_2127 = arith.addi %mul3A_2124, %add3A_2126 : vector<16xi32>
      %gather3A_2128 = tpu.vector_load_idx %arg10[%add3A_2127] : memref<1360xf32, #tpu.memory_space<vmem>>[vector<16xi32>], vector<16xf32>,
      %add3A_2129 = arith.addf %add3A_2121, %gather3A_2128 : vector<16xf32>
      %mul3A_2130 = arith.constant 17 : i32
      %mul3A_2131 = vector.broadcast %mul3A_2130 : i32 to vector<16xi32>
      %mul3A_2132 = arith.muli %add3A_2045, %mul3A_2131 : vector<16xi32>
      %add3A_2133 = arith.constant 11 : i32
      %add3A_2134 = vector.broadcast %add3A_2133 : i32 to vector<16xi32>
      %add3A_2135 = arith.addi %mul3A_2132, %add3A_2134 : vector<16xi32>
      %gather3A_2136 = tpu.vector_load_idx %arg10[%add3A_2135] : memref<1360xf32, #tpu.memory_space<vmem>>[vector<16xi32>], vector<16xf32>,
      %add3A_2137 = arith.addf %add3A_2129, %gather3A_2136 : vector<16xf32>
      %mul3A_2138 = arith.constant 17 : i32
      %mul3A_2139 = vector.broadcast %mul3A_2138 : i32 to vector<16xi32>
      %mul3A_2140 = arith.muli %add3A_2045, %mul3A_2139 : vector<16xi32>
      %add3A_2141 = arith.constant 12 : i32
      %add3A_2142 = vector.broadcast %add3A_2141 : i32 to vector<16xi32>
      %add3A_2143 = arith.addi %mul3A_2140, %add3A_2142 : vector<16xi32>
      %gather3A_2144 = tpu.vector_load_idx %arg10[%add3A_2143] : memref<1360xf32, #tpu.memory_space<vmem>>[vector<16xi32>], vector<16xf32>,
      %add3A_2145 = arith.addf %add3A_2137, %gather3A_2144 : vector<16xf32>
      %mul3A_2146 = arith.constant 17 : i32
      %mul3A_2147 = vector.broadcast %mul3A_2146 : i32 to vector<16xi32>
      %mul3A_2148 = arith.muli %add3A_2045, %mul3A_2147 : vector<16xi32>
      %add3A_2149 = arith.constant 13 : i32
      %add3A_2150 = vector.broadcast %add3A_2149 : i32 to vector<16xi32>
      %add3A_2151 = arith.addi %mul3A_2148, %add3A_2150 : vector<16xi32>
      %gather3A_2152 = tpu.vector_load_idx %arg10[%add3A_2151] : memref<1360xf32, #tpu.memory_space<vmem>>[vector<16xi32>], vector<16xf32>,
      %add3A_2153 = arith.addf %add3A_2145, %gather3A_2152 : vector<16xf32>
      %mul3A_2154 = arith.constant 17 : i32
      %mul3A_2155 = vector.broadcast %mul3A_2154 : i32 to vector<16xi32>
      %mul3A_2156 = arith.muli %add3A_2045, %mul3A_2155 : vector<16xi32>
      %add3A_2157 = arith.constant 14 : i32
      %add3A_2158 = vector.broadcast %add3A_2157 : i32 to vector<16xi32>
      %add3A_2159 = arith.addi %mul3A_2156, %add3A_2158 : vector<16xi32>
      %gather3A_2160 = tpu.vector_load_idx %arg10[%add3A_2159] : memref<1360xf32, #tpu.memory_space<vmem>>[vector<16xi32>], vector<16xf32>,
      %add3A_2161 = arith.addf %add3A_2153, %gather3A_2160 : vector<16xf32>
      %mul3A_2162 = arith.constant 17 : i32
      %mul3A_2163 = vector.broadcast %mul3A_2162 : i32 to vector<16xi32>
      %mul3A_2164 = arith.muli %add3A_2045, %mul3A_2163 : vector<16xi32>
      %add3A_2165 = arith.constant 15 : i32
      %add3A_2166 = vector.broadcast %add3A_2165 : i32 to vector<16xi32>
      %add3A_2167 = arith.addi %mul3A_2164, %add3A_2166 : vector<16xi32>
      %gather3A_2168 = tpu.vector_load_idx %arg10[%add3A_2167] : memref<1360xf32, #tpu.memory_space<vmem>>[vector<16xi32>], vector<16xf32>,
      %add3A_2169 = arith.addf %add3A_2161, %gather3A_2168 : vector<16xf32>
      %swap3A_2170 = arith.constant 1 : i32
      %swap3A_2171 = arith.index_cast %swap3A_2170 : i32 to index
      %swap3A_2172 = arith.constant 64 : index
      %swap3A_2173 = tpu.vector_load %arg11[%swap3A_2171, %swap3A_2172] {strides = array<i32>} : memref<2x80xf32, #tpu.memory_space<vmem>>, vector<16xf32>,
      tpu.vector_store %arg11[%swap3A_2171, %swap3A_2172], %add3A_2169 {strides = array<i32>} : memref<2x80xf32, #tpu.memory_space<vmem>>, vector<16xf32>,
      %mul3A_2174 = arith.constant 2 : i32
      %mul3A_2175 = arith.muli %mul3A_2174, %scan3A_744 : i32
      %add3A_2176 = arith.constant 1 : i32
      %add3A_2177 = arith.addi %mul3A_2175, %add3A_2176 : i32
      %mul3A_2178 = arith.constant 80 : i32
      %mul3A_2179 = arith.muli %add3A_2177, %mul3A_2178 : i32
      %add3A_2180 = arith.addi %mul3A_2, %mul3A_2179 : i32
      %dma_start3A_2181 = arith.constant 1 : i32
      %dma_start3A_2182 = arith.constant 0 : i32
      %dma_start3A_2183 = tpu.memref_slice %arg11[%dma_start3A_2181, %dma_start3A_2182] : memref<2x80xf32, #tpu.memory_space<vmem>> -> memref<1x80xf32, #tpu.memory_space<vmem>>
      %dma_start3A_2184 = tpu.memref_squeeze %dma_start3A_2183 : memref<1x80xf32, #tpu.memory_space<vmem>> -> memref<80xf32, #tpu.memory_space<vmem>>
      %dma_start3A_2185 = tpu.memref_slice %arg5[%add3A_2180] : memref<320000xf32, #tpu.memory_space<hbm>> -> memref<80xf32, #tpu.memory_space<hbm>>
      %dma_start3A_2186 = tpu.memref_slice %arg5[%add3A_2180] : memref<320000xf32, #tpu.memory_space<hbm>> -> memref<80xf32, #tpu.memory_space<hbm>>
      %dma_start3A_2187 = arith.constant 0 : i32
      %dma_start3A_2188 = tpu.memref_slice %arg11[%dma_start3A_2181, %dma_start3A_2187] : memref<2x80xf32, #tpu.memory_space<vmem>> -> memref<1x80xf32, #tpu.memory_space<vmem>>
      %dma_start3A_2189 = tpu.memref_squeeze %dma_start3A_2188 : memref<1x80xf32, #tpu.memory_space<vmem>> -> memref<80xf32, #tpu.memory_space<vmem>>
      tpu.enqueue_dma source(%dma_start3A_2189 : memref<80xf32, #tpu.memory_space<vmem>>) target(%dma_start3A_2186 : memref<80xf32, #tpu.memory_space<hbm>>) target_semaphore(%arg19 : memref<!tpu.dma_semaphore, #tpu.memory_space<semaphore_mem>>)
    }
    %scan3A_29 = arith.constant 62 : i32
    %dma_wait3A = arith.constant 0 : i32
    %dma_wait3A_30 = arith.constant 0 : i32
    %dma_wait3A_31 = arith.constant 0 : i32
    %dma_wait3A_32 = tpu.memref_slice %arg8[%dma_wait3A, %dma_wait3A_30, %dma_wait3A_31] : memref<2x80x64xi32, #tpu.memory_space<vmem>> -> memref<1x80x64xi32, #tpu.memory_space<vmem>>
    %dma_wait3A_33 = tpu.memref_squeeze %dma_wait3A_32 : memref<1x80x64xi32, #tpu.memory_space<vmem>> -> memref<80x64xi32, #tpu.memory_space<vmem>>
    %dma_wait3A_34 = arith.constant 0 : i32
    %dma_wait3A_35 = tpu.memref_slice %arg6[%dma_wait3A_34] : memref<10000xi32, #tpu.memory_space<vmem>> -> memref<80xi32, #tpu.memory_space<vmem>>
    %dma_wait3A_36 = arith.constant 0 : i32
    %dma_wait3A_37 = arith.constant 0 : i32
    %dma_wait3A_38 = tpu.memref_slice %arg12[%dma_wait3A_36, %dma_wait3A_37] : memref<10000x64xi32, #tpu.memory_space<vmem_shared>> -> memref<10000x64xi32, #tpu.memory_space<vmem_shared>>
    tpu.wait_indirect_dma semaphore(%arg14 : memref<!tpu.dma_semaphore, #tpu.memory_space<semaphore_mem>>) src(%dma_wait3A_38 : memref<10000x64xi32, #tpu.memory_space<vmem_shared>>) dst(%dma_wait3A_33 : memref<80x64xi32, #tpu.memory_space<vmem>>)
    %dma_wait3A_39 = arith.constant 0 : i32
    %dma_wait3A_40 = arith.constant 0 : i32
    %dma_wait3A_41 = arith.constant 0 : i32
    %dma_wait3A_42 = tpu.memref_slice %arg9[%dma_wait3A_39, %dma_wait3A_40, %dma_wait3A_41] : memref<2x80x64xi32, #tpu.memory_space<vmem>> -> memref<1x80x64xi32, #tpu.memory_space<vmem>>
    %dma_wait3A_43 = tpu.memref_squeeze %dma_wait3A_42 : memref<1x80x64xi32, #tpu.memory_space<vmem>> -> memref<80x64xi32, #tpu.memory_space<vmem>>
    %dma_wait3A_44 = arith.constant 0 : i32
    %dma_wait3A_45 = tpu.memref_slice %arg7[%dma_wait3A_44] : memref<10000xi32, #tpu.memory_space<vmem>> -> memref<80xi32, #tpu.memory_space<vmem>>
    %dma_wait3A_46 = arith.constant 0 : i32
    %dma_wait3A_47 = arith.constant 0 : i32
    %dma_wait3A_48 = tpu.memref_slice %arg13[%dma_wait3A_46, %dma_wait3A_47] : memref<10000x64xi32, #tpu.memory_space<vmem_shared>> -> memref<10000x64xi32, #tpu.memory_space<vmem_shared>>
    tpu.wait_indirect_dma semaphore(%arg16 : memref<!tpu.dma_semaphore, #tpu.memory_space<semaphore_mem>>) src(%dma_wait3A_48 : memref<10000x64xi32, #tpu.memory_space<vmem_shared>>) dst(%dma_wait3A_43 : memref<80x64xi32, #tpu.memory_space<vmem>>)
    %dma_wait3A_49 = arith.constant 0 : i32
    %dma_wait3A_50 = arith.constant 0 : i32
    %dma_wait3A_51 = tpu.memref_slice %arg11[%dma_wait3A_49, %dma_wait3A_50] : memref<2x80xf32, #tpu.memory_space<vmem>> -> memref<1x80xf32, #tpu.memory_space<vmem>>
    %dma_wait3A_52 = tpu.memref_squeeze %dma_wait3A_51 : memref<1x80xf32, #tpu.memory_space<vmem>> -> memref<80xf32, #tpu.memory_space<vmem>>
    %dma_wait3A_53 = tpu.memref_slice %arg5[%mul3A_2] : memref<320000xf32, #tpu.memory_space<hbm>> -> memref<80xf32, #tpu.memory_space<hbm>>
    %dma_wait3A_54 = tpu.memref_slice %arg5[%mul3A_2] : memref<320000xf32, #tpu.memory_space<hbm>> -> memref<80xf32, #tpu.memory_space<hbm>>
    %dma_wait3A_55 = arith.constant 0 : i32
    %dma_wait3A_56 = tpu.memref_slice %arg11[%dma_wait3A_49, %dma_wait3A_55] : memref<2x80xf32, #tpu.memory_space<vmem>> -> memref<1x80xf32, #tpu.memory_space<vmem>>
    %dma_wait3A_57 = tpu.memref_squeeze %dma_wait3A_56 : memref<1x80xf32, #tpu.memory_space<vmem>> -> memref<80xf32, #tpu.memory_space<vmem>>
    tpu.wait_dma2 semaphore(%arg18 : memref<!tpu.dma_semaphore, #tpu.memory_space<semaphore_mem>>) src(%dma_wait3A_57 : memref<80xf32, #tpu.memory_space<vmem>>) dst(%dma_wait3A_54 : memref<80xf32, #tpu.memory_space<hbm>>)
    %parallel_loop3A = arith.constant 0 : i32
    %parallel_loop3A_58 = arith.constant 80 : i32
    %parallel_loop3A_59 = arith.constant 1 : i32
    %parallel_loop3A_60 = arith.constant 0 : i32
    %parallel_loop3A_61 = arith.constant 0 : i32
    scf.for %parallel_loop3A_744 = %parallel_loop3A to %parallel_loop3A_58 step %parallel_loop3A_59  : i32 {
      %parallel_loop3A_745 = arith.constant 0 : i32
      %parallel_loop3A_746 = arith.constant 0 : i32
      %parallel_loop3A_747 = tpu.memref_slice %arg8[%parallel_loop3A_60, %parallel_loop3A_745, %parallel_loop3A_746] : memref<2x80x64xi32, #tpu.memory_space<vmem>> -> memref<1x80x64xi32, #tpu.memory_space<vmem>>
      %parallel_loop3A_748 = tpu.memref_squeeze %parallel_loop3A_747 : memref<1x80x64xi32, #tpu.memory_space<vmem>> -> memref<80x64xi32, #tpu.memory_space<vmem>>
      %parallel_loop3A_749 = arith.index_cast %parallel_loop3A_744 : i32 to index
      %parallel_loop3A_750 = arith.constant 0 : index
      %parallel_loop3A_751 = tpu.vector_load %parallel_loop3A_748[%parallel_loop3A_749, %parallel_loop3A_750] {strides = array<i32>} : memref<80x64xi32, #tpu.memory_space<vmem>>, vector<16xi32>,
      %parallel_loop3A_752 = vector.bitcast %parallel_loop3A_751 : vector<16xi32> to vector<32xbf16>
      %parallel_loop3A_753 = arith.constant 0 : i32
      %parallel_loop3A_754 = arith.constant 0 : i32
      %parallel_loop3A_755 = tpu.memref_slice %arg9[%parallel_loop3A_61, %parallel_loop3A_753, %parallel_loop3A_754] : memref<2x80x64xi32, #tpu.memory_space<vmem>> -> memref<1x80x64xi32, #tpu.memory_space<vmem>>
      %parallel_loop3A_756 = tpu.memref_squeeze %parallel_loop3A_755 : memref<1x80x64xi32, #tpu.memory_space<vmem>> -> memref<80x64xi32, #tpu.memory_space<vmem>>
      %parallel_loop3A_757 = arith.index_cast %parallel_loop3A_744 : i32 to index
      %parallel_loop3A_758 = arith.constant 0 : index
      %parallel_loop3A_759 = tpu.vector_load %parallel_loop3A_756[%parallel_loop3A_757, %parallel_loop3A_758] {strides = array<i32>} : memref<80x64xi32, #tpu.memory_space<vmem>>, vector<16xi32>,
      %parallel_loop3A_760 = vector.bitcast %parallel_loop3A_759 : vector<16xi32> to vector<32xbf16>
      %parallel_loop3A_761 = arith.mulf %parallel_loop3A_752, %parallel_loop3A_760 : vector<32xbf16>
      %parallel_loop3A_762 = arith.constant 0 : i32
      %parallel_loop3A_763 = arith.constant 0 : i32
      %parallel_loop3A_764 = tpu.memref_slice %arg8[%parallel_loop3A_60, %parallel_loop3A_762, %parallel_loop3A_763] : memref<2x80x64xi32, #tpu.memory_space<vmem>> -> memref<1x80x64xi32, #tpu.memory_space<vmem>>
      %parallel_loop3A_765 = tpu.memref_squeeze %parallel_loop3A_764 : memref<1x80x64xi32, #tpu.memory_space<vmem>> -> memref<80x64xi32, #tpu.memory_space<vmem>>
      %parallel_loop3A_766 = arith.index_cast %parallel_loop3A_744 : i32 to index
      %parallel_loop3A_767 = arith.constant 16 : index
      %parallel_loop3A_768 = tpu.vector_load %parallel_loop3A_765[%parallel_loop3A_766, %parallel_loop3A_767] {strides = array<i32>} : memref<80x64xi32, #tpu.memory_space<vmem>>, vector<16xi32>,
      %parallel_loop3A_769 = vector.bitcast %parallel_loop3A_768 : vector<16xi32> to vector<32xbf16>
      %parallel_loop3A_770 = arith.constant 0 : i32
      %parallel_loop3A_771 = arith.constant 0 : i32
      %parallel_loop3A_772 = tpu.memref_slice %arg9[%parallel_loop3A_61, %parallel_loop3A_770, %parallel_loop3A_771] : memref<2x80x64xi32, #tpu.memory_space<vmem>> -> memref<1x80x64xi32, #tpu.memory_space<vmem>>
      %parallel_loop3A_773 = tpu.memref_squeeze %parallel_loop3A_772 : memref<1x80x64xi32, #tpu.memory_space<vmem>> -> memref<80x64xi32, #tpu.memory_space<vmem>>
      %parallel_loop3A_774 = arith.index_cast %parallel_loop3A_744 : i32 to index
      %parallel_loop3A_775 = arith.constant 16 : index
      %parallel_loop3A_776 = tpu.vector_load %parallel_loop3A_773[%parallel_loop3A_774, %parallel_loop3A_775] {strides = array<i32>} : memref<80x64xi32, #tpu.memory_space<vmem>>, vector<16xi32>,
      %parallel_loop3A_777 = vector.bitcast %parallel_loop3A_776 : vector<16xi32> to vector<32xbf16>
      %parallel_loop3A_778 = arith.mulf %parallel_loop3A_769, %parallel_loop3A_777 : vector<32xbf16>
      %parallel_loop3A_779 = arith.constant 0 : i32
      %parallel_loop3A_780 = arith.constant 0 : i32
      %parallel_loop3A_781 = tpu.memref_slice %arg8[%parallel_loop3A_60, %parallel_loop3A_779, %parallel_loop3A_780] : memref<2x80x64xi32, #tpu.memory_space<vmem>> -> memref<1x80x64xi32, #tpu.memory_space<vmem>>
      %parallel_loop3A_782 = tpu.memref_squeeze %parallel_loop3A_781 : memref<1x80x64xi32, #tpu.memory_space<vmem>> -> memref<80x64xi32, #tpu.memory_space<vmem>>
      %parallel_loop3A_783 = arith.index_cast %parallel_loop3A_744 : i32 to index
      %parallel_loop3A_784 = arith.constant 32 : index
      %parallel_loop3A_785 = tpu.vector_load %parallel_loop3A_782[%parallel_loop3A_783, %parallel_loop3A_784] {strides = array<i32>} : memref<80x64xi32, #tpu.memory_space<vmem>>, vector<16xi32>,
      %parallel_loop3A_786 = vector.bitcast %parallel_loop3A_785 : vector<16xi32> to vector<32xbf16>
      %parallel_loop3A_787 = arith.constant 0 : i32
      %parallel_loop3A_788 = arith.constant 0 : i32
      %parallel_loop3A_789 = tpu.memref_slice %arg9[%parallel_loop3A_61, %parallel_loop3A_787, %parallel_loop3A_788] : memref<2x80x64xi32, #tpu.memory_space<vmem>> -> memref<1x80x64xi32, #tpu.memory_space<vmem>>
      %parallel_loop3A_790 = tpu.memref_squeeze %parallel_loop3A_789 : memref<1x80x64xi32, #tpu.memory_space<vmem>> -> memref<80x64xi32, #tpu.memory_space<vmem>>
      %parallel_loop3A_791 = arith.index_cast %parallel_loop3A_744 : i32 to index
      %parallel_loop3A_792 = arith.constant 32 : index
      %parallel_loop3A_793 = tpu.vector_load %parallel_loop3A_790[%parallel_loop3A_791, %parallel_loop3A_792] {strides = array<i32>} : memref<80x64xi32, #tpu.memory_space<vmem>>, vector<16xi32>,
      %parallel_loop3A_794 = vector.bitcast %parallel_loop3A_793 : vector<16xi32> to vector<32xbf16>
      %parallel_loop3A_795 = arith.mulf %parallel_loop3A_786, %parallel_loop3A_794 : vector<32xbf16>
      %parallel_loop3A_796 = arith.constant 0 : i32
      %parallel_loop3A_797 = arith.constant 0 : i32
      %parallel_loop3A_798 = tpu.memref_slice %arg8[%parallel_loop3A_60, %parallel_loop3A_796, %parallel_loop3A_797] : memref<2x80x64xi32, #tpu.memory_space<vmem>> -> memref<1x80x64xi32, #tpu.memory_space<vmem>>
      %parallel_loop3A_799 = tpu.memref_squeeze %parallel_loop3A_798 : memref<1x80x64xi32, #tpu.memory_space<vmem>> -> memref<80x64xi32, #tpu.memory_space<vmem>>
      %parallel_loop3A_800 = arith.index_cast %parallel_loop3A_744 : i32 to index
      %parallel_loop3A_801 = arith.constant 48 : index
      %parallel_loop3A_802 = tpu.vector_load %parallel_loop3A_799[%parallel_loop3A_800, %parallel_loop3A_801] {strides = array<i32>} : memref<80x64xi32, #tpu.memory_space<vmem>>, vector<16xi32>,
      %parallel_loop3A_803 = vector.bitcast %parallel_loop3A_802 : vector<16xi32> to vector<32xbf16>
      %parallel_loop3A_804 = arith.constant 0 : i32
      %parallel_loop3A_805 = arith.constant 0 : i32
      %parallel_loop3A_806 = tpu.memref_slice %arg9[%parallel_loop3A_61, %parallel_loop3A_804, %parallel_loop3A_805] : memref<2x80x64xi32, #tpu.memory_space<vmem>> -> memref<1x80x64xi32, #tpu.memory_space<vmem>>
      %parallel_loop3A_807 = tpu.memref_squeeze %parallel_loop3A_806 : memref<1x80x64xi32, #tpu.memory_space<vmem>> -> memref<80x64xi32, #tpu.memory_space<vmem>>
      %parallel_loop3A_808 = arith.index_cast %parallel_loop3A_744 : i32 to index
      %parallel_loop3A_809 = arith.constant 48 : index
      %parallel_loop3A_810 = tpu.vector_load %parallel_loop3A_807[%parallel_loop3A_808, %parallel_loop3A_809] {strides = array<i32>} : memref<80x64xi32, #tpu.memory_space<vmem>>, vector<16xi32>,
      %parallel_loop3A_811 = vector.bitcast %parallel_loop3A_810 : vector<16xi32> to vector<32xbf16>
      %parallel_loop3A_812 = arith.mulf %parallel_loop3A_803, %parallel_loop3A_811 : vector<32xbf16>
      %parallel_loop3A_813 = arith.addf %parallel_loop3A_761, %parallel_loop3A_778 : vector<32xbf16>
      %parallel_loop3A_814 = arith.addf %parallel_loop3A_795, %parallel_loop3A_812 : vector<32xbf16>
      %parallel_loop3A_815 = arith.addf %parallel_loop3A_813, %parallel_loop3A_814 : vector<32xbf16>
      %parallel_loop3A_816 = tpu.unpack_subelements %parallel_loop3A_815, 0 {pack_format = #tpu.pack_format<interleaved>} : vector<32xbf16> -> vector<16xf32>
      %parallel_loop3A_817 = tpu.unpack_subelements %parallel_loop3A_815, 1 {pack_format = #tpu.pack_format<interleaved>} : vector<32xbf16> -> vector<16xf32>
      %parallel_loop3A_818 = arith.constant 17 : i32
      %parallel_loop3A_819 = arith.muli %parallel_loop3A_744, %parallel_loop3A_818 : i32
      %parallel_loop3A_820 = vector.broadcast %parallel_loop3A_819 : i32 to vector<16xi32>
      %parallel_loop3A_821 = arith.addi %parallel_loop3A_820, %iota3A : vector<16xi32>
      %parallel_loop3A_822 = arith.addf %parallel_loop3A_816, %parallel_loop3A_817 : vector<16xf32>
      tpu.vector_store_idx %arg10[%parallel_loop3A_821], %parallel_loop3A_822 : memref<1360xf32, #tpu.memory_space<vmem>>[vector<16xi32>], vector<16xf32>,
    } {sc.loop_unroll_factor = 4 : i64, sc.parallel_access}
    %add3A_62 = arith.constant 0 : i32
    %add3A_63 = vector.broadcast %add3A_62 : i32 to vector<16xi32>
    %add3A_64 = arith.addi %add3A_63, %iota3A : vector<16xi32>
    %mul3A_65 = arith.constant 17 : i32
    %mul3A_66 = vector.broadcast %mul3A_65 : i32 to vector<16xi32>
    %mul3A_67 = arith.muli %add3A_64, %mul3A_66 : vector<16xi32>
    %gather3A = tpu.vector_load_idx %arg10[%mul3A_67] : memref<1360xf32, #tpu.memory_space<vmem>>[vector<16xi32>], vector<16xf32>,
    %mul3A_68 = arith.constant 17 : i32
    %mul3A_69 = vector.broadcast %mul3A_68 : i32 to vector<16xi32>
    %mul3A_70 = arith.muli %add3A_64, %mul3A_69 : vector<16xi32>
    %add3A_71 = arith.constant 1 : i32
    %add3A_72 = vector.broadcast %add3A_71 : i32 to vector<16xi32>
    %add3A_73 = arith.addi %mul3A_70, %add3A_72 : vector<16xi32>
    %gather3A_74 = tpu.vector_load_idx %arg10[%add3A_73] : memref<1360xf32, #tpu.memory_space<vmem>>[vector<16xi32>], vector<16xf32>,
    %add3A_75 = arith.addf %gather3A, %gather3A_74 : vector<16xf32>
    %mul3A_76 = arith.constant 17 : i32
    %mul3A_77 = vector.broadcast %mul3A_76 : i32 to vector<16xi32>
    %mul3A_78 = arith.muli %add3A_64, %mul3A_77 : vector<16xi32>
    %add3A_79 = arith.constant 2 : i32
    %add3A_80 = vector.broadcast %add3A_79 : i32 to vector<16xi32>
    %add3A_81 = arith.addi %mul3A_78, %add3A_80 : vector<16xi32>
    %gather3A_82 = tpu.vector_load_idx %arg10[%add3A_81] : memref<1360xf32, #tpu.memory_space<vmem>>[vector<16xi32>], vector<16xf32>,
    %add3A_83 = arith.addf %add3A_75, %gather3A_82 : vector<16xf32>
    %mul3A_84 = arith.constant 17 : i32
    %mul3A_85 = vector.broadcast %mul3A_84 : i32 to vector<16xi32>
    %mul3A_86 = arith.muli %add3A_64, %mul3A_85 : vector<16xi32>
    %add3A_87 = arith.constant 3 : i32
    %add3A_88 = vector.broadcast %add3A_87 : i32 to vector<16xi32>
    %add3A_89 = arith.addi %mul3A_86, %add3A_88 : vector<16xi32>
    %gather3A_90 = tpu.vector_load_idx %arg10[%add3A_89] : memref<1360xf32, #tpu.memory_space<vmem>>[vector<16xi32>], vector<16xf32>,
    %add3A_91 = arith.addf %add3A_83, %gather3A_90 : vector<16xf32>
    %mul3A_92 = arith.constant 17 : i32
    %mul3A_93 = vector.broadcast %mul3A_92 : i32 to vector<16xi32>
    %mul3A_94 = arith.muli %add3A_64, %mul3A_93 : vector<16xi32>
    %add3A_95 = arith.constant 4 : i32
    %add3A_96 = vector.broadcast %add3A_95 : i32 to vector<16xi32>
    %add3A_97 = arith.addi %mul3A_94, %add3A_96 : vector<16xi32>
    %gather3A_98 = tpu.vector_load_idx %arg10[%add3A_97] : memref<1360xf32, #tpu.memory_space<vmem>>[vector<16xi32>], vector<16xf32>,
    %add3A_99 = arith.addf %add3A_91, %gather3A_98 : vector<16xf32>
    %mul3A_100 = arith.constant 17 : i32
    %mul3A_101 = vector.broadcast %mul3A_100 : i32 to vector<16xi32>
    %mul3A_102 = arith.muli %add3A_64, %mul3A_101 : vector<16xi32>
    %add3A_103 = arith.constant 5 : i32
    %add3A_104 = vector.broadcast %add3A_103 : i32 to vector<16xi32>
    %add3A_105 = arith.addi %mul3A_102, %add3A_104 : vector<16xi32>
    %gather3A_106 = tpu.vector_load_idx %arg10[%add3A_105] : memref<1360xf32, #tpu.memory_space<vmem>>[vector<16xi32>], vector<16xf32>,
    %add3A_107 = arith.addf %add3A_99, %gather3A_106 : vector<16xf32>
    %mul3A_108 = arith.constant 17 : i32
    %mul3A_109 = vector.broadcast %mul3A_108 : i32 to vector<16xi32>
    %mul3A_110 = arith.muli %add3A_64, %mul3A_109 : vector<16xi32>
    %add3A_111 = arith.constant 6 : i32
    %add3A_112 = vector.broadcast %add3A_111 : i32 to vector<16xi32>
    %add3A_113 = arith.addi %mul3A_110, %add3A_112 : vector<16xi32>
    %gather3A_114 = tpu.vector_load_idx %arg10[%add3A_113] : memref<1360xf32, #tpu.memory_space<vmem>>[vector<16xi32>], vector<16xf32>,
    %add3A_115 = arith.addf %add3A_107, %gather3A_114 : vector<16xf32>
    %mul3A_116 = arith.constant 17 : i32
    %mul3A_117 = vector.broadcast %mul3A_116 : i32 to vector<16xi32>
    %mul3A_118 = arith.muli %add3A_64, %mul3A_117 : vector<16xi32>
    %add3A_119 = arith.constant 7 : i32
    %add3A_120 = vector.broadcast %add3A_119 : i32 to vector<16xi32>
    %add3A_121 = arith.addi %mul3A_118, %add3A_120 : vector<16xi32>
    %gather3A_122 = tpu.vector_load_idx %arg10[%add3A_121] : memref<1360xf32, #tpu.memory_space<vmem>>[vector<16xi32>], vector<16xf32>,
    %add3A_123 = arith.addf %add3A_115, %gather3A_122 : vector<16xf32>
    %mul3A_124 = arith.constant 17 : i32
    %mul3A_125 = vector.broadcast %mul3A_124 : i32 to vector<16xi32>
    %mul3A_126 = arith.muli %add3A_64, %mul3A_125 : vector<16xi32>
    %add3A_127 = arith.constant 8 : i32
    %add3A_128 = vector.broadcast %add3A_127 : i32 to vector<16xi32>
    %add3A_129 = arith.addi %mul3A_126, %add3A_128 : vector<16xi32>
    %gather3A_130 = tpu.vector_load_idx %arg10[%add3A_129] : memref<1360xf32, #tpu.memory_space<vmem>>[vector<16xi32>], vector<16xf32>,
    %add3A_131 = arith.addf %add3A_123, %gather3A_130 : vector<16xf32>
    %mul3A_132 = arith.constant 17 : i32
    %mul3A_133 = vector.broadcast %mul3A_132 : i32 to vector<16xi32>
    %mul3A_134 = arith.muli %add3A_64, %mul3A_133 : vector<16xi32>
    %add3A_135 = arith.constant 9 : i32
    %add3A_136 = vector.broadcast %add3A_135 : i32 to vector<16xi32>
    %add3A_137 = arith.addi %mul3A_134, %add3A_136 : vector<16xi32>
    %gather3A_138 = tpu.vector_load_idx %arg10[%add3A_137] : memref<1360xf32, #tpu.memory_space<vmem>>[vector<16xi32>], vector<16xf32>,
    %add3A_139 = arith.addf %add3A_131, %gather3A_138 : vector<16xf32>
    %mul3A_140 = arith.constant 17 : i32
    %mul3A_141 = vector.broadcast %mul3A_140 : i32 to vector<16xi32>
    %mul3A_142 = arith.muli %add3A_64, %mul3A_141 : vector<16xi32>
    %add3A_143 = arith.constant 10 : i32
    %add3A_144 = vector.broadcast %add3A_143 : i32 to vector<16xi32>
    %add3A_145 = arith.addi %mul3A_142, %add3A_144 : vector<16xi32>
    %gather3A_146 = tpu.vector_load_idx %arg10[%add3A_145] : memref<1360xf32, #tpu.memory_space<vmem>>[vector<16xi32>], vector<16xf32>,
    %add3A_147 = arith.addf %add3A_139, %gather3A_146 : vector<16xf32>
    %mul3A_148 = arith.constant 17 : i32
    %mul3A_149 = vector.broadcast %mul3A_148 : i32 to vector<16xi32>
    %mul3A_150 = arith.muli %add3A_64, %mul3A_149 : vector<16xi32>
    %add3A_151 = arith.constant 11 : i32
    %add3A_152 = vector.broadcast %add3A_151 : i32 to vector<16xi32>
    %add3A_153 = arith.addi %mul3A_150, %add3A_152 : vector<16xi32>
    %gather3A_154 = tpu.vector_load_idx %arg10[%add3A_153] : memref<1360xf32, #tpu.memory_space<vmem>>[vector<16xi32>], vector<16xf32>,
    %add3A_155 = arith.addf %add3A_147, %gather3A_154 : vector<16xf32>
    %mul3A_156 = arith.constant 17 : i32
    %mul3A_157 = vector.broadcast %mul3A_156 : i32 to vector<16xi32>
    %mul3A_158 = arith.muli %add3A_64, %mul3A_157 : vector<16xi32>
    %add3A_159 = arith.constant 12 : i32
    %add3A_160 = vector.broadcast %add3A_159 : i32 to vector<16xi32>
    %add3A_161 = arith.addi %mul3A_158, %add3A_160 : vector<16xi32>
    %gather3A_162 = tpu.vector_load_idx %arg10[%add3A_161] : memref<1360xf32, #tpu.memory_space<vmem>>[vector<16xi32>], vector<16xf32>,
    %add3A_163 = arith.addf %add3A_155, %gather3A_162 : vector<16xf32>
    %mul3A_164 = arith.constant 17 : i32
    %mul3A_165 = vector.broadcast %mul3A_164 : i32 to vector<16xi32>
    %mul3A_166 = arith.muli %add3A_64, %mul3A_165 : vector<16xi32>
    %add3A_167 = arith.constant 13 : i32
    %add3A_168 = vector.broadcast %add3A_167 : i32 to vector<16xi32>
    %add3A_169 = arith.addi %mul3A_166, %add3A_168 : vector<16xi32>
    %gather3A_170 = tpu.vector_load_idx %arg10[%add3A_169] : memref<1360xf32, #tpu.memory_space<vmem>>[vector<16xi32>], vector<16xf32>,
    %add3A_171 = arith.addf %add3A_163, %gather3A_170 : vector<16xf32>
    %mul3A_172 = arith.constant 17 : i32
    %mul3A_173 = vector.broadcast %mul3A_172 : i32 to vector<16xi32>
    %mul3A_174 = arith.muli %add3A_64, %mul3A_173 : vector<16xi32>
    %add3A_175 = arith.constant 14 : i32
    %add3A_176 = vector.broadcast %add3A_175 : i32 to vector<16xi32>
    %add3A_177 = arith.addi %mul3A_174, %add3A_176 : vector<16xi32>
    %gather3A_178 = tpu.vector_load_idx %arg10[%add3A_177] : memref<1360xf32, #tpu.memory_space<vmem>>[vector<16xi32>], vector<16xf32>,
    %add3A_179 = arith.addf %add3A_171, %gather3A_178 : vector<16xf32>
    %mul3A_180 = arith.constant 17 : i32
    %mul3A_181 = vector.broadcast %mul3A_180 : i32 to vector<16xi32>
    %mul3A_182 = arith.muli %add3A_64, %mul3A_181 : vector<16xi32>
    %add3A_183 = arith.constant 15 : i32
    %add3A_184 = vector.broadcast %add3A_183 : i32 to vector<16xi32>
    %add3A_185 = arith.addi %mul3A_182, %add3A_184 : vector<16xi32>
    %gather3A_186 = tpu.vector_load_idx %arg10[%add3A_185] : memref<1360xf32, #tpu.memory_space<vmem>>[vector<16xi32>], vector<16xf32>,
    %add3A_187 = arith.addf %add3A_179, %gather3A_186 : vector<16xf32>
    %swap3A = arith.constant 0 : i32
    %swap3A_188 = arith.index_cast %swap3A : i32 to index
    %swap3A_189 = arith.constant 0 : index
    %swap3A_190 = tpu.vector_load %arg11[%swap3A_188, %swap3A_189] {strides = array<i32>} : memref<2x80xf32, #tpu.memory_space<vmem>>, vector<16xf32>,
    tpu.vector_store %arg11[%swap3A_188, %swap3A_189], %add3A_187 {strides = array<i32>} : memref<2x80xf32, #tpu.memory_space<vmem>>, vector<16xf32>,
    %add3A_191 = arith.constant 16 : i32
    %add3A_192 = vector.broadcast %add3A_191 : i32 to vector<16xi32>
    %add3A_193 = arith.addi %add3A_192, %iota3A : vector<16xi32>
    %mul3A_194 = arith.constant 17 : i32
    %mul3A_195 = vector.broadcast %mul3A_194 : i32 to vector<16xi32>
    %mul3A_196 = arith.muli %add3A_193, %mul3A_195 : vector<16xi32>
    %gather3A_197 = tpu.vector_load_idx %arg10[%mul3A_196] : memref<1360xf32, #tpu.memory_space<vmem>>[vector<16xi32>], vector<16xf32>,
    %mul3A_198 = arith.constant 17 : i32
    %mul3A_199 = vector.broadcast %mul3A_198 : i32 to vector<16xi32>
    %mul3A_200 = arith.muli %add3A_193, %mul3A_199 : vector<16xi32>
    %add3A_201 = arith.constant 1 : i32
    %add3A_202 = vector.broadcast %add3A_201 : i32 to vector<16xi32>
    %add3A_203 = arith.addi %mul3A_200, %add3A_202 : vector<16xi32>
    %gather3A_204 = tpu.vector_load_idx %arg10[%add3A_203] : memref<1360xf32, #tpu.memory_space<vmem>>[vector<16xi32>], vector<16xf32>,
    %add3A_205 = arith.addf %gather3A_197, %gather3A_204 : vector<16xf32>
    %mul3A_206 = arith.constant 17 : i32
    %mul3A_207 = vector.broadcast %mul3A_206 : i32 to vector<16xi32>
    %mul3A_208 = arith.muli %add3A_193, %mul3A_207 : vector<16xi32>
    %add3A_209 = arith.constant 2 : i32
    %add3A_210 = vector.broadcast %add3A_209 : i32 to vector<16xi32>
    %add3A_211 = arith.addi %mul3A_208, %add3A_210 : vector<16xi32>
    %gather3A_212 = tpu.vector_load_idx %arg10[%add3A_211] : memref<1360xf32, #tpu.memory_space<vmem>>[vector<16xi32>], vector<16xf32>,
    %add3A_213 = arith.addf %add3A_205, %gather3A_212 : vector<16xf32>
    %mul3A_214 = arith.constant 17 : i32
    %mul3A_215 = vector.broadcast %mul3A_214 : i32 to vector<16xi32>
    %mul3A_216 = arith.muli %add3A_193, %mul3A_215 : vector<16xi32>
    %add3A_217 = arith.constant 3 : i32
    %add3A_218 = vector.broadcast %add3A_217 : i32 to vector<16xi32>
    %add3A_219 = arith.addi %mul3A_216, %add3A_218 : vector<16xi32>
    %gather3A_220 = tpu.vector_load_idx %arg10[%add3A_219] : memref<1360xf32, #tpu.memory_space<vmem>>[vector<16xi32>], vector<16xf32>,
    %add3A_221 = arith.addf %add3A_213, %gather3A_220 : vector<16xf32>
    %mul3A_222 = arith.constant 17 : i32
    %mul3A_223 = vector.broadcast %mul3A_222 : i32 to vector<16xi32>
    %mul3A_224 = arith.muli %add3A_193, %mul3A_223 : vector<16xi32>
    %add3A_225 = arith.constant 4 : i32
    %add3A_226 = vector.broadcast %add3A_225 : i32 to vector<16xi32>
    %add3A_227 = arith.addi %mul3A_224, %add3A_226 : vector<16xi32>
    %gather3A_228 = tpu.vector_load_idx %arg10[%add3A_227] : memref<1360xf32, #tpu.memory_space<vmem>>[vector<16xi32>], vector<16xf32>,
    %add3A_229 = arith.addf %add3A_221, %gather3A_228 : vector<16xf32>
    %mul3A_230 = arith.constant 17 : i32
    %mul3A_231 = vector.broadcast %mul3A_230 : i32 to vector<16xi32>
    %mul3A_232 = arith.muli %add3A_193, %mul3A_231 : vector<16xi32>
    %add3A_233 = arith.constant 5 : i32
    %add3A_234 = vector.broadcast %add3A_233 : i32 to vector<16xi32>
    %add3A_235 = arith.addi %mul3A_232, %add3A_234 : vector<16xi32>
    %gather3A_236 = tpu.vector_load_idx %arg10[%add3A_235] : memref<1360xf32, #tpu.memory_space<vmem>>[vector<16xi32>], vector<16xf32>,
    %add3A_237 = arith.addf %add3A_229, %gather3A_236 : vector<16xf32>
    %mul3A_238 = arith.constant 17 : i32
    %mul3A_239 = vector.broadcast %mul3A_238 : i32 to vector<16xi32>
    %mul3A_240 = arith.muli %add3A_193, %mul3A_239 : vector<16xi32>
    %add3A_241 = arith.constant 6 : i32
    %add3A_242 = vector.broadcast %add3A_241 : i32 to vector<16xi32>
    %add3A_243 = arith.addi %mul3A_240, %add3A_242 : vector<16xi32>
    %gather3A_244 = tpu.vector_load_idx %arg10[%add3A_243] : memref<1360xf32, #tpu.memory_space<vmem>>[vector<16xi32>], vector<16xf32>,
    %add3A_245 = arith.addf %add3A_237, %gather3A_244 : vector<16xf32>
    %mul3A_246 = arith.constant 17 : i32
    %mul3A_247 = vector.broadcast %mul3A_246 : i32 to vector<16xi32>
    %mul3A_248 = arith.muli %add3A_193, %mul3A_247 : vector<16xi32>
    %add3A_249 = arith.constant 7 : i32
    %add3A_250 = vector.broadcast %add3A_249 : i32 to vector<16xi32>
    %add3A_251 = arith.addi %mul3A_248, %add3A_250 : vector<16xi32>
    %gather3A_252 = tpu.vector_load_idx %arg10[%add3A_251] : memref<1360xf32, #tpu.memory_space<vmem>>[vector<16xi32>], vector<16xf32>,
    %add3A_253 = arith.addf %add3A_245, %gather3A_252 : vector<16xf32>
    %mul3A_254 = arith.constant 17 : i32
    %mul3A_255 = vector.broadcast %mul3A_254 : i32 to vector<16xi32>
    %mul3A_256 = arith.muli %add3A_193, %mul3A_255 : vector<16xi32>
    %add3A_257 = arith.constant 8 : i32
    %add3A_258 = vector.broadcast %add3A_257 : i32 to vector<16xi32>
    %add3A_259 = arith.addi %mul3A_256, %add3A_258 : vector<16xi32>
    %gather3A_260 = tpu.vector_load_idx %arg10[%add3A_259] : memref<1360xf32, #tpu.memory_space<vmem>>[vector<16xi32>], vector<16xf32>,
    %add3A_261 = arith.addf %add3A_253, %gather3A_260 : vector<16xf32>
    %mul3A_262 = arith.constant 17 : i32
    %mul3A_263 = vector.broadcast %mul3A_262 : i32 to vector<16xi32>
    %mul3A_264 = arith.muli %add3A_193, %mul3A_263 : vector<16xi32>
    %add3A_265 = arith.constant 9 : i32
    %add3A_266 = vector.broadcast %add3A_265 : i32 to vector<16xi32>
    %add3A_267 = arith.addi %mul3A_264, %add3A_266 : vector<16xi32>
    %gather3A_268 = tpu.vector_load_idx %arg10[%add3A_267] : memref<1360xf32, #tpu.memory_space<vmem>>[vector<16xi32>], vector<16xf32>,
    %add3A_269 = arith.addf %add3A_261, %gather3A_268 : vector<16xf32>
    %mul3A_270 = arith.constant 17 : i32
    %mul3A_271 = vector.broadcast %mul3A_270 : i32 to vector<16xi32>
    %mul3A_272 = arith.muli %add3A_193, %mul3A_271 : vector<16xi32>
    %add3A_273 = arith.constant 10 : i32
    %add3A_274 = vector.broadcast %add3A_273 : i32 to vector<16xi32>
    %add3A_275 = arith.addi %mul3A_272, %add3A_274 : vector<16xi32>
    %gather3A_276 = tpu.vector_load_idx %arg10[%add3A_275] : memref<1360xf32, #tpu.memory_space<vmem>>[vector<16xi32>], vector<16xf32>,
    %add3A_277 = arith.addf %add3A_269, %gather3A_276 : vector<16xf32>
    %mul3A_278 = arith.constant 17 : i32
    %mul3A_279 = vector.broadcast %mul3A_278 : i32 to vector<16xi32>
    %mul3A_280 = arith.muli %add3A_193, %mul3A_279 : vector<16xi32>
    %add3A_281 = arith.constant 11 : i32
    %add3A_282 = vector.broadcast %add3A_281 : i32 to vector<16xi32>
    %add3A_283 = arith.addi %mul3A_280, %add3A_282 : vector<16xi32>
    %gather3A_284 = tpu.vector_load_idx %arg10[%add3A_283] : memref<1360xf32, #tpu.memory_space<vmem>>[vector<16xi32>], vector<16xf32>,
    %add3A_285 = arith.addf %add3A_277, %gather3A_284 : vector<16xf32>
    %mul3A_286 = arith.constant 17 : i32
    %mul3A_287 = vector.broadcast %mul3A_286 : i32 to vector<16xi32>
    %mul3A_288 = arith.muli %add3A_193, %mul3A_287 : vector<16xi32>
    %add3A_289 = arith.constant 12 : i32
    %add3A_290 = vector.broadcast %add3A_289 : i32 to vector<16xi32>
    %add3A_291 = arith.addi %mul3A_288, %add3A_290 : vector<16xi32>
    %gather3A_292 = tpu.vector_load_idx %arg10[%add3A_291] : memref<1360xf32, #tpu.memory_space<vmem>>[vector<16xi32>], vector<16xf32>,
    %add3A_293 = arith.addf %add3A_285, %gather3A_292 : vector<16xf32>
    %mul3A_294 = arith.constant 17 : i32
    %mul3A_295 = vector.broadcast %mul3A_294 : i32 to vector<16xi32>
    %mul3A_296 = arith.muli %add3A_193, %mul3A_295 : vector<16xi32>
    %add3A_297 = arith.constant 13 : i32
    %add3A_298 = vector.broadcast %add3A_297 : i32 to vector<16xi32>
    %add3A_299 = arith.addi %mul3A_296, %add3A_298 : vector<16xi32>
    %gather3A_300 = tpu.vector_load_idx %arg10[%add3A_299] : memref<1360xf32, #tpu.memory_space<vmem>>[vector<16xi32>], vector<16xf32>,
    %add3A_301 = arith.addf %add3A_293, %gather3A_300 : vector<16xf32>
    %mul3A_302 = arith.constant 17 : i32
    %mul3A_303 = vector.broadcast %mul3A_302 : i32 to vector<16xi32>
    %mul3A_304 = arith.muli %add3A_193, %mul3A_303 : vector<16xi32>
    %add3A_305 = arith.constant 14 : i32
    %add3A_306 = vector.broadcast %add3A_305 : i32 to vector<16xi32>
    %add3A_307 = arith.addi %mul3A_304, %add3A_306 : vector<16xi32>
    %gather3A_308 = tpu.vector_load_idx %arg10[%add3A_307] : memref<1360xf32, #tpu.memory_space<vmem>>[vector<16xi32>], vector<16xf32>,
    %add3A_309 = arith.addf %add3A_301, %gather3A_308 : vector<16xf32>
    %mul3A_310 = arith.constant 17 : i32
    %mul3A_311 = vector.broadcast %mul3A_310 : i32 to vector<16xi32>
    %mul3A_312 = arith.muli %add3A_193, %mul3A_311 : vector<16xi32>
    %add3A_313 = arith.constant 15 : i32
    %add3A_314 = vector.broadcast %add3A_313 : i32 to vector<16xi32>
    %add3A_315 = arith.addi %mul3A_312, %add3A_314 : vector<16xi32>
    %gather3A_316 = tpu.vector_load_idx %arg10[%add3A_315] : memref<1360xf32, #tpu.memory_space<vmem>>[vector<16xi32>], vector<16xf32>,
    %add3A_317 = arith.addf %add3A_309, %gather3A_316 : vector<16xf32>
    %swap3A_318 = arith.constant 0 : i32
    %swap3A_319 = arith.index_cast %swap3A_318 : i32 to index
    %swap3A_320 = arith.constant 16 : index
    %swap3A_321 = tpu.vector_load %arg11[%swap3A_319, %swap3A_320] {strides = array<i32>} : memref<2x80xf32, #tpu.memory_space<vmem>>, vector<16xf32>,
    tpu.vector_store %arg11[%swap3A_319, %swap3A_320], %add3A_317 {strides = array<i32>} : memref<2x80xf32, #tpu.memory_space<vmem>>, vector<16xf32>,
    %add3A_322 = arith.constant 32 : i32
    %add3A_323 = vector.broadcast %add3A_322 : i32 to vector<16xi32>
    %add3A_324 = arith.addi %add3A_323, %iota3A : vector<16xi32>
    %mul3A_325 = arith.constant 17 : i32
    %mul3A_326 = vector.broadcast %mul3A_325 : i32 to vector<16xi32>
    %mul3A_327 = arith.muli %add3A_324, %mul3A_326 : vector<16xi32>
    %gather3A_328 = tpu.vector_load_idx %arg10[%mul3A_327] : memref<1360xf32, #tpu.memory_space<vmem>>[vector<16xi32>], vector<16xf32>,
    %mul3A_329 = arith.constant 17 : i32
    %mul3A_330 = vector.broadcast %mul3A_329 : i32 to vector<16xi32>
    %mul3A_331 = arith.muli %add3A_324, %mul3A_330 : vector<16xi32>
    %add3A_332 = arith.constant 1 : i32
    %add3A_333 = vector.broadcast %add3A_332 : i32 to vector<16xi32>
    %add3A_334 = arith.addi %mul3A_331, %add3A_333 : vector<16xi32>
    %gather3A_335 = tpu.vector_load_idx %arg10[%add3A_334] : memref<1360xf32, #tpu.memory_space<vmem>>[vector<16xi32>], vector<16xf32>,
    %add3A_336 = arith.addf %gather3A_328, %gather3A_335 : vector<16xf32>
    %mul3A_337 = arith.constant 17 : i32
    %mul3A_338 = vector.broadcast %mul3A_337 : i32 to vector<16xi32>
    %mul3A_339 = arith.muli %add3A_324, %mul3A_338 : vector<16xi32>
    %add3A_340 = arith.constant 2 : i32
    %add3A_341 = vector.broadcast %add3A_340 : i32 to vector<16xi32>
    %add3A_342 = arith.addi %mul3A_339, %add3A_341 : vector<16xi32>
    %gather3A_343 = tpu.vector_load_idx %arg10[%add3A_342] : memref<1360xf32, #tpu.memory_space<vmem>>[vector<16xi32>], vector<16xf32>,
    %add3A_344 = arith.addf %add3A_336, %gather3A_343 : vector<16xf32>
    %mul3A_345 = arith.constant 17 : i32
    %mul3A_346 = vector.broadcast %mul3A_345 : i32 to vector<16xi32>
    %mul3A_347 = arith.muli %add3A_324, %mul3A_346 : vector<16xi32>
    %add3A_348 = arith.constant 3 : i32
    %add3A_349 = vector.broadcast %add3A_348 : i32 to vector<16xi32>
    %add3A_350 = arith.addi %mul3A_347, %add3A_349 : vector<16xi32>
    %gather3A_351 = tpu.vector_load_idx %arg10[%add3A_350] : memref<1360xf32, #tpu.memory_space<vmem>>[vector<16xi32>], vector<16xf32>,
    %add3A_352 = arith.addf %add3A_344, %gather3A_351 : vector<16xf32>
    %mul3A_353 = arith.constant 17 : i32
    %mul3A_354 = vector.broadcast %mul3A_353 : i32 to vector<16xi32>
    %mul3A_355 = arith.muli %add3A_324, %mul3A_354 : vector<16xi32>
    %add3A_356 = arith.constant 4 : i32
    %add3A_357 = vector.broadcast %add3A_356 : i32 to vector<16xi32>
    %add3A_358 = arith.addi %mul3A_355, %add3A_357 : vector<16xi32>
    %gather3A_359 = tpu.vector_load_idx %arg10[%add3A_358] : memref<1360xf32, #tpu.memory_space<vmem>>[vector<16xi32>], vector<16xf32>,
    %add3A_360 = arith.addf %add3A_352, %gather3A_359 : vector<16xf32>
    %mul3A_361 = arith.constant 17 : i32
    %mul3A_362 = vector.broadcast %mul3A_361 : i32 to vector<16xi32>
    %mul3A_363 = arith.muli %add3A_324, %mul3A_362 : vector<16xi32>
    %add3A_364 = arith.constant 5 : i32
    %add3A_365 = vector.broadcast %add3A_364 : i32 to vector<16xi32>
    %add3A_366 = arith.addi %mul3A_363, %add3A_365 : vector<16xi32>
    %gather3A_367 = tpu.vector_load_idx %arg10[%add3A_366] : memref<1360xf32, #tpu.memory_space<vmem>>[vector<16xi32>], vector<16xf32>,
    %add3A_368 = arith.addf %add3A_360, %gather3A_367 : vector<16xf32>
    %mul3A_369 = arith.constant 17 : i32
    %mul3A_370 = vector.broadcast %mul3A_369 : i32 to vector<16xi32>
    %mul3A_371 = arith.muli %add3A_324, %mul3A_370 : vector<16xi32>
    %add3A_372 = arith.constant 6 : i32
    %add3A_373 = vector.broadcast %add3A_372 : i32 to vector<16xi32>
    %add3A_374 = arith.addi %mul3A_371, %add3A_373 : vector<16xi32>
    %gather3A_375 = tpu.vector_load_idx %arg10[%add3A_374] : memref<1360xf32, #tpu.memory_space<vmem>>[vector<16xi32>], vector<16xf32>,
    %add3A_376 = arith.addf %add3A_368, %gather3A_375 : vector<16xf32>
    %mul3A_377 = arith.constant 17 : i32
    %mul3A_378 = vector.broadcast %mul3A_377 : i32 to vector<16xi32>
    %mul3A_379 = arith.muli %add3A_324, %mul3A_378 : vector<16xi32>
    %add3A_380 = arith.constant 7 : i32
    %add3A_381 = vector.broadcast %add3A_380 : i32 to vector<16xi32>
    %add3A_382 = arith.addi %mul3A_379, %add3A_381 : vector<16xi32>
    %gather3A_383 = tpu.vector_load_idx %arg10[%add3A_382] : memref<1360xf32, #tpu.memory_space<vmem>>[vector<16xi32>], vector<16xf32>,
    %add3A_384 = arith.addf %add3A_376, %gather3A_383 : vector<16xf32>
    %mul3A_385 = arith.constant 17 : i32
    %mul3A_386 = vector.broadcast %mul3A_385 : i32 to vector<16xi32>
    %mul3A_387 = arith.muli %add3A_324, %mul3A_386 : vector<16xi32>
    %add3A_388 = arith.constant 8 : i32
    %add3A_389 = vector.broadcast %add3A_388 : i32 to vector<16xi32>
    %add3A_390 = arith.addi %mul3A_387, %add3A_389 : vector<16xi32>
    %gather3A_391 = tpu.vector_load_idx %arg10[%add3A_390] : memref<1360xf32, #tpu.memory_space<vmem>>[vector<16xi32>], vector<16xf32>,
    %add3A_392 = arith.addf %add3A_384, %gather3A_391 : vector<16xf32>
    %mul3A_393 = arith.constant 17 : i32
    %mul3A_394 = vector.broadcast %mul3A_393 : i32 to vector<16xi32>
    %mul3A_395 = arith.muli %add3A_324, %mul3A_394 : vector<16xi32>
    %add3A_396 = arith.constant 9 : i32
    %add3A_397 = vector.broadcast %add3A_396 : i32 to vector<16xi32>
    %add3A_398 = arith.addi %mul3A_395, %add3A_397 : vector<16xi32>
    %gather3A_399 = tpu.vector_load_idx %arg10[%add3A_398] : memref<1360xf32, #tpu.memory_space<vmem>>[vector<16xi32>], vector<16xf32>,
    %add3A_400 = arith.addf %add3A_392, %gather3A_399 : vector<16xf32>
    %mul3A_401 = arith.constant 17 : i32
    %mul3A_402 = vector.broadcast %mul3A_401 : i32 to vector<16xi32>
    %mul3A_403 = arith.muli %add3A_324, %mul3A_402 : vector<16xi32>
    %add3A_404 = arith.constant 10 : i32
    %add3A_405 = vector.broadcast %add3A_404 : i32 to vector<16xi32>
    %add3A_406 = arith.addi %mul3A_403, %add3A_405 : vector<16xi32>
    %gather3A_407 = tpu.vector_load_idx %arg10[%add3A_406] : memref<1360xf32, #tpu.memory_space<vmem>>[vector<16xi32>], vector<16xf32>,
    %add3A_408 = arith.addf %add3A_400, %gather3A_407 : vector<16xf32>
    %mul3A_409 = arith.constant 17 : i32
    %mul3A_410 = vector.broadcast %mul3A_409 : i32 to vector<16xi32>
    %mul3A_411 = arith.muli %add3A_324, %mul3A_410 : vector<16xi32>
    %add3A_412 = arith.constant 11 : i32
    %add3A_413 = vector.broadcast %add3A_412 : i32 to vector<16xi32>
    %add3A_414 = arith.addi %mul3A_411, %add3A_413 : vector<16xi32>
    %gather3A_415 = tpu.vector_load_idx %arg10[%add3A_414] : memref<1360xf32, #tpu.memory_space<vmem>>[vector<16xi32>], vector<16xf32>,
    %add3A_416 = arith.addf %add3A_408, %gather3A_415 : vector<16xf32>
    %mul3A_417 = arith.constant 17 : i32
    %mul3A_418 = vector.broadcast %mul3A_417 : i32 to vector<16xi32>
    %mul3A_419 = arith.muli %add3A_324, %mul3A_418 : vector<16xi32>
    %add3A_420 = arith.constant 12 : i32
    %add3A_421 = vector.broadcast %add3A_420 : i32 to vector<16xi32>
    %add3A_422 = arith.addi %mul3A_419, %add3A_421 : vector<16xi32>
    %gather3A_423 = tpu.vector_load_idx %arg10[%add3A_422] : memref<1360xf32, #tpu.memory_space<vmem>>[vector<16xi32>], vector<16xf32>,
    %add3A_424 = arith.addf %add3A_416, %gather3A_423 : vector<16xf32>
    %mul3A_425 = arith.constant 17 : i32
    %mul3A_426 = vector.broadcast %mul3A_425 : i32 to vector<16xi32>
    %mul3A_427 = arith.muli %add3A_324, %mul3A_426 : vector<16xi32>
    %add3A_428 = arith.constant 13 : i32
    %add3A_429 = vector.broadcast %add3A_428 : i32 to vector<16xi32>
    %add3A_430 = arith.addi %mul3A_427, %add3A_429 : vector<16xi32>
    %gather3A_431 = tpu.vector_load_idx %arg10[%add3A_430] : memref<1360xf32, #tpu.memory_space<vmem>>[vector<16xi32>], vector<16xf32>,
    %add3A_432 = arith.addf %add3A_424, %gather3A_431 : vector<16xf32>
    %mul3A_433 = arith.constant 17 : i32
    %mul3A_434 = vector.broadcast %mul3A_433 : i32 to vector<16xi32>
    %mul3A_435 = arith.muli %add3A_324, %mul3A_434 : vector<16xi32>
    %add3A_436 = arith.constant 14 : i32
    %add3A_437 = vector.broadcast %add3A_436 : i32 to vector<16xi32>
    %add3A_438 = arith.addi %mul3A_435, %add3A_437 : vector<16xi32>
    %gather3A_439 = tpu.vector_load_idx %arg10[%add3A_438] : memref<1360xf32, #tpu.memory_space<vmem>>[vector<16xi32>], vector<16xf32>,
    %add3A_440 = arith.addf %add3A_432, %gather3A_439 : vector<16xf32>
    %mul3A_441 = arith.constant 17 : i32
    %mul3A_442 = vector.broadcast %mul3A_441 : i32 to vector<16xi32>
    %mul3A_443 = arith.muli %add3A_324, %mul3A_442 : vector<16xi32>
    %add3A_444 = arith.constant 15 : i32
    %add3A_445 = vector.broadcast %add3A_444 : i32 to vector<16xi32>
    %add3A_446 = arith.addi %mul3A_443, %add3A_445 : vector<16xi32>
    %gather3A_447 = tpu.vector_load_idx %arg10[%add3A_446] : memref<1360xf32, #tpu.memory_space<vmem>>[vector<16xi32>], vector<16xf32>,
    %add3A_448 = arith.addf %add3A_440, %gather3A_447 : vector<16xf32>
    %swap3A_449 = arith.constant 0 : i32
    %swap3A_450 = arith.index_cast %swap3A_449 : i32 to index
    %swap3A_451 = arith.constant 32 : index
    %swap3A_452 = tpu.vector_load %arg11[%swap3A_450, %swap3A_451] {strides = array<i32>} : memref<2x80xf32, #tpu.memory_space<vmem>>, vector<16xf32>,
    tpu.vector_store %arg11[%swap3A_450, %swap3A_451], %add3A_448 {strides = array<i32>} : memref<2x80xf32, #tpu.memory_space<vmem>>, vector<16xf32>,
    %add3A_453 = arith.constant 48 : i32
    %add3A_454 = vector.broadcast %add3A_453 : i32 to vector<16xi32>
    %add3A_455 = arith.addi %add3A_454, %iota3A : vector<16xi32>
    %mul3A_456 = arith.constant 17 : i32
    %mul3A_457 = vector.broadcast %mul3A_456 : i32 to vector<16xi32>
    %mul3A_458 = arith.muli %add3A_455, %mul3A_457 : vector<16xi32>
    %gather3A_459 = tpu.vector_load_idx %arg10[%mul3A_458] : memref<1360xf32, #tpu.memory_space<vmem>>[vector<16xi32>], vector<16xf32>,
    %mul3A_460 = arith.constant 17 : i32
    %mul3A_461 = vector.broadcast %mul3A_460 : i32 to vector<16xi32>
    %mul3A_462 = arith.muli %add3A_455, %mul3A_461 : vector<16xi32>
    %add3A_463 = arith.constant 1 : i32
    %add3A_464 = vector.broadcast %add3A_463 : i32 to vector<16xi32>
    %add3A_465 = arith.addi %mul3A_462, %add3A_464 : vector<16xi32>
    %gather3A_466 = tpu.vector_load_idx %arg10[%add3A_465] : memref<1360xf32, #tpu.memory_space<vmem>>[vector<16xi32>], vector<16xf32>,
    %add3A_467 = arith.addf %gather3A_459, %gather3A_466 : vector<16xf32>
    %mul3A_468 = arith.constant 17 : i32
    %mul3A_469 = vector.broadcast %mul3A_468 : i32 to vector<16xi32>
    %mul3A_470 = arith.muli %add3A_455, %mul3A_469 : vector<16xi32>
    %add3A_471 = arith.constant 2 : i32
    %add3A_472 = vector.broadcast %add3A_471 : i32 to vector<16xi32>
    %add3A_473 = arith.addi %mul3A_470, %add3A_472 : vector<16xi32>
    %gather3A_474 = tpu.vector_load_idx %arg10[%add3A_473] : memref<1360xf32, #tpu.memory_space<vmem>>[vector<16xi32>], vector<16xf32>,
    %add3A_475 = arith.addf %add3A_467, %gather3A_474 : vector<16xf32>
    %mul3A_476 = arith.constant 17 : i32
    %mul3A_477 = vector.broadcast %mul3A_476 : i32 to vector<16xi32>
    %mul3A_478 = arith.muli %add3A_455, %mul3A_477 : vector<16xi32>
    %add3A_479 = arith.constant 3 : i32
    %add3A_480 = vector.broadcast %add3A_479 : i32 to vector<16xi32>
    %add3A_481 = arith.addi %mul3A_478, %add3A_480 : vector<16xi32>
    %gather3A_482 = tpu.vector_load_idx %arg10[%add3A_481] : memref<1360xf32, #tpu.memory_space<vmem>>[vector<16xi32>], vector<16xf32>,
    %add3A_483 = arith.addf %add3A_475, %gather3A_482 : vector<16xf32>
    %mul3A_484 = arith.constant 17 : i32
    %mul3A_485 = vector.broadcast %mul3A_484 : i32 to vector<16xi32>
    %mul3A_486 = arith.muli %add3A_455, %mul3A_485 : vector<16xi32>
    %add3A_487 = arith.constant 4 : i32
    %add3A_488 = vector.broadcast %add3A_487 : i32 to vector<16xi32>
    %add3A_489 = arith.addi %mul3A_486, %add3A_488 : vector<16xi32>
    %gather3A_490 = tpu.vector_load_idx %arg10[%add3A_489] : memref<1360xf32, #tpu.memory_space<vmem>>[vector<16xi32>], vector<16xf32>,
    %add3A_491 = arith.addf %add3A_483, %gather3A_490 : vector<16xf32>
    %mul3A_492 = arith.constant 17 : i32
    %mul3A_493 = vector.broadcast %mul3A_492 : i32 to vector<16xi32>
    %mul3A_494 = arith.muli %add3A_455, %mul3A_493 : vector<16xi32>
    %add3A_495 = arith.constant 5 : i32
    %add3A_496 = vector.broadcast %add3A_495 : i32 to vector<16xi32>
    %add3A_497 = arith.addi %mul3A_494, %add3A_496 : vector<16xi32>
    %gather3A_498 = tpu.vector_load_idx %arg10[%add3A_497] : memref<1360xf32, #tpu.memory_space<vmem>>[vector<16xi32>], vector<16xf32>,
    %add3A_499 = arith.addf %add3A_491, %gather3A_498 : vector<16xf32>
    %mul3A_500 = arith.constant 17 : i32
    %mul3A_501 = vector.broadcast %mul3A_500 : i32 to vector<16xi32>
    %mul3A_502 = arith.muli %add3A_455, %mul3A_501 : vector<16xi32>
    %add3A_503 = arith.constant 6 : i32
    %add3A_504 = vector.broadcast %add3A_503 : i32 to vector<16xi32>
    %add3A_505 = arith.addi %mul3A_502, %add3A_504 : vector<16xi32>
    %gather3A_506 = tpu.vector_load_idx %arg10[%add3A_505] : memref<1360xf32, #tpu.memory_space<vmem>>[vector<16xi32>], vector<16xf32>,
    %add3A_507 = arith.addf %add3A_499, %gather3A_506 : vector<16xf32>
    %mul3A_508 = arith.constant 17 : i32
    %mul3A_509 = vector.broadcast %mul3A_508 : i32 to vector<16xi32>
    %mul3A_510 = arith.muli %add3A_455, %mul3A_509 : vector<16xi32>
    %add3A_511 = arith.constant 7 : i32
    %add3A_512 = vector.broadcast %add3A_511 : i32 to vector<16xi32>
    %add3A_513 = arith.addi %mul3A_510, %add3A_512 : vector<16xi32>
    %gather3A_514 = tpu.vector_load_idx %arg10[%add3A_513] : memref<1360xf32, #tpu.memory_space<vmem>>[vector<16xi32>], vector<16xf32>,
    %add3A_515 = arith.addf %add3A_507, %gather3A_514 : vector<16xf32>
    %mul3A_516 = arith.constant 17 : i32
    %mul3A_517 = vector.broadcast %mul3A_516 : i32 to vector<16xi32>
    %mul3A_518 = arith.muli %add3A_455, %mul3A_517 : vector<16xi32>
    %add3A_519 = arith.constant 8 : i32
    %add3A_520 = vector.broadcast %add3A_519 : i32 to vector<16xi32>
    %add3A_521 = arith.addi %mul3A_518, %add3A_520 : vector<16xi32>
    %gather3A_522 = tpu.vector_load_idx %arg10[%add3A_521] : memref<1360xf32, #tpu.memory_space<vmem>>[vector<16xi32>], vector<16xf32>,
    %add3A_523 = arith.addf %add3A_515, %gather3A_522 : vector<16xf32>
    %mul3A_524 = arith.constant 17 : i32
    %mul3A_525 = vector.broadcast %mul3A_524 : i32 to vector<16xi32>
    %mul3A_526 = arith.muli %add3A_455, %mul3A_525 : vector<16xi32>
    %add3A_527 = arith.constant 9 : i32
    %add3A_528 = vector.broadcast %add3A_527 : i32 to vector<16xi32>
    %add3A_529 = arith.addi %mul3A_526, %add3A_528 : vector<16xi32>
    %gather3A_530 = tpu.vector_load_idx %arg10[%add3A_529] : memref<1360xf32, #tpu.memory_space<vmem>>[vector<16xi32>], vector<16xf32>,
    %add3A_531 = arith.addf %add3A_523, %gather3A_530 : vector<16xf32>
    %mul3A_532 = arith.constant 17 : i32
    %mul3A_533 = vector.broadcast %mul3A_532 : i32 to vector<16xi32>
    %mul3A_534 = arith.muli %add3A_455, %mul3A_533 : vector<16xi32>
    %add3A_535 = arith.constant 10 : i32
    %add3A_536 = vector.broadcast %add3A_535 : i32 to vector<16xi32>
    %add3A_537 = arith.addi %mul3A_534, %add3A_536 : vector<16xi32>
    %gather3A_538 = tpu.vector_load_idx %arg10[%add3A_537] : memref<1360xf32, #tpu.memory_space<vmem>>[vector<16xi32>], vector<16xf32>,
    %add3A_539 = arith.addf %add3A_531, %gather3A_538 : vector<16xf32>
    %mul3A_540 = arith.constant 17 : i32
    %mul3A_541 = vector.broadcast %mul3A_540 : i32 to vector<16xi32>
    %mul3A_542 = arith.muli %add3A_455, %mul3A_541 : vector<16xi32>
    %add3A_543 = arith.constant 11 : i32
    %add3A_544 = vector.broadcast %add3A_543 : i32 to vector<16xi32>
    %add3A_545 = arith.addi %mul3A_542, %add3A_544 : vector<16xi32>
    %gather3A_546 = tpu.vector_load_idx %arg10[%add3A_545] : memref<1360xf32, #tpu.memory_space<vmem>>[vector<16xi32>], vector<16xf32>,
    %add3A_547 = arith.addf %add3A_539, %gather3A_546 : vector<16xf32>
    %mul3A_548 = arith.constant 17 : i32
    %mul3A_549 = vector.broadcast %mul3A_548 : i32 to vector<16xi32>
    %mul3A_550 = arith.muli %add3A_455, %mul3A_549 : vector<16xi32>
    %add3A_551 = arith.constant 12 : i32
    %add3A_552 = vector.broadcast %add3A_551 : i32 to vector<16xi32>
    %add3A_553 = arith.addi %mul3A_550, %add3A_552 : vector<16xi32>
    %gather3A_554 = tpu.vector_load_idx %arg10[%add3A_553] : memref<1360xf32, #tpu.memory_space<vmem>>[vector<16xi32>], vector<16xf32>,
    %add3A_555 = arith.addf %add3A_547, %gather3A_554 : vector<16xf32>
    %mul3A_556 = arith.constant 17 : i32
    %mul3A_557 = vector.broadcast %mul3A_556 : i32 to vector<16xi32>
    %mul3A_558 = arith.muli %add3A_455, %mul3A_557 : vector<16xi32>
    %add3A_559 = arith.constant 13 : i32
    %add3A_560 = vector.broadcast %add3A_559 : i32 to vector<16xi32>
    %add3A_561 = arith.addi %mul3A_558, %add3A_560 : vector<16xi32>
    %gather3A_562 = tpu.vector_load_idx %arg10[%add3A_561] : memref<1360xf32, #tpu.memory_space<vmem>>[vector<16xi32>], vector<16xf32>,
    %add3A_563 = arith.addf %add3A_555, %gather3A_562 : vector<16xf32>
    %mul3A_564 = arith.constant 17 : i32
    %mul3A_565 = vector.broadcast %mul3A_564 : i32 to vector<16xi32>
    %mul3A_566 = arith.muli %add3A_455, %mul3A_565 : vector<16xi32>
    %add3A_567 = arith.constant 14 : i32
    %add3A_568 = vector.broadcast %add3A_567 : i32 to vector<16xi32>
    %add3A_569 = arith.addi %mul3A_566, %add3A_568 : vector<16xi32>
    %gather3A_570 = tpu.vector_load_idx %arg10[%add3A_569] : memref<1360xf32, #tpu.memory_space<vmem>>[vector<16xi32>], vector<16xf32>,
    %add3A_571 = arith.addf %add3A_563, %gather3A_570 : vector<16xf32>
    %mul3A_572 = arith.constant 17 : i32
    %mul3A_573 = vector.broadcast %mul3A_572 : i32 to vector<16xi32>
    %mul3A_574 = arith.muli %add3A_455, %mul3A_573 : vector<16xi32>
    %add3A_575 = arith.constant 15 : i32
    %add3A_576 = vector.broadcast %add3A_575 : i32 to vector<16xi32>
    %add3A_577 = arith.addi %mul3A_574, %add3A_576 : vector<16xi32>
    %gather3A_578 = tpu.vector_load_idx %arg10[%add3A_577] : memref<1360xf32, #tpu.memory_space<vmem>>[vector<16xi32>], vector<16xf32>,
    %add3A_579 = arith.addf %add3A_571, %gather3A_578 : vector<16xf32>
    %swap3A_580 = arith.constant 0 : i32
    %swap3A_581 = arith.index_cast %swap3A_580 : i32 to index
    %swap3A_582 = arith.constant 48 : index
    %swap3A_583 = tpu.vector_load %arg11[%swap3A_581, %swap3A_582] {strides = array<i32>} : memref<2x80xf32, #tpu.memory_space<vmem>>, vector<16xf32>,
    tpu.vector_store %arg11[%swap3A_581, %swap3A_582], %add3A_579 {strides = array<i32>} : memref<2x80xf32, #tpu.memory_space<vmem>>, vector<16xf32>,
    %add3A_584 = arith.constant 64 : i32
    %add3A_585 = vector.broadcast %add3A_584 : i32 to vector<16xi32>
    %add3A_586 = arith.addi %add3A_585, %iota3A : vector<16xi32>
    %mul3A_587 = arith.constant 17 : i32
    %mul3A_588 = vector.broadcast %mul3A_587 : i32 to vector<16xi32>
    %mul3A_589 = arith.muli %add3A_586, %mul3A_588 : vector<16xi32>
    %gather3A_590 = tpu.vector_load_idx %arg10[%mul3A_589] : memref<1360xf32, #tpu.memory_space<vmem>>[vector<16xi32>], vector<16xf32>,
    %mul3A_591 = arith.constant 17 : i32
    %mul3A_592 = vector.broadcast %mul3A_591 : i32 to vector<16xi32>
    %mul3A_593 = arith.muli %add3A_586, %mul3A_592 : vector<16xi32>
    %add3A_594 = arith.constant 1 : i32
    %add3A_595 = vector.broadcast %add3A_594 : i32 to vector<16xi32>
    %add3A_596 = arith.addi %mul3A_593, %add3A_595 : vector<16xi32>
    %gather3A_597 = tpu.vector_load_idx %arg10[%add3A_596] : memref<1360xf32, #tpu.memory_space<vmem>>[vector<16xi32>], vector<16xf32>,
    %add3A_598 = arith.addf %gather3A_590, %gather3A_597 : vector<16xf32>
    %mul3A_599 = arith.constant 17 : i32
    %mul3A_600 = vector.broadcast %mul3A_599 : i32 to vector<16xi32>
    %mul3A_601 = arith.muli %add3A_586, %mul3A_600 : vector<16xi32>
    %add3A_602 = arith.constant 2 : i32
    %add3A_603 = vector.broadcast %add3A_602 : i32 to vector<16xi32>
    %add3A_604 = arith.addi %mul3A_601, %add3A_603 : vector<16xi32>
    %gather3A_605 = tpu.vector_load_idx %arg10[%add3A_604] : memref<1360xf32, #tpu.memory_space<vmem>>[vector<16xi32>], vector<16xf32>,
    %add3A_606 = arith.addf %add3A_598, %gather3A_605 : vector<16xf32>
    %mul3A_607 = arith.constant 17 : i32
    %mul3A_608 = vector.broadcast %mul3A_607 : i32 to vector<16xi32>
    %mul3A_609 = arith.muli %add3A_586, %mul3A_608 : vector<16xi32>
    %add3A_610 = arith.constant 3 : i32
    %add3A_611 = vector.broadcast %add3A_610 : i32 to vector<16xi32>
    %add3A_612 = arith.addi %mul3A_609, %add3A_611 : vector<16xi32>
    %gather3A_613 = tpu.vector_load_idx %arg10[%add3A_612] : memref<1360xf32, #tpu.memory_space<vmem>>[vector<16xi32>], vector<16xf32>,
    %add3A_614 = arith.addf %add3A_606, %gather3A_613 : vector<16xf32>
    %mul3A_615 = arith.constant 17 : i32
    %mul3A_616 = vector.broadcast %mul3A_615 : i32 to vector<16xi32>
    %mul3A_617 = arith.muli %add3A_586, %mul3A_616 : vector<16xi32>
    %add3A_618 = arith.constant 4 : i32
    %add3A_619 = vector.broadcast %add3A_618 : i32 to vector<16xi32>
    %add3A_620 = arith.addi %mul3A_617, %add3A_619 : vector<16xi32>
    %gather3A_621 = tpu.vector_load_idx %arg10[%add3A_620] : memref<1360xf32, #tpu.memory_space<vmem>>[vector<16xi32>], vector<16xf32>,
    %add3A_622 = arith.addf %add3A_614, %gather3A_621 : vector<16xf32>
    %mul3A_623 = arith.constant 17 : i32
    %mul3A_624 = vector.broadcast %mul3A_623 : i32 to vector<16xi32>
    %mul3A_625 = arith.muli %add3A_586, %mul3A_624 : vector<16xi32>
    %add3A_626 = arith.constant 5 : i32
    %add3A_627 = vector.broadcast %add3A_626 : i32 to vector<16xi32>
    %add3A_628 = arith.addi %mul3A_625, %add3A_627 : vector<16xi32>
    %gather3A_629 = tpu.vector_load_idx %arg10[%add3A_628] : memref<1360xf32, #tpu.memory_space<vmem>>[vector<16xi32>], vector<16xf32>,
    %add3A_630 = arith.addf %add3A_622, %gather3A_629 : vector<16xf32>
    %mul3A_631 = arith.constant 17 : i32
    %mul3A_632 = vector.broadcast %mul3A_631 : i32 to vector<16xi32>
    %mul3A_633 = arith.muli %add3A_586, %mul3A_632 : vector<16xi32>
    %add3A_634 = arith.constant 6 : i32
    %add3A_635 = vector.broadcast %add3A_634 : i32 to vector<16xi32>
    %add3A_636 = arith.addi %mul3A_633, %add3A_635 : vector<16xi32>
    %gather3A_637 = tpu.vector_load_idx %arg10[%add3A_636] : memref<1360xf32, #tpu.memory_space<vmem>>[vector<16xi32>], vector<16xf32>,
    %add3A_638 = arith.addf %add3A_630, %gather3A_637 : vector<16xf32>
    %mul3A_639 = arith.constant 17 : i32
    %mul3A_640 = vector.broadcast %mul3A_639 : i32 to vector<16xi32>
    %mul3A_641 = arith.muli %add3A_586, %mul3A_640 : vector<16xi32>
    %add3A_642 = arith.constant 7 : i32
    %add3A_643 = vector.broadcast %add3A_642 : i32 to vector<16xi32>
    %add3A_644 = arith.addi %mul3A_641, %add3A_643 : vector<16xi32>
    %gather3A_645 = tpu.vector_load_idx %arg10[%add3A_644] : memref<1360xf32, #tpu.memory_space<vmem>>[vector<16xi32>], vector<16xf32>,
    %add3A_646 = arith.addf %add3A_638, %gather3A_645 : vector<16xf32>
    %mul3A_647 = arith.constant 17 : i32
    %mul3A_648 = vector.broadcast %mul3A_647 : i32 to vector<16xi32>
    %mul3A_649 = arith.muli %add3A_586, %mul3A_648 : vector<16xi32>
    %add3A_650 = arith.constant 8 : i32
    %add3A_651 = vector.broadcast %add3A_650 : i32 to vector<16xi32>
    %add3A_652 = arith.addi %mul3A_649, %add3A_651 : vector<16xi32>
    %gather3A_653 = tpu.vector_load_idx %arg10[%add3A_652] : memref<1360xf32, #tpu.memory_space<vmem>>[vector<16xi32>], vector<16xf32>,
    %add3A_654 = arith.addf %add3A_646, %gather3A_653 : vector<16xf32>
    %mul3A_655 = arith.constant 17 : i32
    %mul3A_656 = vector.broadcast %mul3A_655 : i32 to vector<16xi32>
    %mul3A_657 = arith.muli %add3A_586, %mul3A_656 : vector<16xi32>
    %add3A_658 = arith.constant 9 : i32
    %add3A_659 = vector.broadcast %add3A_658 : i32 to vector<16xi32>
    %add3A_660 = arith.addi %mul3A_657, %add3A_659 : vector<16xi32>
    %gather3A_661 = tpu.vector_load_idx %arg10[%add3A_660] : memref<1360xf32, #tpu.memory_space<vmem>>[vector<16xi32>], vector<16xf32>,
    %add3A_662 = arith.addf %add3A_654, %gather3A_661 : vector<16xf32>
    %mul3A_663 = arith.constant 17 : i32
    %mul3A_664 = vector.broadcast %mul3A_663 : i32 to vector<16xi32>
    %mul3A_665 = arith.muli %add3A_586, %mul3A_664 : vector<16xi32>
    %add3A_666 = arith.constant 10 : i32
    %add3A_667 = vector.broadcast %add3A_666 : i32 to vector<16xi32>
    %add3A_668 = arith.addi %mul3A_665, %add3A_667 : vector<16xi32>
    %gather3A_669 = tpu.vector_load_idx %arg10[%add3A_668] : memref<1360xf32, #tpu.memory_space<vmem>>[vector<16xi32>], vector<16xf32>,
    %add3A_670 = arith.addf %add3A_662, %gather3A_669 : vector<16xf32>
    %mul3A_671 = arith.constant 17 : i32
    %mul3A_672 = vector.broadcast %mul3A_671 : i32 to vector<16xi32>
    %mul3A_673 = arith.muli %add3A_586, %mul3A_672 : vector<16xi32>
    %add3A_674 = arith.constant 11 : i32
    %add3A_675 = vector.broadcast %add3A_674 : i32 to vector<16xi32>
    %add3A_676 = arith.addi %mul3A_673, %add3A_675 : vector<16xi32>
    %gather3A_677 = tpu.vector_load_idx %arg10[%add3A_676] : memref<1360xf32, #tpu.memory_space<vmem>>[vector<16xi32>], vector<16xf32>,
    %add3A_678 = arith.addf %add3A_670, %gather3A_677 : vector<16xf32>
    %mul3A_679 = arith.constant 17 : i32
    %mul3A_680 = vector.broadcast %mul3A_679 : i32 to vector<16xi32>
    %mul3A_681 = arith.muli %add3A_586, %mul3A_680 : vector<16xi32>
    %add3A_682 = arith.constant 12 : i32
    %add3A_683 = vector.broadcast %add3A_682 : i32 to vector<16xi32>
    %add3A_684 = arith.addi %mul3A_681, %add3A_683 : vector<16xi32>
    %gather3A_685 = tpu.vector_load_idx %arg10[%add3A_684] : memref<1360xf32, #tpu.memory_space<vmem>>[vector<16xi32>], vector<16xf32>,
    %add3A_686 = arith.addf %add3A_678, %gather3A_685 : vector<16xf32>
    %mul3A_687 = arith.constant 17 : i32
    %mul3A_688 = vector.broadcast %mul3A_687 : i32 to vector<16xi32>
    %mul3A_689 = arith.muli %add3A_586, %mul3A_688 : vector<16xi32>
    %add3A_690 = arith.constant 13 : i32
    %add3A_691 = vector.broadcast %add3A_690 : i32 to vector<16xi32>
    %add3A_692 = arith.addi %mul3A_689, %add3A_691 : vector<16xi32>
    %gather3A_693 = tpu.vector_load_idx %arg10[%add3A_692] : memref<1360xf32, #tpu.memory_space<vmem>>[vector<16xi32>], vector<16xf32>,
    %add3A_694 = arith.addf %add3A_686, %gather3A_693 : vector<16xf32>
    %mul3A_695 = arith.constant 17 : i32
    %mul3A_696 = vector.broadcast %mul3A_695 : i32 to vector<16xi32>
    %mul3A_697 = arith.muli %add3A_586, %mul3A_696 : vector<16xi32>
    %add3A_698 = arith.constant 14 : i32
    %add3A_699 = vector.broadcast %add3A_698 : i32 to vector<16xi32>
    %add3A_700 = arith.addi %mul3A_697, %add3A_699 : vector<16xi32>
    %gather3A_701 = tpu.vector_load_idx %arg10[%add3A_700] : memref<1360xf32, #tpu.memory_space<vmem>>[vector<16xi32>], vector<16xf32>,
    %add3A_702 = arith.addf %add3A_694, %gather3A_701 : vector<16xf32>
    %mul3A_703 = arith.constant 17 : i32
    %mul3A_704 = vector.broadcast %mul3A_703 : i32 to vector<16xi32>
    %mul3A_705 = arith.muli %add3A_586, %mul3A_704 : vector<16xi32>
    %add3A_706 = arith.constant 15 : i32
    %add3A_707 = vector.broadcast %add3A_706 : i32 to vector<16xi32>
    %add3A_708 = arith.addi %mul3A_705, %add3A_707 : vector<16xi32>
    %gather3A_709 = tpu.vector_load_idx %arg10[%add3A_708] : memref<1360xf32, #tpu.memory_space<vmem>>[vector<16xi32>], vector<16xf32>,
    %add3A_710 = arith.addf %add3A_702, %gather3A_709 : vector<16xf32>
    %swap3A_711 = arith.constant 0 : i32
    %swap3A_712 = arith.index_cast %swap3A_711 : i32 to index
    %swap3A_713 = arith.constant 64 : index
    %swap3A_714 = tpu.vector_load %arg11[%swap3A_712, %swap3A_713] {strides = array<i32>} : memref<2x80xf32, #tpu.memory_space<vmem>>, vector<16xf32>,
    tpu.vector_store %arg11[%swap3A_712, %swap3A_713], %add3A_710 {strides = array<i32>} : memref<2x80xf32, #tpu.memory_space<vmem>>, vector<16xf32>,
    %add3A_715 = arith.constant 9920 : i32
    %add3A_716 = arith.addi %mul3A_2, %add3A_715 : i32
    %dma_start3A_717 = arith.constant 0 : i32
    %dma_start3A_718 = arith.constant 0 : i32
    %dma_start3A_719 = tpu.memref_slice %arg11[%dma_start3A_717, %dma_start3A_718] : memref<2x80xf32, #tpu.memory_space<vmem>> -> memref<1x80xf32, #tpu.memory_space<vmem>>
    %dma_start3A_720 = tpu.memref_squeeze %dma_start3A_719 : memref<1x80xf32, #tpu.memory_space<vmem>> -> memref<80xf32, #tpu.memory_space<vmem>>
    %dma_start3A_721 = tpu.memref_slice %arg5[%add3A_716] : memref<320000xf32, #tpu.memory_space<hbm>> -> memref<80xf32, #tpu.memory_space<hbm>>
    %dma_start3A_722 = tpu.memref_slice %arg5[%add3A_716] : memref<320000xf32, #tpu.memory_space<hbm>> -> memref<80xf32, #tpu.memory_space<hbm>>
    %dma_start3A_723 = arith.constant 0 : i32
    %dma_start3A_724 = tpu.memref_slice %arg11[%dma_start3A_717, %dma_start3A_723] : memref<2x80xf32, #tpu.memory_space<vmem>> -> memref<1x80xf32, #tpu.memory_space<vmem>>
    %dma_start3A_725 = tpu.memref_squeeze %dma_start3A_724 : memref<1x80xf32, #tpu.memory_space<vmem>> -> memref<80xf32, #tpu.memory_space<vmem>>
    tpu.enqueue_dma source(%dma_start3A_725 : memref<80xf32, #tpu.memory_space<vmem>>) target(%dma_start3A_722 : memref<80xf32, #tpu.memory_space<hbm>>) target_semaphore(%arg18 : memref<!tpu.dma_semaphore, #tpu.memory_space<semaphore_mem>>)
    %dma_wait3A_726 = arith.constant 0 : i32
    %dma_wait3A_727 = arith.constant 0 : i32
    %dma_wait3A_728 = tpu.memref_slice %arg11[%dma_wait3A_726, %dma_wait3A_727] : memref<2x80xf32, #tpu.memory_space<vmem>> -> memref<1x80xf32, #tpu.memory_space<vmem>>
    %dma_wait3A_729 = tpu.memref_squeeze %dma_wait3A_728 : memref<1x80xf32, #tpu.memory_space<vmem>> -> memref<80xf32, #tpu.memory_space<vmem>>
    %dma_wait3A_730 = tpu.memref_slice %arg5[%mul3A_2] : memref<320000xf32, #tpu.memory_space<hbm>> -> memref<80xf32, #tpu.memory_space<hbm>>
    %dma_wait3A_731 = tpu.memref_slice %arg5[%mul3A_2] : memref<320000xf32, #tpu.memory_space<hbm>> -> memref<80xf32, #tpu.memory_space<hbm>>
    %dma_wait3A_732 = arith.constant 0 : i32
    %dma_wait3A_733 = tpu.memref_slice %arg11[%dma_wait3A_726, %dma_wait3A_732] : memref<2x80xf32, #tpu.memory_space<vmem>> -> memref<1x80xf32, #tpu.memory_space<vmem>>
    %dma_wait3A_734 = tpu.memref_squeeze %dma_wait3A_733 : memref<1x80xf32, #tpu.memory_space<vmem>> -> memref<80xf32, #tpu.memory_space<vmem>>
    tpu.wait_dma2 semaphore(%arg18 : memref<!tpu.dma_semaphore, #tpu.memory_space<semaphore_mem>>) src(%dma_wait3A_734 : memref<80xf32, #tpu.memory_space<vmem>>) dst(%dma_wait3A_731 : memref<80xf32, #tpu.memory_space<hbm>>)
    %dma_wait3A_735 = arith.constant 1 : i32
    %dma_wait3A_736 = arith.constant 0 : i32
    %dma_wait3A_737 = tpu.memref_slice %arg11[%dma_wait3A_735, %dma_wait3A_736] : memref<2x80xf32, #tpu.memory_space<vmem>> -> memref<1x80xf32, #tpu.memory_space<vmem>>
    %dma_wait3A_738 = tpu.memref_squeeze %dma_wait3A_737 : memref<1x80xf32, #tpu.memory_space<vmem>> -> memref<80xf32, #tpu.memory_space<vmem>>
    %dma_wait3A_739 = tpu.memref_slice %arg5[%mul3A_2] : memref<320000xf32, #tpu.memory_space<hbm>> -> memref<80xf32, #tpu.memory_space<hbm>>
    %dma_wait3A_740 = tpu.memref_slice %arg5[%mul3A_2] : memref<320000xf32, #tpu.memory_space<hbm>> -> memref<80xf32, #tpu.memory_space<hbm>>
    %dma_wait3A_741 = arith.constant 0 : i32
    %dma_wait3A_742 = tpu.memref_slice %arg11[%dma_wait3A_735, %dma_wait3A_741] : memref<2x80xf32, #tpu.memory_space<vmem>> -> memref<1x80xf32, #tpu.memory_space<vmem>>
    %dma_wait3A_743 = tpu.memref_squeeze %dma_wait3A_742 : memref<1x80xf32, #tpu.memory_space<vmem>> -> memref<80xf32, #tpu.memory_space<vmem>>
    tpu.wait_dma2 semaphore(%arg19 : memref<!tpu.dma_semaphore, #tpu.memory_space<semaphore_mem>>) src(%dma_wait3A_743 : memref<80xf32, #tpu.memory_space<vmem>>) dst(%dma_wait3A_740 : memref<80xf32, #tpu.memory_space<hbm>>)
    return
  }
}

module attributes {stable_mosaic.version = 14 : i64} {
  func.func @_zm_body(%arg0: memref<10000x128xf32, #tpu.memory_space<vmem>>, %arg1: memref<128x128xf32, #tpu.memory_space<vmem>>, %arg2: memref<10000x64xi32, #tpu.memory_space<vmem>>, %arg3: memref<10000x64xi32, #tpu.memory_space<vmem>>) attributes {dimension_semantics = [], scalar_prefetch = 0 : i64, scratch_operands = 0 : i64, tpu.core_type = #tpu.core_type<tc>} {
    %get3A = arith.constant 0 : index
    %get3A_0 = arith.constant 0 : index
    %get3A_1 = vector.load %arg0[%get3A, %get3A_0] : memref<10000x128xf32, #tpu.memory_space<vmem>>, vector<10000x128xf32>
    %get3A_2 = arith.constant 0 : index
    %get3A_3 = arith.constant 0 : index
    %get3A_4 = vector.load %arg1[%get3A_2, %get3A_3] : memref<128x128xf32, #tpu.memory_space<vmem>>, vector<128x128xf32>
    %dot_general3A = arith.constant dense<0.000000e+00> : vector<10000x128xf32>
    %dot_general3A_5 = tpu.matmul %get3A_1, %get3A_4, %dot_general3A {dimension_numbers = #tpu.dot_dimension_numbers<[1], [0], [0], [1], [0, 0, 1, 1], [], []>, transpose_lhs_hint = false} : vector<10000x128xf32>, vector<128x128xf32>, vector<10000x128xf32> -> vector<10000x128xf32>
    %bitcast_convert_type3A = tpu.bitcast %dot_general3A_5 : vector<10000x128xf32> -> vector<10000x128xi32>
    %slice3A = vector.extract_strided_slice %bitcast_convert_type3A {offsets = [0, 0], sizes = [10000, 64], strides = [1, 1]} : vector<10000x128xi32> to vector<10000x64xi32>
    %add3A = arith.constant 32767 : i32
    %add3A_6 = vector.broadcast %add3A : i32 to vector<10000x64xi32>
    %add3A_7 = arith.addi %slice3A, %add3A_6 : vector<10000x64xi32>
    %shift_right_arithmetic3A = arith.constant 16 : i32
    %shift_right_arithmetic3A_8 = vector.broadcast %shift_right_arithmetic3A : i32 to vector<10000x64xi32>
    %shift_right_arithmetic3A_9 = arith.shrsi %slice3A, %shift_right_arithmetic3A_8 : vector<10000x64xi32>
    %and3A = arith.constant 1 : i32
    %and3A_10 = vector.broadcast %and3A : i32 to vector<10000x64xi32>
    %and3A_11 = arith.andi %shift_right_arithmetic3A_9, %and3A_10 : vector<10000x64xi32>
    %add3A_12 = arith.addi %add3A_7, %and3A_11 : vector<10000x64xi32>
    %shift_right_arithmetic3A_13 = arith.constant 16 : i32
    %shift_right_arithmetic3A_14 = vector.broadcast %shift_right_arithmetic3A_13 : i32 to vector<10000x64xi32>
    %shift_right_arithmetic3A_15 = arith.shrsi %add3A_12, %shift_right_arithmetic3A_14 : vector<10000x64xi32>
    %and3A_16 = arith.constant 65535 : i32
    %and3A_17 = vector.broadcast %and3A_16 : i32 to vector<10000x64xi32>
    %and3A_18 = arith.andi %shift_right_arithmetic3A_15, %and3A_17 : vector<10000x64xi32>
    %slice3A_19 = vector.extract_strided_slice %bitcast_convert_type3A {offsets = [0, 64], sizes = [10000, 64], strides = [1, 1]} : vector<10000x128xi32> to vector<10000x64xi32>
    %add3A_20 = arith.constant 32767 : i32
    %add3A_21 = vector.broadcast %add3A_20 : i32 to vector<10000x64xi32>
    %add3A_22 = arith.addi %slice3A_19, %add3A_21 : vector<10000x64xi32>
    %shift_right_arithmetic3A_23 = arith.constant 16 : i32
    %shift_right_arithmetic3A_24 = vector.broadcast %shift_right_arithmetic3A_23 : i32 to vector<10000x64xi32>
    %shift_right_arithmetic3A_25 = arith.shrsi %slice3A_19, %shift_right_arithmetic3A_24 : vector<10000x64xi32>
    %and3A_26 = arith.constant 1 : i32
    %and3A_27 = vector.broadcast %and3A_26 : i32 to vector<10000x64xi32>
    %and3A_28 = arith.andi %shift_right_arithmetic3A_25, %and3A_27 : vector<10000x64xi32>
    %add3A_29 = arith.addi %add3A_22, %and3A_28 : vector<10000x64xi32>
    %shift_right_arithmetic3A_30 = arith.constant 16 : i32
    %shift_right_arithmetic3A_31 = vector.broadcast %shift_right_arithmetic3A_30 : i32 to vector<10000x64xi32>
    %shift_right_arithmetic3A_32 = arith.shrsi %add3A_29, %shift_right_arithmetic3A_31 : vector<10000x64xi32>
    %shift_left3A = arith.constant 16 : i32
    %shift_left3A_33 = vector.broadcast %shift_left3A : i32 to vector<10000x64xi32>
    %shift_left3A_34 = arith.shli %shift_right_arithmetic3A_32, %shift_left3A_33 : vector<10000x64xi32>
    %or3A = arith.ori %and3A_18, %shift_left3A_34 : vector<10000x64xi32>
    %swap3A = arith.constant 0 : index
    %swap3A_35 = arith.constant 0 : index
    %swap3A_36 = vector.load %arg2[%swap3A, %swap3A_35] : memref<10000x64xi32, #tpu.memory_space<vmem>>, vector<10000x64xi32>
    tpu.vector_store %arg2[%swap3A, %swap3A_35], %or3A {strides = array<i32>} : memref<10000x64xi32, #tpu.memory_space<vmem>>, vector<10000x64xi32>,
    %get3A_37 = arith.constant 0 : index
    %get3A_38 = arith.constant 0 : index
    %get3A_39 = vector.load %arg0[%get3A_37, %get3A_38] : memref<10000x128xf32, #tpu.memory_space<vmem>>, vector<10000x128xf32>
    %bitcast_convert_type3A_40 = tpu.bitcast %get3A_39 : vector<10000x128xf32> -> vector<10000x128xi32>
    %slice3A_41 = vector.extract_strided_slice %bitcast_convert_type3A_40 {offsets = [0, 0], sizes = [10000, 64], strides = [1, 1]} : vector<10000x128xi32> to vector<10000x64xi32>
    %add3A_42 = arith.constant 32767 : i32
    %add3A_43 = vector.broadcast %add3A_42 : i32 to vector<10000x64xi32>
    %add3A_44 = arith.addi %slice3A_41, %add3A_43 : vector<10000x64xi32>
    %shift_right_arithmetic3A_45 = arith.constant 16 : i32
    %shift_right_arithmetic3A_46 = vector.broadcast %shift_right_arithmetic3A_45 : i32 to vector<10000x64xi32>
    %shift_right_arithmetic3A_47 = arith.shrsi %slice3A_41, %shift_right_arithmetic3A_46 : vector<10000x64xi32>
    %and3A_48 = arith.constant 1 : i32
    %and3A_49 = vector.broadcast %and3A_48 : i32 to vector<10000x64xi32>
    %and3A_50 = arith.andi %shift_right_arithmetic3A_47, %and3A_49 : vector<10000x64xi32>
    %add3A_51 = arith.addi %add3A_44, %and3A_50 : vector<10000x64xi32>
    %shift_right_arithmetic3A_52 = arith.constant 16 : i32
    %shift_right_arithmetic3A_53 = vector.broadcast %shift_right_arithmetic3A_52 : i32 to vector<10000x64xi32>
    %shift_right_arithmetic3A_54 = arith.shrsi %add3A_51, %shift_right_arithmetic3A_53 : vector<10000x64xi32>
    %and3A_55 = arith.constant 65535 : i32
    %and3A_56 = vector.broadcast %and3A_55 : i32 to vector<10000x64xi32>
    %and3A_57 = arith.andi %shift_right_arithmetic3A_54, %and3A_56 : vector<10000x64xi32>
    %slice3A_58 = vector.extract_strided_slice %bitcast_convert_type3A_40 {offsets = [0, 64], sizes = [10000, 64], strides = [1, 1]} : vector<10000x128xi32> to vector<10000x64xi32>
    %add3A_59 = arith.constant 32767 : i32
    %add3A_60 = vector.broadcast %add3A_59 : i32 to vector<10000x64xi32>
    %add3A_61 = arith.addi %slice3A_58, %add3A_60 : vector<10000x64xi32>
    %shift_right_arithmetic3A_62 = arith.constant 16 : i32
    %shift_right_arithmetic3A_63 = vector.broadcast %shift_right_arithmetic3A_62 : i32 to vector<10000x64xi32>
    %shift_right_arithmetic3A_64 = arith.shrsi %slice3A_58, %shift_right_arithmetic3A_63 : vector<10000x64xi32>
    %and3A_65 = arith.constant 1 : i32
    %and3A_66 = vector.broadcast %and3A_65 : i32 to vector<10000x64xi32>
    %and3A_67 = arith.andi %shift_right_arithmetic3A_64, %and3A_66 : vector<10000x64xi32>
    %add3A_68 = arith.addi %add3A_61, %and3A_67 : vector<10000x64xi32>
    %shift_right_arithmetic3A_69 = arith.constant 16 : i32
    %shift_right_arithmetic3A_70 = vector.broadcast %shift_right_arithmetic3A_69 : i32 to vector<10000x64xi32>
    %shift_right_arithmetic3A_71 = arith.shrsi %add3A_68, %shift_right_arithmetic3A_70 : vector<10000x64xi32>
    %shift_left3A_72 = arith.constant 16 : i32
    %shift_left3A_73 = vector.broadcast %shift_left3A_72 : i32 to vector<10000x64xi32>
    %shift_left3A_74 = arith.shli %shift_right_arithmetic3A_71, %shift_left3A_73 : vector<10000x64xi32>
    %or3A_75 = arith.ori %and3A_57, %shift_left3A_74 : vector<10000x64xi32>
    %swap3A_76 = arith.constant 0 : index
    %swap3A_77 = arith.constant 0 : index
    %swap3A_78 = vector.load %arg3[%swap3A_76, %swap3A_77] : memref<10000x64xi32, #tpu.memory_space<vmem>>, vector<10000x64xi32>
    tpu.vector_store %arg3[%swap3A_76, %swap3A_77], %or3A_75 {strides = array<i32>} : memref<10000x64xi32, #tpu.memory_space<vmem>>, vector<10000x64xi32>,
    return
  }
}

</mosaic_0001>

<sc_bundles>
// kernel: kernel.4.cloned.1.call-start
scs
__scs_entry_jumppad:
0x0: {  	(pc) =	sbr.rel $0x88, $3  }
0x1: {  	(tag) =	ssettag $0x0;
	lr =	simm.s32 $0x1  }
0x2: {  	[smem:$0x3F9E] =	sst lr;
	_ =	strace $0xD0000000  }
0x3: {  	_ = 	snop  }
0x4: {  	_ = 	snop  }
0x5: {  	_ = 	snop  }
0x6: {  	_ = 	snop  }
0x7: {  	_ = 	snop  }
__scs_overlays_trampoline_lowered:
0x8: {  	[smem:$0x3FAD] =	sst s0  }
0x9: {  	[smem:$0x3FAE] =	sst s1  }
0xa: {  	[smem:$0x3FAF] =	sst s2  }
0xb: {  	[smem:$0x3FB0] =	sst s3  }
0xc: {  	[smem:$0x3FB1] =	sst s4  }
0xd: {  	[smem:$0x3FB2] =	sst s5  }
0xe: {  	[smem:$0x3FB3] =	sst s6  }
0xf: {  	[smem:$0x3FB4] =	sst s7  }
0x10: {  	[smem:$0x3FB5] =	sst s8  }
0x11: {  	[smem:$0x3FB6] =	sst s9;
	s0 =	simm.s32 @!p0 $0x0  }
0x12: {  	s1 =	sld [smem:$0x3F9C];
	s0 =	simm.s32 @p0 $0x1  }
0x13: {  	[smem:$0x3FB7] =	sst s0;
	s0 =	simm.s32 @!p1 $0x0  }
0x14: {  	s2 =	sld [smem:$0x3F9B];
	s0 =	simm.s32 @p1 $0x1  }
0x15: {  	[smem:$0x3FB8] =	sst s0;
	s0 =	simm.s32 @!p2 $0x0  }
0x16: {  	s3 =	sld [smem:$0x3FDB];
	s0 =	simm.s32 @p2 $0x1  }
0x17: {  	s4 =	simm.s32 $0x1BF5;
	[smem:$0x3FBA] =	sst s0  }
0x18: {  	s0 =	sld [smem:$0x3F9D];
	_ =	swait.ge [sflag:s4], $0x0  }
0x19: {  	s7 =	sld [smem:$0x3F9E]  }
0x1a: {  	s8 =	sadd.s32 $0xFFFFE003, lr  }
0x1b: {  	s9 =	sadd.s32 $0xFFFFFEF7, lr;
	s5 =	simm.s32 $0xFFFFFFFF;
	p2 =	slt.u32 s8, $0xFFFFF086  }
0x1c: {  	p1 =	slt.u32 s9, $0xF7A;
	s5 =	simm.s32 @!p2 $0x0  }
0x1d: {  	s5 =	simm.s32 @p1 $0x1;
	p0 =	seq.s32 s7, s2  }
0x1e: {  	s7 =	smul.u32 @!p0 $0xF7A, s2;
	p2 =	seq.s32 @!p0 s5, $0x0  }
0x1f: {  	s9 =	smul.u32 $0xF7A, s1;
	s8 =	simm.s32 @!p0 $0x1BF5;
	p2 =	por !p2, p0  }
0x20: {  	[sflag:s8] =	ssyncset.s32 @!p0 $0xFFFFF086;
	s6 =	sadd.s32 @!p0 s3, s7;
	s7 =	simm.s32 @!p0 $0x108  }
0x21: {  	s3 =	sadd.s32 s3, s9;
	s6 =	sadd.s32 @!p0 $0x88, s6;
	s7 =	simm.s32 @p2 $0x1082  }
0x22: {  	[simem:s7], [sflag:s8] =	dma.local @!p0 [hbm:s6], $0xF7A  }
0x23: {  	s9 =	sor.u32 $0xD0000000, s2;
	s6 =	simm.s32 $0x108;
	_ =	swait.ge @!p0 [sflag:s8], $0x0  }
0x24: {  	s3 =	sadd.s32 $0x88, s3;
	s6 =	simm.s32 @!p1 $0x1082;
	[sflag:s4] =	ssyncset.s32 $0xFFFFF086  }
0x25: {  	[simem:s6], [sflag:s4] =	dma.local [hbm:s3], $0xF7A  }
0x26: {  	[smem:$0x3F9E] =	sst s1;
	(tag) =	ssettag s2;
	_ =	strace s9  }
0x27: {  	s1 =	sld [smem:$0x3FAE]  }
0x28: {  	s2 =	sld [smem:$0x3FAF]  }
0x29: {  	s4 =	sld [smem:$0x3FB1]  }
0x2a: {  	p0 =	seq.s32 s5, $0x0;
	s5 =	sld [smem:$0x3FB2]  }
0x2b: {  	s6 =	sld [smem:$0x3FB3]  }
0x2c: {  	s7 =	sld [smem:$0x3FB4]  }
0x2d: {  	s3 =	simm.s32 $0x108;
	s8 =	sld [smem:$0x3FB5]  }
0x2e: {  	s3 =	simm.s32 @!p0 $0x1082;
	s9 =	sld [smem:$0x3FB6]  }
0x2f: {  	lr =	sadd.s32 s0, s3;
	s0 =	sld [smem:$0x3FAD]  }
0x30: {  	s3 =	sld [smem:$0x3FB0]  }
0x31: {  	[smem:$0x3FB9] =	sst s10  }
0x32: {  	s10 =	sld [smem:$0x3FB7];
	_ =	sdelay $0x3  }
0x33: {  	p0 =	seq.s32 s10, $0x1;
	s10 =	sld [smem:$0x3FB9];
	_ =	sdelay $0x3  }
0x34: {  	[smem:$0x3FB9] =	sst s10  }
0x35: {  	s10 =	sld [smem:$0x3FB8];
	_ =	sdelay $0x3  }
0x36: {  	p1 =	seq.s32 s10, $0x1;
	s10 =	sld [smem:$0x3FB9];
	_ =	sdelay $0x3  }
0x37: {  	[smem:$0x3FB9] =	sst s10  }
0x38: {  	s10 =	sld [smem:$0x3FBA]  }
0x39: {  	_ = 	snop;
	(pc) =	sbr.ind lr, $3  }
0x3a: {  	_ = 	snop  }
0x3b: {  	_ = 	snop  }
0x3c: {  	p2 =	seq.s32 s10, $0x1;
	s10 =	sld [smem:$0x3FB9]  }
0x3d: {  	_ =	shalt  }
0x3e: {  	_ =	shalt  }
0x3f: {  	_ =	shalt  }
0x40: {  	_ =	shalt  }
0x41: {  	_ =	shalt  }
0x42: {  	_ =	shalt  }
0x43: {  	_ =	shalt  }
0x44: {  	_ =	shalt  }
0x45: {  	_ =	shalt  }
0x46: {  	_ =	shalt  }
0x47: {  	_ =	shalt  }
0x48: {  	_ =	shalt  }
0x49: {  	_ =	shalt  }
0x4a: {  	_ =	shalt  }
0x4b: {  	_ =	shalt  }
0x4c: {  	_ =	shalt  }
0x4d: {  	_ =	shalt  }
0x4e: {  	_ =	shalt  }
0x4f: {  	_ =	shalt  }
0x50: {  	_ =	shalt  }
0x51: {  	_ =	shalt  }
0x52: {  	_ =	shalt  }
0x53: {  	_ =	shalt  }
0x54: {  	_ =	shalt  }
0x55: {  	_ =	shalt  }
0x56: {  	_ =	shalt  }
0x57: {  	_ =	shalt  }
0x58: {  	_ =	shalt  }
0x59: {  	_ =	shalt  }
0x5a: {  	_ =	shalt  }
0x5b: {  	_ =	shalt  }
0x5c: {  	_ =	shalt  }
0x5d: {  	_ =	shalt  }
0x5e: {  	_ =	shalt  }
0x5f: {  	_ =	shalt  }
0x60: {  	_ =	shalt  }
0x61: {  	_ =	shalt  }
0x62: {  	_ =	shalt  }
0x63: {  	_ =	shalt  }
0x64: {  	_ =	shalt  }
0x65: {  	_ =	shalt  }
0x66: {  	_ =	shalt  }
0x67: {  	_ =	shalt  }
0x68: {  	_ =	shalt  }
0x69: {  	_ =	shalt  }
0x6a: {  	_ =	shalt  }
0x6b: {  	_ =	shalt  }
0x6c: {  	_ =	shalt  }
0x6d: {  	_ =	shalt  }
0x6e: {  	_ =	shalt  }
0x6f: {  	_ =	shalt  }
0x70: {  	_ =	shalt  }
0x71: {  	_ =	shalt  }
0x72: {  	_ =	shalt  }
0x73: {  	_ =	shalt  }
0x74: {  	_ =	shalt  }
0x75: {  	_ =	shalt  }
0x76: {  	_ =	shalt  }
0x77: {  	_ =	shalt  }
0x78: {  	_ =	shalt  }
0x79: {  	_ =	shalt  }
0x7a: {  	_ =	shalt  }
0x7b: {  	_ =	shalt  }
0x7c: {  	_ =	shalt  }
0x7d: {  	_ =	shalt  }
0x7e: {  	_ =	shalt  }
0x7f: {  	_ =	shalt  }
0x80: {  	_ =	shalt  }
0x81: {  	_ =	shalt  }
0x82: {  	_ =	shalt  }
0x83: {  	_ =	shalt  }
0x84: {  	_ =	shalt  }
0x85: {  	_ =	shalt  }
0x86: {  	_ =	shalt  }
0x87: {  	_ =	shalt  }
.Lfunc_end0:
.L_simem_size_0:
called_computation_lowered:
.L_overlay_start_0:
0x88: {  	s2 =	sld [smem:$0x3FD9]  }
0x89: {  	s3 =	sld [smem:$0x3FFE];
	_ =	sdelay $0x1  }
0x8a: {  	s1 =	srdreg.scid  }
0x8b: {  	s0 =	sand.u32 $0x1, s1  }
0x8c: {  	s17 =	sshll.u32 s0, $0xA;
	s2 =	sadd.s32 s3, s2  }
0x8d: {  	s2 =	sadd.s32 s2, s17  }
0x8e: {  	[smem:$0x3FC5] =	sst s2  }
0x8f: {  	_ = 	snop  }
0x90: {  	s2 =	sld [smem:$0x3FD0];
	(tm) =	ssettm $0x1  }
0x91: {  	s18 =	sld [smem:$0x3FFB];
	_ =	sdelay $0x3  }
0x92: {  	_ =	strace s18  }
0x93: {  	s3 =	sld [smem:$0x3FFC];
	_ =	sdelay $0x3  }
0x94: {  	_ =	strace s3  }
0x95: {  	s3 =	sld [smem:$0x3FFD];
	_ =	sdelay $0x3  }
0x96: {  	_ =	strace s3  }
0x97: {  	_ =	strace $0x8FFFFFFF  }
0x98: {  	s19 =	sld [smem:$0x3FDB];
	_ =	sdelay $0x1  }
0x99: {  	s4 =	simm.s32 $_scs_section_size  }
0x9a: {  	s5 =	simm.s32 $_size__tile_overlayer_lowered;
	s6 =	simm.s32 $_tile_overlayer_lowered  }
0x9b: {  	s22 =	simm.s32 $0x1BFF;
	s21 =	sshll.u32 s6, $0x1;
	s3 =	sadd.s32 s4, s19  }
0x9c: {  	s7 =	simm.s32 $0x0;
	s20 =	sshll.u32 s5, $0x1;
	s5 =	sadd.s32 s21, s3  }
0x9d: {  	[timem:s7], [sflag:s22] =	dma.local [hbm:s5], s20  }
0x9e: {  	_ =	swait.ge [sflag:s22], s20  }
0x9f: {  	s4 =	ssub.s32 $0x0, s20;
	[sflag:s22] =	ssyncset.done $0x0  }
0xa0: {  	[sflag:s22] =	ssyncadd.s32 s4;
	_ =	sdelay $0x1  }
0xa1: {  	s23 =	simm.s32 $0x1B8B  }
0xa2: {  	_ =	swait.ge [sflag:s23], $0x1  }
0xa3: {  	[sflag:s23] =	ssyncset.done $0x0  }
0xa4: {  	s25 =	simm.s32 $0x1B8E;
	s24 =	sld [smem:$0x3FFE];
	[sflag:s23] =	ssyncadd.s32 $0xFFFFFFFF  }
0xa5: {  	s26 =	simm.s32 $execute0_lowered;
	[smem:$0x3FD2] =	sst s25  }
0xa6: {  	s5 =	sshll.u32 s26, $0x1;
	_ =	strace $0x80000046;
	[dreg:$0x1] =	wrdreg $0xFFFFFFFF  }
0xa7: {  	s28 =	simm.s32 $_size_execute0_lowered;
	s3 =	sadd.s32 s3, s5;
	[dreg:$0x0] =	wrdreg $0x0  }
0xa8: {  	s5 =	sshll.u32 s28, $0x1;
	[dreg:$0x2] =	wrdreg s3  }
0xa9: {  	[dreg:$0x3] =	wrdreg s5  }
0xaa: {  	[dreg:$0x4] =	wrdreg $0xC0  }
0xab: {  	_ =	task [dreg:s7], $0x5FFFF  }
0xac: {  	[dreg:$0x1] =	wrdreg $0xFFFFFFFF  }
0xad: {  	[dreg:$0x0] =	wrdreg $0x60  }
0xae: {  	[dreg:$0x2] =	wrdreg s24  }
0xaf: {  	[dreg:$0x3] =	wrdreg s2  }
0xb0: {  	[dreg:$0x4] =	wrdreg $0xA4100  }
0xb1: {  	[dreg:$0x5] =	wrdreg $0x140500  }
0xb2: {  	[dreg:$0x6] =	wrdreg $0x9  }
0xb3: {  	_ =	task.clear_ibuf [dreg:s7], $0x7FFFF;
	_ =	strace $0x90000046  }
0xb4: {  	s29 =	simm.s32 $0x9;
	_ =	strace $0x80000048  }
0xb5: {  	_ =	swait.ge [sflag:s29], $0x1  }
0xb6: {  	[sflag:s29] =	ssyncadd.s32 $0xFFFFFFFF  }
0xb7: {  	_ =	strace $0x90000048  }
0xb8: {  	_ =	sfence  }
0xb9: {  	s30 =	sld [smem:$0x0];
	_ =	sdelay $0x2  }
0xba: {  	s31 =	sshll.u32 s1, $0xD;
	s1 =	sshrl.u32 s1, $0x2  }
0xbb: {  	s3 =	sand.u32 $0x4000, s31;
	s1 =	sadd.s32 s1, s30  }
0xbc: {  	s0 =	sor.u32 s3, s0;
	s1 =	sshll.u32 s1, $0x11  }
0xbd: {  	s0 =	sor.u32 s1, s0  }
0xbe: {  	s0 =	sadd.s32 $0x8F2B, s0  }
0xbf: {  	[sflag:s0] =	ssyncadd.remote.s32 $0x1  }
0xc0: {  	_ =	sfence.sel $0xFFFF  }
0xc1: {  	[dreg:$0x0] =	wrdreg $0xFFFFFFFF;
	(pc) =	sbr.abs _section_cstart, $3  }
0xc2: {  	[dreg:$0x1] =	wrdreg $0xFFFFFFFF  }
0xc3: {  	_ =	task.clear_ibuf [dreg:s7], $0x2FFFF;
	_ =	strace $0x9FFFFFFF  }
0xc4: {  	(tm) =	ssettm $0x7FFFFFFF  }
0xc5: {  	_ =	shalt  }
tec
execute0_lowered:
.L_overlay_start_1:
0x0: {  	(tag) =	ssettag $0x1  }
0x1: {  	v0 =	vlaneseq.u32  }
0x2: {  	v1 =	vmul.u32 $0x11, v0;
	_ =	sdelay $0x1  }
0x3: {  	v2 =	vadd.s32 $0x2, v1  }
0x4: {  	[tilespmem:$0x1FD90] =	vst v2;
	v2 =	vadd.s32 $0x3, v1  }
0x5: {  	[tilespmem:$0x1FDA0] =	vst v2;
	v2 =	vadd.s32 $0x4, v1  }
0x6: {  	[tilespmem:$0x1FDB0] =	vst v2;
	v2 =	vadd.s32 $0x5, v1  }
0x7: {  	[tilespmem:$0x1FDC0] =	vst v2;
	v2 =	vadd.s32 $0x6, v1  }
0x8: {  	[tilespmem:$0x1FDD0] =	vst v2;
	v2 =	vadd.s32 $0x7, v1  }
0x9: {  	[tilespmem:$0x1FDE0] =	vst v2;
	v2 =	vadd.s32 $0x8, v1  }
0xa: {  	[tilespmem:$0x1FDF0] =	vst v2;
	v2 =	vadd.s32 $0x9, v1  }
0xb: {  	[tilespmem:$0x1FE00] =	vst v2;
	v2 =	vadd.s32 $0xA, v1  }
0xc: {  	[tilespmem:$0x1FE10] =	vst v2;
	v2 =	vadd.s32 $0xB, v1  }
0xd: {  	[tilespmem:$0x1FE20] =	vst v2;
	v2 =	vadd.s32 $0xC, v1  }
0xe: {  	[tilespmem:$0x1FE30] =	vst v2;
	v2 =	vadd.s32 $0xD, v1  }
0xf: {  	[tilespmem:$0x1FE40] =	vst v2;
	v2 =	vadd.s32 $0xE, v1  }
0x10: {  	[tilespmem:$0x1FE50] =	vst v2;
	v2 =	vadd.s32 $0xF, v1  }
0x11: {  	[tilespmem:$0x1FE60] =	vst v2;
	v2 =	vadd.s32 $0x110, v1  }
0x12: {  	s2 =	rddreg [dreg:$0x0];
	[tilespmem:$0x1FE70] =	vst v2;
	v2 =	vadd.s32 $0x111, v1  }
0x13: {  	s0 =	rddreg [dreg:$0x1];
	[tilespmem:$0x1FE80] =	vst v2;
	v2 =	vadd.s32 $0x112, v1  }
0x14: {  	s1 =	rddreg [dreg:$0x2];
	s5 =	simm.s32 $0x0;
	[tilespmem:$0x1FE90] =	vst v2;
	v2 =	vadd.s32 $0x113, v1  }
0x15: {  	[smem:$0x7FF] =	sst s5;
	[tilespmem:$0x1FEA0] =	vst v2;
	v2 =	vadd.s32 $0x114, v1  }
0x16: {  	s3 =	rddreg [dreg:$0x3];
	_ =	strace $0x80000047;
	[tilespmem:$0x1FEB0] =	vst v2;
	v2 =	vadd.s32 $0x115, v1  }
0x17: {  	[tilespmem:$0x1FEC0] =	vst v2;
	v2 =	vadd.s32 $0x116, v1  }
0x18: {  	[tilespmem:$0x1FED0] =	vst v2;
	v2 =	vadd.s32 $0x117, v1  }
0x19: {  	[tilespmem:$0x1FEE0] =	vst v2;
	v2 =	vadd.s32 $0x118, v1  }
0x1a: {  	s12 =	stileid.u32;
	s4 =	srdreg.scid;
	[tilespmem:$0x1FEF0] =	vst v2;
	v2 =	vadd.s32 $0x119, v1  }
0x1b: {  	s15 =	simm.s32 $0x7;
	s18 =	simm.s32 $0x50;
	s19 =	simm.s32 $0x4E20;
	[tilespmem:$0x1FF00] =	vst v2;
	v2 =	vadd.s32 $0x11A, v1  }
0x1c: {  	s28 =	simm.s32 $0x2;
	s29 =	simm.s32 $0x4;
	s30 =	simm.s32 $0xA3C0;
	[tilespmem:$0x1FF10] =	vst v2;
	v2 =	vadd.s32 $0x11B, v1  }
0x1d: {  	s4 =	sand.u32 $0x1, s4;
	s6 =	sshll.u32 s12, $0x1;
	s7 =	smul.u32 $0x9C40, s12;
	[tilespmem:$0x1FF20] =	vst v2;
	v2 =	vadd.s32 $0x11C, v1  }
0x1e: {  	s31 =	simm.s32 $0x5;
	s21 =	sshll.u32 s12, $0x6;
	s6 =	sor.u32 s4, s6;
	[tilespmem:$0x1FF30] =	vst v2;
	v2 =	vadd.s32 $0x11D, v1  }
0x1f: {  	s4 =	ssub.s32 $0x2, s4;
	s6 =	smul.u32 $0x2710, s6;
	s8 =	sshrl.u32 s7, $0x3;
	[tilespmem:$0x1FF40] =	vst v2;
	v2 =	vadd.s32 $0x11E, v1  }
0x20: {  	s10 =	sshrl.u32 s4, $0x1;
	s20 =	sadd.s32 s7, s1;
	s11 =	sadd.s32 s8, s2;
	[tilespmem:$0x1FF50] =	vst v2;
	v2 =	vadd.s32 $0x11F, v1  }
0x21: {  	s7 =	sadd.s32 s7, s3;
	s9 =	sshrl.u32 s6, $0x3;
	s8 =	sadd.s32 $0x14600, s11;
	[tilespmem:$0x1FF60] =	vst v2;
	v2 =	vadd.s32 $0x220, v1  }
0x22: {  	v42 =	vadd.s32 $0x229, v1;
	v43 =	vadd.s32 $0x22A, v1;
	s11 =	sadd.s32 $0xC00, s11;
	s2 =	sadd.s32 s9, s2;
	[dreg:$0x5] =	wrdreg s8;
	[tilespmem:$0x1FF70] =	vst v2;
	v2 =	vadd.s32 $0x221, v1  }
0x23: {  	v44 =	vadd.s32 $0x22B, v1;
	v45 =	vadd.s32 $0x22C, v1;
	s4 =	ssub.s32 s4, s10;
	s22 =	sadd.s32 $0x28000, s2;
	[dreg:$0x6] =	wrdreg s11;
	[tilespmem:$0x1FF80] =	vst v2;
	v2 =	vadd.s32 $0x222, v1  }
0x24: {  	v46 =	vadd.s32 $0x22D, v1;
	v47 =	vadd.s32 $0x22E, v1;
	s25 =	sshrl.u32 s20, $0x3;
	s2 =	sadd.s32 $0x31C40, s2;
	[dreg:$0x7] =	wrdreg s22;
	[tilespmem:$0x1FF90] =	vst v2;
	v2 =	vadd.s32 $0x223, v1  }
0x25: {  	v48 =	vadd.s32 $0x22F, v1;
	v49 =	vadd.s32 $0x330, v1;
	s26 =	sshrl.u32 s7, $0x3;
	s24 =	smax.u32 s4, $0x1;
	[dreg:$0x8] =	wrdreg s2;
	[tilespmem:$0x1FFA0] =	vst v2;
	v2 =	vadd.s32 $0x224, v1  }
0x26: {  	v50 =	vadd.s32 $0x331, v1;
	v51 =	vadd.s32 $0x332, v1;
	s20 =	simm.s32 $0x7620;
	s23 =	sadd.s32 s0, s9;
	[dreg:$0xa] =	wrdreg s24;
	[tilespmem:$0x1FFB0] =	vst v2;
	v2 =	vadd.s32 $0x225, v1  }
0x27: {  	v52 =	vadd.s32 $0x333, v1;
	v53 =	vadd.s32 $0x334, v1;
	s8 =	sor.u32 $0x1C07, s21;
	s2 =	sadd.s32 $0x4D8, s23;
	[dreg:$0xb] =	wrdreg s25;
	[tilespmem:$0x1FFC0] =	vst v2;
	v2 =	vadd.s32 $0x226, v1  }
0x28: {  	v54 =	vadd.s32 $0x335, v1;
	v55 =	vadd.s32 $0x336, v1;
	[dreg:$0xc] =	wrdreg s26;
	s21 =	simm.s32 $0x1;
	s22 =	simm.s32 $0x3;
	[tilespmem:$0x1FFD0] =	vst v2;
	v2 =	vadd.s32 $0x227, v1  }
0x29: {  	v40 =	vadd.s32 $0x1, v1;
	v56 =	vadd.s32 $0x337, v1;
	s23 =	simm.s32 $0x6220;
	s24 =	simm.s32 $0x8A20;
	s25 =	simm.s32 $0x9E20;
	[tilespmem:$0x1FFE0] =	vst v2;
	v2 =	vadd.s32 $0x228, v1  }
0x2a: {  	v57 =	vadd.s32 $0x338, v1;
	v58 =	vadd.s32 $0x339, v1;
	v59 =	vadd.s32 $0x33A, v1;
	s26 =	simm.s32 $0xA370;
	[dreg:$0x9] =	wrdreg s2;
	s2 =	simm.s32 $0x0;
	[tilespmem:$0x1FFF0] =	vst v2  }
.LBB2_1:
0x2b: {  	s4 =	rddreg [dreg:$0x5]  }
0x2c: {  	s7 =	rddreg [dreg:$0xb]  }
0x2d: {  	[spmem:s7], [sflag:s8] =	dma.local [hbm:s4], $0x1388  }
0x2e: {  	_ =	swait.ge [sflag:s15], $0x1388  }
0x2f: {  	[sflag:s15] =	ssyncset.done $0x0;
	s12 =	rddreg [dreg:$0x6]  }
0x30: {  	s13 =	rddreg [dreg:$0xc];
	[sflag:s15] =	ssyncadd.s32 $0xFFFFEC78  }
0x31: {  	[spmem:s13], [sflag:s8] =	dma.local [hbm:s12], $0x1388  }
0x32: {  	_ =	swait.ge [sflag:s15], $0x1388  }
0x33: {  	[sflag:s15] =	ssyncset.done $0x0  }
0x34: {  	s14 =	rddreg [dreg:$0x7];
	[sflag:s15] =	ssyncadd.s32 $0xFFFFEC78  }
0x35: {  	[tilespmem:s5], [sflag:$0x7] =	stream.linear.gather [hbm4b:s14+s5], $0x2710, $0x38;
	[tilespmem:$0x1DC90] =	vst v63  }
0x36: {  	_ =	swait.ge [sflag:s15], $0x2710  }
0x37: {  	[sflag:s15] =	ssyncset.done $0x0  }
0x38: {  	s17 =	simm.s32 $0x2710;
	s16 =	rddreg [dreg:$0x8];
	[sflag:s15] =	ssyncadd.s32 $0xFFFFD8F0  }
0x39: {  	[tilespmem:s17], [sflag:$0x7] =	stream.linear.gather [hbm4b:s16+s5], $0x2710, $0x38;
	[tilespmem:$0x1DC90] =	vst v63  }
0x3a: {  	_ =	swait.ge [sflag:s15], $0x2710  }
0x3b: {  	[sflag:s15] =	ssyncset.done $0x0  }
0x3c: {  	[sflag:s15] =	ssyncadd.s32 $0xFFFFD8F0  }
0x3d: {  	[bflag:$0x0] =	sbarrier.arrive $0xFFFF  }
0x3e: {  	[tilespmem:s19], [sflag:$0x1] =	stream.indirect.gather [spmem:s1], $0x40, s5, s18, $0xb8;
	[tilespmem:$0x1DC90] =	vst v63  }
0x3f: {  	s7 =	simm.s32 $0x0  }
0x40: {  	[tilespmem:s20], [sflag:$0x3] =	stream.indirect.gather [spmem:s3], $0x40, s17, s18, $0xb8;
	[tilespmem:$0x1DC90] =	vst v63  }
.LBB2_2:
0x41: {  	_ =	swait.ge [sflag:s21], $0x1400  }
0x42: {  	[sflag:s21] =	ssyncset.done $0x0  }
0x43: {  	[sflag:s21] =	ssyncadd.s32 $0xFFFFEC00  }
0x44: {  	s9 =	smul.u32 $0xA0, s7;
	_ =	swait.ge [sflag:s22], $0x1400  }
0x45: {  	[sflag:s22] =	ssyncset.done $0x0  }
0x46: {  	s17 =	sadd.s32 $0x50, s9;
	[sflag:s22] =	ssyncadd.s32 $0xFFFFEC00  }
0x47: {  	[tilespmem:s23], [sflag:$0x2] =	stream.indirect.gather [spmem:s1], $0x40, s17, s18, $0xb8;
	[tilespmem:$0x1DC90] =	vst v63  }
0x48: {  	p0 =	seq.s32 s7, $0x0;
	s10 =	sadd.s32 $0x2760, s9  }
0x49: {  	[tilespmem:s24], [sflag:$0x4] =	stream.indirect.gather [spmem:s3], $0x40, s10, s18, $0xb8;
	[tilespmem:$0x1DC90] =	vst v63  }
0x4a: {  	s10 =	simm.s32 @!p0 $0x5  }
0x4b: {  	_ =	swait.ge @!p0 [sflag:s10], $0x50  }
0x4c: {  	[sflag:s10] =	ssyncset.done @!p0 $0x0  }
0x4d: {  	s13 =	simm.s32 $0x4EA0;
	[sflag:s10] =	ssyncadd.s32 @!p0 $0xFFFFFFB0  }
0x4e: {  	s10 =	simm.s32 $0x76A0;
	v3 =	vld [tilespmem:s13+$0x40]  }
0x4f: {  	v4 =	vld [tilespmem:s10+$0x40]  }
0x50: {  	v5 =	vld [tilespmem:s13+$0x50]  }
0x51: {  	v6 =	vld [tilespmem:s10+$0x50]  }
0x52: {  	v7 =	vld [tilespmem:s13+$0x60]  }
0x53: {  	v8 =	vld [tilespmem:s10+$0x60]  }
0x54: {  	v9 =	vld [tilespmem:s13+$0x70]  }
0x55: {  	v10 =	vld [tilespmem:s10+$0x70]  }
0x56: {  	v2 =	vld [tilespmem:s10+$0xFFFFFF80]  }
0x57: {  	v11 =	vld [tilespmem:s13+$0xFFFFFF90]  }
0x58: {  	v12 =	vld [tilespmem:s10+$0xFFFFFF90]  }
0x59: {  	v13 =	vld [tilespmem:s13+$0xFFFFFFA0]  }
0x5a: {  	v14 =	vld [tilespmem:s10+$0xFFFFFFA0]  }
0x5b: {  	v15 =	vld [tilespmem:s13+$0xFFFFFFB0]  }
0x5c: {  	v16 =	vld [tilespmem:s10+$0xFFFFFFB0]  }
0x5d: {  	v17 =	vld [tilespmem:s13+$0xFFFFFFC0]  }
0x5e: {  	v18 =	vld [tilespmem:s10+$0xFFFFFFC0]  }
0x5f: {  	v19 =	vld [tilespmem:s13+$0xFFFFFFD0]  }
0x60: {  	v20 =	vld [tilespmem:s10+$0xFFFFFFD0]  }
0x61: {  	v21 =	vld [tilespmem:s13+$0xFFFFFFE0]  }
0x62: {  	v3 =	vmul.bf16 v4, v3;
	v4 =	vmul.bf16 v6, v5;
	v5 =	vld [tilespmem:s10+$0xFFFFFFE0]  }
0x63: {  	v6 =	vmul.bf16 v8, v7;
	v7 =	vmul.bf16 v10, v9;
	v8 =	vld [tilespmem:s13+$0xFFFFFFF0]  }
0x64: {  	v9 =	vld [tilespmem:s10+$0xFFFFFFF0]  }
0x65: {  	v22 =	vld [tilespmem:s13+$0x0];
	v10 =	vmul.bf16 v20, v19;
	v3 =	vadd.bf16 v4, v3;
	v6 =	vadd.bf16 v7, v6  }
0x66: {  	s11 =	simm.s32 $0x33;
	v62 =	vld [tilespmem:s10+$0x10];
	v13 =	vmul.bf16 v14, v13;
	v14 =	vmul.bf16 v16, v15  }
0x67: {  	v4 =	vmul.bf16 v12, v11;
	v12 =	vld [tilespmem:s10+$0x0];
	v3 =	vadd.bf16 v6, v3;
	v6 =	vadd.s32 s11, v0  }
0x68: {  	v7 =	vmul.bf16 v18, v17;
	v17 =	vld [tilespmem:s13+$0x10];
	v5 =	vmul.bf16 v5, v21  }
0x69: {  	v63 =	vmul.bf16 v9, v8;
	v8 =	vld [tilespmem:s13+$0x20];
	v11 =	vunpack.i.u.bf16.f32 v3;
	v3 =	vunpack.i.l.bf16.f32 v3  }
0x6a: {  	v15 =	vadd.bf16 v10, v7;
	v9 =	vld [tilespmem:s10+$0x20];
	v11 =	vadd.f32 v3, v11  }
0x6b: {  	s14 =	simm.s32 $0x22;
	s11 =	simm.s32 $0x0;
	v10 =	vld [tilespmem:s13+$0x30];
	v7 =	vadd.bf16 v14, v13;
	v16 =	vadd.bf16 v63, v5  }
0x6c: {  	s12 =	simm.s32 $0x11;
	v3 =	vadd.s32 s11, v0;
	v5 =	vadd.s32 s14, v0;
	v14 =	vmul.bf16 v12, v22;
	[tilespmem:v6+s25+$0x0] =	vst.idx.msk $0xffff, v11;
	v11 =	vld [tilespmem:s10+$0x30]  }
0x6d: {  	v12 =	vld [tilespmem:s13+$0xFFFFFF80];
	s13 =	simm.s32 $0x4FA0;
	v6 =	vadd.s32 s12, v0;
	s12 =	simm.s32 $0x0;
	v13 =	vadd.bf16 v16, v15;
	v15 =	vmul.bf16 v62, v17  }
.LBB2_3:
0x6e: {  	v16 =	vld [tilespmem:s13+$0x40];
	s10 =	sadd.s32 $0x100, s10  }
0x6f: {  	v17 =	vld [tilespmem:s10+$0x40];
	v18 =	vunpack.i.u.bf16.f32 v13;
	v8 =	vmul.bf16 v9, v8;
	v9 =	vadd.bf16 v15, v14  }
0x70: {  	v13 =	vunpack.i.l.bf16.f32 v13;
	v14 =	vld [tilespmem:s13+$0x50]  }
0x71: {  	v13 =	vadd.f32 v13, v18;
	v15 =	vld [tilespmem:s10+$0x50];
	v10 =	vmul.bf16 v11, v10  }
0x72: {  	v11 =	vld [tilespmem:s13+$0x60];
	v2 =	vmul.bf16 v2, v12  }
0x73: {  	v12 =	vld [tilespmem:s10+$0x60];
	[tilespmem:v6+s25+$0x0] =	vst.idx.msk $0xffff, v13;
	v6 =	vadd.bf16 v10, v8  }
0x74: {  	v8 =	vld [tilespmem:s13+$0x70];
	v4 =	vadd.bf16 v4, v2  }
0x75: {  	s12 =	sadd.s32 $0x4, s12;
	v10 =	vld [tilespmem:s10+$0x70];
	v6 =	vadd.bf16 v6, v9  }
0x76: {  	p1 =	slt.u32 s12, $0x4C;
	v2 =	vld [tilespmem:s10+$0xFFFFFF80];
	v4 =	vadd.bf16 v7, v4  }
0x77: {  	v7 =	vld [tilespmem:s13+$0xFFFFFF90];
	v9 =	vunpack.i.u.bf16.f32 v6;
	v6 =	vunpack.i.l.bf16.f32 v6  }
0x78: {  	v13 =	vld [tilespmem:s10+$0xFFFFFF90];
	v18 =	vunpack.i.u.bf16.f32 v4;
	v4 =	vunpack.i.l.bf16.f32 v4;
	v6 =	vadd.f32 v6, v9  }
0x79: {  	v16 =	vmul.bf16 v17, v16;
	v14 =	vmul.bf16 v15, v14;
	v9 =	vld [tilespmem:s13+$0xFFFFFFA0];
	v4 =	vadd.f32 v4, v18  }
0x7a: {  	v11 =	vmul.bf16 v12, v11;
	v15 =	vld [tilespmem:s10+$0xFFFFFFA0];
	v8 =	vmul.bf16 v10, v8;
	[tilespmem:v5+s25+$0x0] =	vst.idx.msk $0xffff, v6  }
0x7b: {  	v10 =	vld [tilespmem:s13+$0xFFFFFFB0];
	[tilespmem:v3+s25+$0x0] =	vst.idx.msk $0xffff, v4  }
0x7c: {  	s11 =	sadd.s32 $0x44, s11;
	v5 =	vadd.bf16 v14, v16;
	v12 =	vld [tilespmem:s10+$0xFFFFFFB0];
	v8 =	vadd.bf16 v8, v11  }
0x7d: {  	s14 =	sadd.s32 $0x11, s11;
	s16 =	sadd.s32 $0x22, s11;
	s4 =	sadd.s32 $0x33, s11;
	v3 =	vadd.s32 s11, v0;
	v4 =	vmul.bf16 v13, v7;
	v11 =	vld [tilespmem:s13+$0xFFFFFFC0]  }
0x7e: {  	v6 =	vadd.s32 s14, v0;
	v13 =	vld [tilespmem:s10+$0xFFFFFFC0];
	v7 =	vadd.bf16 v8, v5;
	v8 =	vadd.s32 s4, v0  }
0x7f: {  	v5 =	vadd.s32 s16, v0;
	v9 =	vmul.bf16 v15, v9;
	v14 =	vld [tilespmem:s13+$0xFFFFFFD0]  }
0x80: {  	v15 =	vld [tilespmem:s10+$0xFFFFFFD0];
	v16 =	vunpack.i.u.bf16.f32 v7;
	v7 =	vunpack.i.l.bf16.f32 v7  }
0x81: {  	v10 =	vmul.bf16 v12, v10;
	v12 =	vld [tilespmem:s13+$0xFFFFFFE0];
	v16 =	vadd.f32 v7, v16  }
0x82: {  	v17 =	vld [tilespmem:s10+$0xFFFFFFE0]  }
0x83: {  	v7 =	vadd.bf16 v10, v9;
	v9 =	vmul.bf16 v13, v11;
	v10 =	vld [tilespmem:s13+$0xFFFFFFF0];
	[tilespmem:v8+s25+$0x0] =	vst.idx.msk $0xffff, v16  }
0x84: {  	v8 =	vld [tilespmem:s10+$0xFFFFFFF0]  }
0x85: {  	v11 =	vmul.bf16 v15, v14;
	v13 =	vld [tilespmem:s13+$0x0]  }
0x86: {  	v14 =	vld [tilespmem:s10+$0x0]  }
0x87: {  	v12 =	vmul.bf16 v17, v12;
	v15 =	vadd.bf16 v11, v9;
	v16 =	vld [tilespmem:s13+$0x10]  }
0x88: {  	v17 =	vld [tilespmem:s10+$0x10]  }
.Ltmp0:
0x89: {  	v10 =	vmul.bf16 v8, v10;
	v8 =	vld [tilespmem:s13+$0x20];
	(pc) =	sbr.rel @p1 .LBB2_3-.Ltmp0, $4  }
0x8a: {  	v9 =	vld [tilespmem:s10+$0x20]  }
0x8b: {  	v18 =	vadd.bf16 v10, v12;
	v14 =	vmul.bf16 v14, v13;
	v10 =	vld [tilespmem:s13+$0x30]  }
0x8c: {  	v11 =	vld [tilespmem:s10+$0x30]  }
0x8d: {  	v12 =	vld [tilespmem:s13+$0xFFFFFF80];
	v13 =	vadd.bf16 v18, v15;
	v15 =	vmul.bf16 v17, v16;
	s13 =	sadd.s32 $0x100, s13  }
0x8e: {  	_ =	sdelay $0x2  }
0x8f: {  	v8 =	vmul.bf16 v9, v8;
	v9 =	vmul.bf16 v11, v10  }
0x90: {  	v2 =	vmul.bf16 v2, v12  }
0x91: {  	v10 =	vadd.bf16 v15, v14;
	v8 =	vadd.bf16 v9, v8  }
0x92: {  	v2 =	vadd.bf16 v4, v2  }
0x93: {  	v4 =	vadd.bf16 v8, v10  }
0x94: {  	v9 =	vunpack.i.l.bf16.f32 v13;
	v8 =	vunpack.i.u.bf16.f32 v13;
	v2 =	vadd.bf16 v7, v2  }
0x95: {  	v7 =	vadd.f32 v9, v8;
	v8 =	vunpack.i.u.bf16.f32 v4;
	v4 =	vunpack.i.l.bf16.f32 v4  }
0x96: {  	v9 =	vunpack.i.u.bf16.f32 v2;
	v2 =	vunpack.i.l.bf16.f32 v2;
	v4 =	vadd.f32 v4, v8  }
0x97: {  	[tilespmem:v6+s25+$0x0] =	vst.idx.msk $0xffff, v7;
	v2 =	vadd.f32 v2, v9  }
0x98: {  	[tilespmem:v5+s25+$0x0] =	vst.idx.msk $0xffff, v4  }
0x99: {  	[tilespmem:v3+s25+$0x0] =	vst.idx.msk $0xffff, v2  }
0x9a: {  	v4 =	vld [tilespmem:$0x1FD90];
	_ =	sdelay $0x1  }
0x9b: {  	v5 =	vld [tilespmem:$0x1FDA0];
	_ =	sdelay $0x2  }
0x9c: {  	v2 =	vld.idx.msk [tilespmem:v1+s25+$0x0], $0xffff  }
0x9d: {  	v3 =	vld.idx.msk [tilespmem:v40+s25+$0x0], $0xffff;
	_ =	sdelay $0x1  }
0x9e: {  	v4 =	vld.idx.msk [tilespmem:v4+s25+$0x0], $0xffff;
	_ =	sdelay $0x1  }
0x9f: {  	v5 =	vld.idx.msk [tilespmem:v5+s25+$0x0], $0xffff  }
0xa0: {  	v2 =	vadd.f32 v3, v2;
	v3 =	vld [tilespmem:$0x1FDB0];
	_ =	sdelay $0x1  }
0xa1: {  	v2 =	vadd.f32 v4, v2;
	v4 =	vld [tilespmem:$0x1FDC0];
	_ =	sdelay $0x1  }
0xa2: {  	v2 =	vadd.f32 v5, v2;
	v5 =	vld [tilespmem:$0x1FDD0];
	_ =	sdelay $0x3  }
0xa3: {  	v3 =	vld.idx.msk [tilespmem:v3+s25+$0x0], $0xffff;
	_ =	sdelay $0x1  }
0xa4: {  	v4 =	vld.idx.msk [tilespmem:v4+s25+$0x0], $0xffff;
	_ =	sdelay $0x1  }
0xa5: {  	v5 =	vld.idx.msk [tilespmem:v5+s25+$0x0], $0xffff  }
0xa6: {  	v2 =	vadd.f32 v3, v2;
	v3 =	vld [tilespmem:$0x1FDE0];
	_ =	sdelay $0x1  }
0xa7: {  	v2 =	vadd.f32 v4, v2;
	v4 =	vld [tilespmem:$0x1FDF0];
	_ =	sdelay $0x1  }
0xa8: {  	v2 =	vadd.f32 v5, v2;
	v5 =	vld [tilespmem:$0x1FE00];
	_ =	sdelay $0x3  }
0xa9: {  	v3 =	vld.idx.msk [tilespmem:v3+s25+$0x0], $0xffff;
	_ =	sdelay $0x1  }
0xaa: {  	v4 =	vld.idx.msk [tilespmem:v4+s25+$0x0], $0xffff;
	_ =	sdelay $0x1  }
0xab: {  	v5 =	vld.idx.msk [tilespmem:v5+s25+$0x0], $0xffff  }
0xac: {  	v2 =	vadd.f32 v3, v2;
	v3 =	vld [tilespmem:$0x1FE10];
	_ =	sdelay $0x1  }
0xad: {  	v2 =	vadd.f32 v4, v2;
	v4 =	vld [tilespmem:$0x1FE20];
	_ =	sdelay $0x1  }
0xae: {  	v2 =	vadd.f32 v5, v2;
	v5 =	vld [tilespmem:$0x1FE30];
	_ =	sdelay $0x3  }
0xaf: {  	v3 =	vld.idx.msk [tilespmem:v3+s25+$0x0], $0xffff;
	_ =	sdelay $0x1  }
0xb0: {  	v4 =	vld.idx.msk [tilespmem:v4+s25+$0x0], $0xffff;
	_ =	sdelay $0x1  }
0xb1: {  	v5 =	vld.idx.msk [tilespmem:v5+s25+$0x0], $0xffff  }
0xb2: {  	v2 =	vadd.f32 v3, v2;
	v3 =	vld [tilespmem:$0x1FE40];
	_ =	sdelay $0x1  }
0xb3: {  	v2 =	vadd.f32 v4, v2;
	v4 =	vld [tilespmem:$0x1FE50];
	_ =	sdelay $0x1  }
0xb4: {  	v2 =	vadd.f32 v5, v2;
	v5 =	vld [tilespmem:$0x1FE60];
	_ =	sdelay $0x3  }
0xb5: {  	v3 =	vld.idx.msk [tilespmem:v3+s25+$0x0], $0xffff;
	_ =	sdelay $0x1  }
0xb6: {  	v4 =	vld.idx.msk [tilespmem:v4+s25+$0x0], $0xffff;
	_ =	sdelay $0x1  }
0xb7: {  	v5 =	vld.idx.msk [tilespmem:v5+s25+$0x0], $0xffff  }
0xb8: {  	v2 =	vadd.f32 v3, v2;
	_ =	sdelay $0x1  }
0xb9: {  	v2 =	vadd.f32 v4, v2;
	_ =	sdelay $0x1  }
0xba: {  	v2 =	vadd.f32 v5, v2  }
0xbb: {  	v3 =	vld [tilespmem:$0x1FE80]  }
0xbc: {  	[tilespmem:$0xA370] =	vst v2;
	v2 =	vld [tilespmem:$0x1FE70];
	_ =	sdelay $0x1  }
0xbd: {  	v4 =	vld [tilespmem:$0x1FE90];
	_ =	sdelay $0x1  }
0xbe: {  	v5 =	vld [tilespmem:$0x1FEA0];
	_ =	sdelay $0x2  }
0xbf: {  	v3 =	vld.idx.msk [tilespmem:v3+s25+$0x0], $0xffff  }
0xc0: {  	v2 =	vld.idx.msk [tilespmem:v2+s25+$0x0], $0xffff;
	_ =	sdelay $0x1  }
0xc1: {  	v4 =	vld.idx.msk [tilespmem:v4+s25+$0x0], $0xffff;
	_ =	sdelay $0x1  }
0xc2: {  	v5 =	vld.idx.msk [tilespmem:v5+s25+$0x0], $0xffff  }
0xc3: {  	v2 =	vadd.f32 v3, v2;
	v3 =	vld [tilespmem:$0x1FEB0];
	_ =	sdelay $0x1  }
0xc4: {  	v2 =	vadd.f32 v4, v2;
	v4 =	vld [tilespmem:$0x1FEC0];
	_ =	sdelay $0x1  }
0xc5: {  	v2 =	vadd.f32 v5, v2;
	v5 =	vld [tilespmem:$0x1FED0];
	_ =	sdelay $0x3  }
0xc6: {  	v3 =	vld.idx.msk [tilespmem:v3+s25+$0x0], $0xffff;
	_ =	sdelay $0x1  }
0xc7: {  	v4 =	vld.idx.msk [tilespmem:v4+s25+$0x0], $0xffff;
	_ =	sdelay $0x1  }
0xc8: {  	v5 =	vld.idx.msk [tilespmem:v5+s25+$0x0], $0xffff  }
0xc9: {  	v2 =	vadd.f32 v3, v2;
	v3 =	vld [tilespmem:$0x1FEE0];
	_ =	sdelay $0x1  }
0xca: {  	v2 =	vadd.f32 v4, v2;
	v4 =	vld [tilespmem:$0x1FEF0];
	_ =	sdelay $0x1  }
0xcb: {  	v2 =	vadd.f32 v5, v2;
	v5 =	vld [tilespmem:$0x1FF00];
	_ =	sdelay $0x3  }
0xcc: {  	v3 =	vld.idx.msk [tilespmem:v3+s25+$0x0], $0xffff;
	_ =	sdelay $0x1  }
0xcd: {  	v4 =	vld.idx.msk [tilespmem:v4+s25+$0x0], $0xffff;
	_ =	sdelay $0x1  }
0xce: {  	v5 =	vld.idx.msk [tilespmem:v5+s25+$0x0], $0xffff  }
0xcf: {  	v2 =	vadd.f32 v3, v2;
	v3 =	vld [tilespmem:$0x1FF10];
	_ =	sdelay $0x1  }
0xd0: {  	v2 =	vadd.f32 v4, v2;
	v4 =	vld [tilespmem:$0x1FF20];
	_ =	sdelay $0x1  }
0xd1: {  	v2 =	vadd.f32 v5, v2;
	v5 =	vld [tilespmem:$0x1FF30];
	_ =	sdelay $0x3  }
0xd2: {  	v3 =	vld.idx.msk [tilespmem:v3+s25+$0x0], $0xffff;
	_ =	sdelay $0x1  }
0xd3: {  	v4 =	vld.idx.msk [tilespmem:v4+s25+$0x0], $0xffff;
	_ =	sdelay $0x1  }
0xd4: {  	v5 =	vld.idx.msk [tilespmem:v5+s25+$0x0], $0xffff  }
0xd5: {  	v2 =	vadd.f32 v3, v2;
	v3 =	vld [tilespmem:$0x1FF40];
	_ =	sdelay $0x1  }
0xd6: {  	v2 =	vadd.f32 v4, v2;
	v4 =	vld [tilespmem:$0x1FF50];
	_ =	sdelay $0x1  }
0xd7: {  	v2 =	vadd.f32 v5, v2;
	v5 =	vld [tilespmem:$0x1FF60];
	_ =	sdelay $0x3  }
0xd8: {  	v3 =	vld.idx.msk [tilespmem:v3+s25+$0x0], $0xffff;
	_ =	sdelay $0x1  }
0xd9: {  	v4 =	vld.idx.msk [tilespmem:v4+s25+$0x0], $0xffff;
	_ =	sdelay $0x1  }
0xda: {  	v5 =	vld.idx.msk [tilespmem:v5+s25+$0x0], $0xffff  }
0xdb: {  	v2 =	vadd.f32 v3, v2;
	_ =	sdelay $0x1  }
0xdc: {  	v2 =	vadd.f32 v4, v2;
	_ =	sdelay $0x1  }
0xdd: {  	v2 =	vadd.f32 v5, v2  }
0xde: {  	v3 =	vld [tilespmem:$0x1FF80]  }
0xdf: {  	[tilespmem:$0xA380] =	vst v2;
	v2 =	vld [tilespmem:$0x1FF70];
	_ =	sdelay $0x1  }
0xe0: {  	v4 =	vld [tilespmem:$0x1FF90];
	_ =	sdelay $0x4  }
0xe1: {  	v3 =	vld.idx.msk [tilespmem:v3+s25+$0x0], $0xffff  }
0xe2: {  	v2 =	vld.idx.msk [tilespmem:v2+s25+$0x0], $0xffff;
	_ =	sdelay $0x1  }
0xe3: {  	v4 =	vld.idx.msk [tilespmem:v4+s25+$0x0], $0xffff  }
0xe4: {  	v5 =	vld [tilespmem:$0x1FFA0];
	_ =	sdelay $0x1  }
0xe5: {  	v2 =	vadd.f32 v3, v2;
	v3 =	vld [tilespmem:$0x1FFB0];
	_ =	sdelay $0x1  }
0xe6: {  	v2 =	vadd.f32 v4, v2;
	v4 =	vld [tilespmem:$0x1FFC0];
	_ =	sdelay $0x3  }
0xe7: {  	v5 =	vld.idx.msk [tilespmem:v5+s25+$0x0], $0xffff;
	_ =	sdelay $0x1  }
0xe8: {  	v3 =	vld.idx.msk [tilespmem:v3+s25+$0x0], $0xffff;
	_ =	sdelay $0x1  }
0xe9: {  	v4 =	vld.idx.msk [tilespmem:v4+s25+$0x0], $0xffff  }
0xea: {  	v2 =	vadd.f32 v5, v2;
	v5 =	vld [tilespmem:$0x1FFD0];
	_ =	sdelay $0x1  }
0xeb: {  	v2 =	vadd.f32 v3, v2;
	v3 =	vld [tilespmem:$0x1FFE0];
	_ =	sdelay $0x1  }
0xec: {  	v2 =	vadd.f32 v4, v2;
	v4 =	vld [tilespmem:$0x1FFF0];
	_ =	sdelay $0x3  }
0xed: {  	v5 =	vld.idx.msk [tilespmem:v5+s25+$0x0], $0xffff;
	_ =	sdelay $0x1  }
0xee: {  	v3 =	vld.idx.msk [tilespmem:v3+s25+$0x0], $0xffff;
	_ =	sdelay $0x1  }
0xef: {  	v4 =	vld.idx.msk [tilespmem:v4+s25+$0x0], $0xffff  }
0xf0: {  	v2 =	vadd.f32 v5, v2  }
0xf1: {  	v5 =	vld.idx.msk [tilespmem:v42+s25+$0x0], $0xffff  }
0xf2: {  	v2 =	vadd.f32 v3, v2  }
0xf3: {  	v3 =	vld.idx.msk [tilespmem:v43+s25+$0x0], $0xffff  }
0xf4: {  	v2 =	vadd.f32 v4, v2  }
0xf5: {  	v4 =	vld.idx.msk [tilespmem:v44+s25+$0x0], $0xffff  }
0xf6: {  	v2 =	vadd.f32 v5, v2  }
0xf7: {  	v5 =	vld.idx.msk [tilespmem:v45+s25+$0x0], $0xffff  }
0xf8: {  	v2 =	vadd.f32 v3, v2  }
0xf9: {  	v3 =	vld.idx.msk [tilespmem:v46+s25+$0x0], $0xffff  }
0xfa: {  	v2 =	vadd.f32 v4, v2  }
0xfb: {  	v4 =	vld.idx.msk [tilespmem:v47+s25+$0x0], $0xffff  }
0xfc: {  	v2 =	vadd.f32 v5, v2  }
0xfd: {  	v5 =	vld.idx.msk [tilespmem:v48+s25+$0x0], $0xffff  }
0xfe: {  	v2 =	vadd.f32 v3, v2;
	_ =	sdelay $0x1  }
0xff: {  	v2 =	vadd.f32 v4, v2;
	_ =	sdelay $0x1  }
0x100: {  	v2 =	vadd.f32 v5, v2;
	_ =	sdelay $0x1  }
0x101: {  	[tilespmem:$0xA390] =	vst v2  }
0x102: {  	v2 =	vld.idx.msk [tilespmem:v49+s25+$0x0], $0xffff  }
0x103: {  	v3 =	vld.idx.msk [tilespmem:v50+s25+$0x0], $0xffff;
	_ =	sdelay $0x1  }
0x104: {  	v4 =	vld.idx.msk [tilespmem:v51+s25+$0x0], $0xffff;
	_ =	sdelay $0x1  }
0x105: {  	v5 =	vld.idx.msk [tilespmem:v52+s25+$0x0], $0xffff  }
0x106: {  	v2 =	vadd.f32 v3, v2  }
0x107: {  	v3 =	vld.idx.msk [tilespmem:v53+s25+$0x0], $0xffff  }
0x108: {  	v2 =	vadd.f32 v4, v2  }
0x109: {  	v4 =	vld.idx.msk [tilespmem:v54+s25+$0x0], $0xffff  }
0x10a: {  	v2 =	vadd.f32 v5, v2  }
0x10b: {  	v5 =	vld.idx.msk [tilespmem:v55+s25+$0x0], $0xffff  }
0x10c: {  	v2 =	vadd.f32 v3, v2  }
0x10d: {  	v3 =	vld.idx.msk [tilespmem:v56+s25+$0x0], $0xffff  }
0x10e: {  	v2 =	vadd.f32 v4, v2  }
0x10f: {  	v4 =	vld.idx.msk [tilespmem:v57+s25+$0x0], $0xffff  }
0x110: {  	v60 =	vadd.s32 $0x33B, v1;
	v2 =	vadd.f32 v5, v2  }
0x111: {  	v5 =	vld.idx.msk [tilespmem:v58+s25+$0x0], $0xffff  }
0x112: {  	v61 =	vadd.s32 $0x33C, v1;
	v2 =	vadd.f32 v3, v2  }
0x113: {  	v3 =	vld.idx.msk [tilespmem:v59+s25+$0x0], $0xffff  }
0x114: {  	v62 =	vadd.s32 $0x33D, v1;
	v2 =	vadd.f32 v4, v2  }
0x115: {  	v4 =	vld.idx.msk [tilespmem:v60+s25+$0x0], $0xffff  }
0x116: {  	v63 =	vadd.s32 $0x33E, v1;
	v2 =	vadd.f32 v5, v2  }
0x117: {  	v5 =	vld.idx.msk [tilespmem:v61+s25+$0x0], $0xffff  }
0x118: {  	v3 =	vadd.f32 v3, v2;
	v2 =	vadd.s32 $0x33F, v1  }
0x119: {  	v6 =	vld.idx.msk [tilespmem:v62+s25+$0x0], $0xffff  }
0x11a: {  	v3 =	vadd.f32 v4, v3  }
0x11b: {  	v4 =	vld.idx.msk [tilespmem:v63+s25+$0x0], $0xffff  }
0x11c: {  	v3 =	vadd.f32 v5, v3  }
0x11d: {  	v5 =	vld.idx.msk [tilespmem:v2+s25+$0x0], $0xffff  }
0x11e: {  	v3 =	vadd.f32 v6, v3;
	_ =	sdelay $0x1  }
0x11f: {  	v6 =	vadd.f32 v4, v3;
	v3 =	vadd.s32 $0x440, v1  }
0x120: {  	v4 =	vadd.s32 $0x441, v1  }
0x121: {  	v6 =	vadd.f32 v5, v6  }
0x122: {  	v5 =	vadd.s32 $0x442, v1  }
0x123: {  	[tilespmem:$0xA3A0] =	vst v6  }
0x124: {  	v6 =	vadd.s32 $0x443, v1;
	v9 =	vld.idx.msk [tilespmem:v3+s25+$0x0], $0xffff  }
0x125: {  	v10 =	vld.idx.msk [tilespmem:v4+s25+$0x0], $0xffff  }
0x126: {  	v7 =	vadd.s32 $0x444, v1  }
0x127: {  	v11 =	vld.idx.msk [tilespmem:v5+s25+$0x0], $0xffff  }
0x128: {  	v8 =	vadd.s32 $0x445, v1  }
0x129: {  	v12 =	vld.idx.msk [tilespmem:v6+s25+$0x0], $0xffff  }
0x12a: {  	v10 =	vadd.f32 v10, v9;
	v9 =	vadd.s32 $0x446, v1  }
0x12b: {  	v13 =	vld.idx.msk [tilespmem:v7+s25+$0x0], $0xffff  }
0x12c: {  	v11 =	vadd.f32 v11, v10;
	v10 =	vadd.s32 $0x447, v1  }
0x12d: {  	v14 =	vld.idx.msk [tilespmem:v8+s25+$0x0], $0xffff  }
0x12e: {  	v12 =	vadd.f32 v12, v11;
	v11 =	vadd.s32 $0x448, v1  }
0x12f: {  	v15 =	vld.idx.msk [tilespmem:v9+s25+$0x0], $0xffff  }
0x130: {  	v13 =	vadd.f32 v13, v12;
	v12 =	vadd.s32 $0x449, v1  }
0x131: {  	v16 =	vld.idx.msk [tilespmem:v10+s25+$0x0], $0xffff  }
0x132: {  	v14 =	vadd.f32 v14, v13;
	v13 =	vadd.s32 $0x44A, v1  }
0x133: {  	v17 =	vld.idx.msk [tilespmem:v11+s25+$0x0], $0xffff  }
0x134: {  	v15 =	vadd.f32 v15, v14;
	v14 =	vadd.s32 $0x44B, v1  }
0x135: {  	v18 =	vld.idx.msk [tilespmem:v12+s25+$0x0], $0xffff  }
0x136: {  	v16 =	vadd.f32 v16, v15;
	v15 =	vadd.s32 $0x44C, v1  }
0x137: {  	v19 =	vld.idx.msk [tilespmem:v13+s25+$0x0], $0xffff  }
0x138: {  	v17 =	vadd.f32 v17, v16;
	v16 =	vadd.s32 $0x44D, v1  }
0x139: {  	v20 =	vld.idx.msk [tilespmem:v14+s25+$0x0], $0xffff  }
0x13a: {  	v18 =	vadd.f32 v18, v17;
	v17 =	vadd.s32 $0x44E, v1  }
0x13b: {  	v21 =	vld.idx.msk [tilespmem:v15+s25+$0x0], $0xffff  }
0x13c: {  	v19 =	vadd.f32 v19, v18;
	v18 =	vadd.s32 $0x44F, v1  }
0x13d: {  	v22 =	vld.idx.msk [tilespmem:v16+s25+$0x0], $0xffff  }
0x13e: {  	v19 =	vadd.f32 v20, v19  }
0x13f: {  	v20 =	vld.idx.msk [tilespmem:v17+s25+$0x0], $0xffff  }
0x140: {  	v19 =	vadd.f32 v21, v19  }
0x141: {  	v21 =	vld.idx.msk [tilespmem:v18+s25+$0x0], $0xffff  }
0x142: {  	v19 =	vadd.f32 v22, v19;
	_ =	sdelay $0x1  }
0x143: {  	v19 =	vadd.f32 v20, v19;
	_ =	sdelay $0x1  }
0x144: {  	s4 =	sadd.s32 s6, s9;
	v19 =	vadd.f32 v21, v19  }
0x145: {  	s4 =	sshrl.u32 s4, $0x3  }
0x146: {  	s4 =	sadd.s32 s0, s4;
	[tilespmem:$0xA3B0] =	vst v19  }
0x147: {  	[hbm4b:s4+s5] =	stream.linear.scatter [tilespmem:s26], [sflag:$0x5], $0x50, $0x38;
	[tilespmem:$0x1DC90] =	vst v63  }
0x148: {  	_ =	swait.ge [sflag:s28], $0x1400  }
0x149: {  	[sflag:s28] =	ssyncset.done $0x0  }
0x14a: {  	[sflag:s28] =	ssyncadd.s32 $0xFFFFEC00  }
0x14b: {  	_ =	swait.ge [sflag:s29], $0x1400  }
0x14c: {  	[sflag:s29] =	ssyncset.done $0x0  }
0x14d: {  	s12 =	sadd.s32 $0xA0, s9;
	[sflag:s29] =	ssyncadd.s32 $0xFFFFEC00  }
0x14e: {  	[tilespmem:s19], [sflag:$0x1] =	stream.indirect.gather [spmem:s1], $0x40, s12, s18, $0xb8;
	[tilespmem:$0x1DC90] =	vst v63  }
0x14f: {  	s13 =	sadd.s32 $0x27B0, s9;
	s4 =	simm.s32 @!p0 $0x6  }
0x150: {  	[tilespmem:s20], [sflag:$0x3] =	stream.indirect.gather [spmem:s3], $0x40, s13, s18, $0xb8;
	[tilespmem:$0x1DC90] =	vst v63  }
0x151: {  	_ =	swait.ge @!p0 [sflag:s4], $0x50  }
0x152: {  	[sflag:s4] =	ssyncset.done @!p0 $0x0  }
0x153: {  	s12 =	simm.s32 $0x6310;
	[sflag:s4] =	ssyncadd.s32 @!p0 $0xFFFFFFB0  }
0x154: {  	s9 =	simm.s32 $0x8B10;
	v20 =	vld [tilespmem:s12+$0xFFFFFFD0]  }
0x155: {  	v21 =	vld [tilespmem:s9+$0xFFFFFFD0]  }
0x156: {  	v22 =	vld [tilespmem:s12+$0xFFFFFFE0]  }
0x157: {  	v23 =	vld [tilespmem:s9+$0xFFFFFFE0]  }
0x158: {  	v24 =	vld [tilespmem:s12+$0xFFFFFFF0]  }
0x159: {  	v25 =	vld [tilespmem:s9+$0xFFFFFFF0]  }
0x15a: {  	v26 =	vld [tilespmem:s12+$0x0]  }
0x15b: {  	v27 =	vld [tilespmem:s9+$0x0]  }
0x15c: {  	v19 =	vld [tilespmem:s9+$0xFFFFFF10]  }
0x15d: {  	v28 =	vld [tilespmem:s12+$0xFFFFFF20]  }
0x15e: {  	v29 =	vld [tilespmem:s9+$0xFFFFFF20]  }
0x15f: {  	v30 =	vld [tilespmem:s12+$0xFFFFFF30]  }
0x160: {  	v31 =	vld [tilespmem:s9+$0xFFFFFF30]  }
0x161: {  	v32 =	vld [tilespmem:s12+$0xFFFFFF40]  }
0x162: {  	v33 =	vld [tilespmem:s9+$0xFFFFFF40]  }
0x163: {  	v34 =	vld [tilespmem:s12+$0xFFFFFF50]  }
0x164: {  	v35 =	vld [tilespmem:s9+$0xFFFFFF50]  }
0x165: {  	v36 =	vld [tilespmem:s12+$0xFFFFFF60]  }
0x166: {  	v37 =	vld [tilespmem:s9+$0xFFFFFF60]  }
0x167: {  	v38 =	vld [tilespmem:s12+$0xFFFFFF70]  }
0x168: {  	v20 =	vmul.bf16 v21, v20;
	v21 =	vmul.bf16 v23, v22;
	v22 =	vld [tilespmem:s9+$0xFFFFFF70]  }
0x169: {  	v23 =	vmul.bf16 v25, v24;
	v24 =	vmul.bf16 v27, v26;
	v25 =	vld [tilespmem:s12+$0xFFFFFF80]  }
0x16a: {  	v26 =	vld [tilespmem:s9+$0xFFFFFF80]  }
0x16b: {  	v39 =	vld [tilespmem:s12+$0xFFFFFF90];
	v20 =	vadd.bf16 v21, v20;
	v23 =	vadd.bf16 v24, v23  }
0x16c: {  	v41 =	vmov v40;
	v40 =	vld [tilespmem:s9+$0xFFFFFF90];
	v21 =	vmul.bf16 v29, v28  }
0x16d: {  	s14 =	simm.s32 $0x33;
	v24 =	vmul.bf16 v37, v36;
	v36 =	vld [tilespmem:s9+$0xFFFFFFA0];
	v29 =	vmul.bf16 v31, v30;
	v20 =	vadd.bf16 v23, v20  }
0x16e: {  	v30 =	vmul.bf16 v33, v32;
	v23 =	vmul.bf16 v35, v34;
	v34 =	vld [tilespmem:s12+$0xFFFFFFA0];
	v35 =	vadd.s32 s14, v0  }
0x16f: {  	v22 =	vmul.bf16 v22, v38;
	v28 =	vmul.bf16 v26, v25;
	v25 =	vld [tilespmem:s12+$0xFFFFFFB0];
	v27 =	vunpack.i.u.bf16.f32 v20  }
0x170: {  	v26 =	vld [tilespmem:s9+$0xFFFFFFB0];
	v20 =	vunpack.i.l.bf16.f32 v20;
	v38 =	vadd.bf16 v24, v23;
	v24 =	vadd.bf16 v30, v29  }
0x171: {  	s10 =	simm.s32 $0x0;
	s16 =	simm.s32 $0x11;
	v31 =	vadd.f32 v20, v27;
	v22 =	vadd.bf16 v28, v22;
	v27 =	vld [tilespmem:s12+$0xFFFFFFC0]  }
0x172: {  	s13 =	simm.s32 $0x22;
	v23 =	vadd.s32 s16, v0;
	v29 =	vmul.bf16 v40, v39;
	v20 =	vadd.s32 s10, v0;
	v28 =	vld [tilespmem:s9+$0xFFFFFFC0]  }
0x173: {  	s11 =	simm.s32 $0x0;
	[tilespmem:v35+s25+$0x0] =	vst.idx.msk $0xffff, v31;
	v30 =	vadd.bf16 v22, v38;
	v22 =	vadd.s32 s13, v0;
	v32 =	vmul.bf16 v36, v34;
	v31 =	vld [tilespmem:s12+$0xFFFFFF10];
	s12 =	simm.s32 $0x6410  }
.LBB2_5:
0x174: {  	v33 =	vld [tilespmem:s12+$0xFFFFFFD0];
	s9 =	sadd.s32 $0x100, s9  }
0x175: {  	v34 =	vld [tilespmem:s9+$0xFFFFFFD0];
	v35 =	vunpack.i.u.bf16.f32 v30;
	v25 =	vmul.bf16 v26, v25;
	v26 =	vadd.bf16 v32, v29  }
0x176: {  	v30 =	vunpack.i.l.bf16.f32 v30;
	v29 =	vld [tilespmem:s12+$0xFFFFFFE0]  }
0x177: {  	v30 =	vadd.f32 v30, v35;
	v32 =	vld [tilespmem:s9+$0xFFFFFFE0];
	v27 =	vmul.bf16 v28, v27  }
0x178: {  	v28 =	vld [tilespmem:s12+$0xFFFFFFF0];
	v19 =	vmul.bf16 v19, v31  }
0x179: {  	v31 =	vld [tilespmem:s9+$0xFFFFFFF0];
	[tilespmem:v23+s25+$0x0] =	vst.idx.msk $0xffff, v30;
	v23 =	vadd.bf16 v27, v25  }
0x17a: {  	v25 =	vld [tilespmem:s12+$0x0];
	v21 =	vadd.bf16 v21, v19  }
0x17b: {  	s11 =	sadd.s32 $0x4, s11;
	v27 =	vld [tilespmem:s9+$0x0];
	v23 =	vadd.bf16 v23, v26  }
0x17c: {  	p0 =	slt.u32 s11, $0x4C;
	v19 =	vld [tilespmem:s9+$0xFFFFFF10];
	v21 =	vadd.bf16 v24, v21  }
0x17d: {  	v24 =	vld [tilespmem:s12+$0xFFFFFF20];
	v26 =	vunpack.i.u.bf16.f32 v23;
	v23 =	vunpack.i.l.bf16.f32 v23  }
0x17e: {  	v30 =	vld [tilespmem:s9+$0xFFFFFF20];
	v35 =	vunpack.i.u.bf16.f32 v21;
	v21 =	vunpack.i.l.bf16.f32 v21;
	v23 =	vadd.f32 v23, v26  }
0x17f: {  	v33 =	vmul.bf16 v34, v33;
	v29 =	vmul.bf16 v32, v29;
	v26 =	vld [tilespmem:s12+$0xFFFFFF30];
	v21 =	vadd.f32 v21, v35  }
0x180: {  	v28 =	vmul.bf16 v31, v28;
	v32 =	vld [tilespmem:s9+$0xFFFFFF30];
	v25 =	vmul.bf16 v27, v25;
	[tilespmem:v22+s25+$0x0] =	vst.idx.msk $0xffff, v23  }
0x181: {  	v27 =	vld [tilespmem:s12+$0xFFFFFF40];
	[tilespmem:v20+s25+$0x0] =	vst.idx.msk $0xffff, v21  }
0x182: {  	s10 =	sadd.s32 $0x44, s10;
	v22 =	vadd.bf16 v29, v33;
	v31 =	vld [tilespmem:s9+$0xFFFFFF40];
	v25 =	vadd.bf16 v25, v28  }
0x183: {  	s4 =	sadd.s32 $0x11, s10;
	s13 =	sadd.s32 $0x22, s10;
	s14 =	sadd.s32 $0x33, s10;
	v20 =	vadd.s32 s10, v0;
	v21 =	vmul.bf16 v30, v24;
	v28 =	vld [tilespmem:s12+$0xFFFFFF50]  }
0x184: {  	v23 =	vadd.s32 s4, v0;
	v29 =	vld [tilespmem:s9+$0xFFFFFF50];
	v24 =	vadd.bf16 v25, v22;
	v25 =	vadd.s32 s14, v0  }
0x185: {  	v22 =	vadd.s32 s13, v0;
	v26 =	vmul.bf16 v32, v26;
	v30 =	vld [tilespmem:s12+$0xFFFFFF60]  }
0x186: {  	v32 =	vld [tilespmem:s9+$0xFFFFFF60];
	v33 =	vunpack.i.u.bf16.f32 v24;
	v24 =	vunpack.i.l.bf16.f32 v24  }
0x187: {  	v27 =	vmul.bf16 v31, v27;
	v31 =	vld [tilespmem:s12+$0xFFFFFF70];
	v33 =	vadd.f32 v24, v33  }
0x188: {  	v34 =	vld [tilespmem:s9+$0xFFFFFF70]  }
0x189: {  	v24 =	vadd.bf16 v27, v26;
	v26 =	vmul.bf16 v29, v28;
	v27 =	vld [tilespmem:s12+$0xFFFFFF80];
	[tilespmem:v25+s25+$0x0] =	vst.idx.msk $0xffff, v33  }
0x18a: {  	v25 =	vld [tilespmem:s9+$0xFFFFFF80]  }
0x18b: {  	v28 =	vmul.bf16 v32, v30;
	v29 =	vld [tilespmem:s12+$0xFFFFFF90]  }
0x18c: {  	v30 =	vld [tilespmem:s9+$0xFFFFFF90]  }
0x18d: {  	v31 =	vmul.bf16 v34, v31;
	v32 =	vadd.bf16 v28, v26;
	v33 =	vld [tilespmem:s12+$0xFFFFFFA0]  }
0x18e: {  	v34 =	vld [tilespmem:s9+$0xFFFFFFA0]  }
.Ltmp1:
0x18f: {  	v27 =	vmul.bf16 v25, v27;
	v25 =	vld [tilespmem:s12+$0xFFFFFFB0];
	(pc) =	sbr.rel @p0 .LBB2_5-.Ltmp1, $4  }
0x190: {  	v26 =	vld [tilespmem:s9+$0xFFFFFFB0]  }
0x191: {  	v35 =	vadd.bf16 v27, v31;
	v29 =	vmul.bf16 v30, v29;
	v27 =	vld [tilespmem:s12+$0xFFFFFFC0]  }
0x192: {  	v28 =	vld [tilespmem:s9+$0xFFFFFFC0]  }
0x193: {  	v31 =	vld [tilespmem:s12+$0xFFFFFF10];
	v30 =	vadd.bf16 v35, v32;
	v32 =	vmul.bf16 v34, v33;
	s12 =	sadd.s32 $0x100, s12  }
0x194: {  	_ =	sdelay $0x2  }
0x195: {  	v25 =	vmul.bf16 v26, v25;
	v34 =	vmul.bf16 v28, v27  }
0x196: {  	v19 =	vmul.bf16 v19, v31  }
0x197: {  	v35 =	vadd.bf16 v32, v29;
	v25 =	vadd.bf16 v34, v25  }
0x198: {  	v19 =	vadd.bf16 v21, v19  }
0x199: {  	v36 =	vadd.bf16 v25, v35  }
0x19a: {  	v37 =	vunpack.i.u.bf16.f32 v30;
	v38 =	vunpack.i.l.bf16.f32 v30;
	v19 =	vadd.bf16 v24, v19  }
0x19b: {  	v24 =	vadd.f32 v38, v37;
	v39 =	vunpack.i.u.bf16.f32 v36;
	v21 =	vunpack.i.l.bf16.f32 v36  }
0x19c: {  	v21 =	vadd.f32 v21, v39;
	v40 =	vunpack.i.u.bf16.f32 v19;
	v19 =	vunpack.i.l.bf16.f32 v19  }
0x19d: {  	[tilespmem:v23+s25+$0x0] =	vst.idx.msk $0xffff, v24;
	v19 =	vadd.f32 v19, v40  }
0x19e: {  	[tilespmem:v22+s25+$0x0] =	vst.idx.msk $0xffff, v21  }
0x19f: {  	[tilespmem:v20+s25+$0x0] =	vst.idx.msk $0xffff, v19  }
0x1a0: {  	v19 =	vld.idx.msk [tilespmem:v1+s25+$0x0], $0xffff  }
0x1a1: {  	v20 =	vld.idx.msk [tilespmem:v41+s25+$0x0], $0xffff  }
0x1a2: {  	v21 =	vld [tilespmem:$0x1FD90];
	_ =	sdelay $0x1  }
0x1a3: {  	v22 =	vld [tilespmem:$0x1FDA0];
	_ =	sdelay $0x1  }
0x1a4: {  	v19 =	vadd.f32 v20, v19;
	v20 =	vld [tilespmem:$0x1FDB0];
	_ =	sdelay $0x3  }
0x1a5: {  	v21 =	vld.idx.msk [tilespmem:v21+s25+$0x0], $0xffff;
	_ =	sdelay $0x1  }
0x1a6: {  	v22 =	vld.idx.msk [tilespmem:v22+s25+$0x0], $0xffff;
	_ =	sdelay $0x1  }
0x1a7: {  	v20 =	vld.idx.msk [tilespmem:v20+s25+$0x0], $0xffff  }
0x1a8: {  	v27 =	vld [tilespmem:$0x1FDC0];
	v19 =	vadd.f32 v21, v19;
	_ =	sdelay $0x1  }
0x1a9: {  	v28 =	vld [tilespmem:$0x1FDD0];
	v19 =	vadd.f32 v22, v19;
	_ =	sdelay $0x1  }
0x1aa: {  	v19 =	vadd.f32 v20, v19;
	v20 =	vld [tilespmem:$0x1FDE0];
	_ =	sdelay $0x3  }
0x1ab: {  	v21 =	vld.idx.msk [tilespmem:v27+s25+$0x0], $0xffff;
	_ =	sdelay $0x1  }
0x1ac: {  	v22 =	vld.idx.msk [tilespmem:v28+s25+$0x0], $0xffff;
	_ =	sdelay $0x1  }
0x1ad: {  	v20 =	vld.idx.msk [tilespmem:v20+s25+$0x0], $0xffff  }
0x1ae: {  	v29 =	vld [tilespmem:$0x1FDF0];
	v19 =	vadd.f32 v21, v19;
	_ =	sdelay $0x1  }
0x1af: {  	v30 =	vld [tilespmem:$0x1FE00];
	v19 =	vadd.f32 v22, v19;
	_ =	sdelay $0x1  }
0x1b0: {  	v19 =	vadd.f32 v20, v19;
	v20 =	vld [tilespmem:$0x1FE10];
	_ =	sdelay $0x3  }
0x1b1: {  	v21 =	vld.idx.msk [tilespmem:v29+s25+$0x0], $0xffff;
	_ =	sdelay $0x1  }
0x1b2: {  	v22 =	vld.idx.msk [tilespmem:v30+s25+$0x0], $0xffff;
	_ =	sdelay $0x1  }
0x1b3: {  	v20 =	vld.idx.msk [tilespmem:v20+s25+$0x0], $0xffff  }
0x1b4: {  	v31 =	vld [tilespmem:$0x1FE20];
	v19 =	vadd.f32 v21, v19;
	_ =	sdelay $0x1  }
0x1b5: {  	v32 =	vld [tilespmem:$0x1FE30];
	v19 =	vadd.f32 v22, v19;
	_ =	sdelay $0x1  }
0x1b6: {  	v19 =	vadd.f32 v20, v19;
	v20 =	vld [tilespmem:$0x1FE40];
	_ =	sdelay $0x1  }
0x1b7: {  	v33 =	vld [tilespmem:$0x1FE50]  }
0x1b8: {  	v34 =	vld [tilespmem:$0x1FE60]  }
0x1b9: {  	v21 =	vld.idx.msk [tilespmem:v31+s25+$0x0], $0xffff;
	_ =	sdelay $0x1  }
0x1ba: {  	v22 =	vld.idx.msk [tilespmem:v32+s25+$0x0], $0xffff;
	_ =	sdelay $0x1  }
0x1bb: {  	v20 =	vld.idx.msk [tilespmem:v20+s25+$0x0], $0xffff  }
0x1bc: {  	v19 =	vadd.f32 v21, v19  }
0x1bd: {  	v21 =	vld.idx.msk [tilespmem:v33+s25+$0x0], $0xffff  }
0x1be: {  	v19 =	vadd.f32 v22, v19  }
0x1bf: {  	v22 =	vld.idx.msk [tilespmem:v34+s25+$0x0], $0xffff  }
0x1c0: {  	v19 =	vadd.f32 v20, v19;
	_ =	sdelay $0x1  }
0x1c1: {  	v19 =	vadd.f32 v21, v19;
	_ =	sdelay $0x1  }
0x1c2: {  	v19 =	vadd.f32 v22, v19  }
0x1c3: {  	v20 =	vld [tilespmem:$0x1FE80]  }
0x1c4: {  	[tilespmem:$0xA3C0] =	vst v19;
	v19 =	vld [tilespmem:$0x1FE70];
	_ =	sdelay $0x6  }
0x1c5: {  	v20 =	vld.idx.msk [tilespmem:v20+s25+$0x0], $0xffff  }
0x1c6: {  	v19 =	vld.idx.msk [tilespmem:v19+s25+$0x0], $0xffff  }
0x1c7: {  	v35 =	vld [tilespmem:$0x1FE90];
	_ =	sdelay $0x1  }
0x1c8: {  	v36 =	vld [tilespmem:$0x1FEA0];
	_ =	sdelay $0x1  }
0x1c9: {  	v19 =	vadd.f32 v20, v19;
	v20 =	vld [tilespmem:$0x1FEB0];
	_ =	sdelay $0x3  }
0x1ca: {  	v21 =	vld.idx.msk [tilespmem:v35+s25+$0x0], $0xffff;
	_ =	sdelay $0x1  }
0x1cb: {  	v22 =	vld.idx.msk [tilespmem:v36+s25+$0x0], $0xffff;
	_ =	sdelay $0x1  }
0x1cc: {  	v20 =	vld.idx.msk [tilespmem:v20+s25+$0x0], $0xffff  }
0x1cd: {  	v37 =	vld [tilespmem:$0x1FEC0];
	v19 =	vadd.f32 v21, v19;
	_ =	sdelay $0x1  }
0x1ce: {  	v38 =	vld [tilespmem:$0x1FED0];
	v19 =	vadd.f32 v22, v19;
	_ =	sdelay $0x1  }
0x1cf: {  	v19 =	vadd.f32 v20, v19;
	v20 =	vld [tilespmem:$0x1FEE0];
	_ =	sdelay $0x3  }
0x1d0: {  	v21 =	vld.idx.msk [tilespmem:v37+s25+$0x0], $0xffff;
	_ =	sdelay $0x1  }
0x1d1: {  	v22 =	vld.idx.msk [tilespmem:v38+s25+$0x0], $0xffff;
	_ =	sdelay $0x1  }
0x1d2: {  	v20 =	vld.idx.msk [tilespmem:v20+s25+$0x0], $0xffff  }
0x1d3: {  	v39 =	vld [tilespmem:$0x1FEF0];
	v19 =	vadd.f32 v21, v19;
	_ =	sdelay $0x1  }
0x1d4: {  	v40 =	vmov v41;
	v41 =	vld [tilespmem:$0x1FF00];
	v19 =	vadd.f32 v22, v19;
	_ =	sdelay $0x1  }
0x1d5: {  	v19 =	vadd.f32 v20, v19;
	v20 =	vld [tilespmem:$0x1FF10];
	_ =	sdelay $0x3  }
0x1d6: {  	v21 =	vld.idx.msk [tilespmem:v39+s25+$0x0], $0xffff;
	_ =	sdelay $0x1  }
0x1d7: {  	v22 =	vld.idx.msk [tilespmem:v41+s25+$0x0], $0xffff;
	_ =	sdelay $0x1  }
0x1d8: {  	v20 =	vld.idx.msk [tilespmem:v20+s25+$0x0], $0xffff  }
0x1d9: {  	v24 =	vld [tilespmem:$0x1FF20];
	v19 =	vadd.f32 v21, v19;
	_ =	sdelay $0x1  }
0x1da: {  	v25 =	vld [tilespmem:$0x1FF30];
	v19 =	vadd.f32 v22, v19;
	_ =	sdelay $0x1  }
0x1db: {  	v19 =	vadd.f32 v20, v19;
	v20 =	vld [tilespmem:$0x1FF40];
	_ =	sdelay $0x1  }
0x1dc: {  	v26 =	vld [tilespmem:$0x1FF50]  }
0x1dd: {  	v27 =	vld [tilespmem:$0x1FF60]  }
0x1de: {  	v21 =	vld.idx.msk [tilespmem:v24+s25+$0x0], $0xffff;
	_ =	sdelay $0x1  }
0x1df: {  	v22 =	vld.idx.msk [tilespmem:v25+s25+$0x0], $0xffff;
	_ =	sdelay $0x1  }
0x1e0: {  	v20 =	vld.idx.msk [tilespmem:v20+s25+$0x0], $0xffff  }
0x1e1: {  	v19 =	vadd.f32 v21, v19  }
0x1e2: {  	v21 =	vld.idx.msk [tilespmem:v26+s25+$0x0], $0xffff  }
0x1e3: {  	v19 =	vadd.f32 v22, v19  }
0x1e4: {  	v22 =	vld.idx.msk [tilespmem:v27+s25+$0x0], $0xffff  }
0x1e5: {  	v19 =	vadd.f32 v20, v19;
	_ =	sdelay $0x1  }
0x1e6: {  	v19 =	vadd.f32 v21, v19;
	_ =	sdelay $0x1  }
0x1e7: {  	v19 =	vadd.f32 v22, v19  }
0x1e8: {  	v20 =	vld [tilespmem:$0x1FF80]  }
0x1e9: {  	[tilespmem:$0xA3D0] =	vst v19;
	v19 =	vld [tilespmem:$0x1FF70];
	_ =	sdelay $0x6  }
0x1ea: {  	v20 =	vld.idx.msk [tilespmem:v20+s25+$0x0], $0xffff  }
0x1eb: {  	v19 =	vld.idx.msk [tilespmem:v19+s25+$0x0], $0xffff  }
0x1ec: {  	v28 =	vld [tilespmem:$0x1FF90];
	_ =	sdelay $0x1  }
0x1ed: {  	v29 =	vld [tilespmem:$0x1FFA0];
	_ =	sdelay $0x1  }
0x1ee: {  	v19 =	vadd.f32 v20, v19;
	v20 =	vld [tilespmem:$0x1FFB0];
	_ =	sdelay $0x3  }
0x1ef: {  	v21 =	vld.idx.msk [tilespmem:v28+s25+$0x0], $0xffff;
	_ =	sdelay $0x1  }
0x1f0: {  	v22 =	vld.idx.msk [tilespmem:v29+s25+$0x0], $0xffff;
	_ =	sdelay $0x1  }
0x1f1: {  	v20 =	vld.idx.msk [tilespmem:v20+s25+$0x0], $0xffff  }
0x1f2: {  	v30 =	vld [tilespmem:$0x1FFC0];
	v19 =	vadd.f32 v21, v19;
	_ =	sdelay $0x1  }
0x1f3: {  	v31 =	vld [tilespmem:$0x1FFD0];
	v19 =	vadd.f32 v22, v19;
	_ =	sdelay $0x1  }
0x1f4: {  	v19 =	vadd.f32 v20, v19;
	v20 =	vld [tilespmem:$0x1FFE0];
	_ =	sdelay $0x1  }
0x1f5: {  	v32 =	vld [tilespmem:$0x1FFF0];
	_ =	sdelay $0x1  }
0x1f6: {  	v21 =	vld.idx.msk [tilespmem:v30+s25+$0x0], $0xffff;
	_ =	sdelay $0x1  }
0x1f7: {  	v22 =	vld.idx.msk [tilespmem:v31+s25+$0x0], $0xffff;
	_ =	sdelay $0x1  }
0x1f8: {  	v20 =	vld.idx.msk [tilespmem:v20+s25+$0x0], $0xffff  }
0x1f9: {  	v19 =	vadd.f32 v21, v19  }
0x1fa: {  	v21 =	vld.idx.msk [tilespmem:v32+s25+$0x0], $0xffff  }
0x1fb: {  	v19 =	vadd.f32 v22, v19  }
0x1fc: {  	v33 =	vld.idx.msk [tilespmem:v42+s25+$0x0], $0xffff  }
0x1fd: {  	v19 =	vadd.f32 v20, v19  }
0x1fe: {  	v20 =	vld.idx.msk [tilespmem:v43+s25+$0x0], $0xffff  }
0x1ff: {  	v19 =	vadd.f32 v21, v19  }
0x200: {  	v34 =	vld.idx.msk [tilespmem:v44+s25+$0x0], $0xffff  }
0x201: {  	v19 =	vadd.f32 v33, v19  }
0x202: {  	v35 =	vld.idx.msk [tilespmem:v45+s25+$0x0], $0xffff  }
0x203: {  	v19 =	vadd.f32 v20, v19  }
0x204: {  	v20 =	vld.idx.msk [tilespmem:v46+s25+$0x0], $0xffff  }
0x205: {  	v19 =	vadd.f32 v34, v19  }
0x206: {  	v36 =	vld.idx.msk [tilespmem:v47+s25+$0x0], $0xffff  }
0x207: {  	v19 =	vadd.f32 v35, v19  }
0x208: {  	v37 =	vld.idx.msk [tilespmem:v48+s25+$0x0], $0xffff  }
0x209: {  	v19 =	vadd.f32 v20, v19;
	_ =	sdelay $0x1  }
0x20a: {  	v19 =	vadd.f32 v36, v19;
	_ =	sdelay $0x1  }
0x20b: {  	v19 =	vadd.f32 v37, v19;
	_ =	sdelay $0x1  }
0x20c: {  	[tilespmem:$0xA3E0] =	vst v19  }
0x20d: {  	v19 =	vld.idx.msk [tilespmem:v49+s25+$0x0], $0xffff  }
0x20e: {  	v20 =	vld.idx.msk [tilespmem:v50+s25+$0x0], $0xffff;
	_ =	sdelay $0x1  }
0x20f: {  	v38 =	vld.idx.msk [tilespmem:v51+s25+$0x0], $0xffff;
	_ =	sdelay $0x1  }
0x210: {  	v39 =	vld.idx.msk [tilespmem:v52+s25+$0x0], $0xffff  }
0x211: {  	v19 =	vadd.f32 v20, v19  }
0x212: {  	v20 =	vld.idx.msk [tilespmem:v53+s25+$0x0], $0xffff  }
0x213: {  	v19 =	vadd.f32 v38, v19  }
0x214: {  	v41 =	vld.idx.msk [tilespmem:v54+s25+$0x0], $0xffff  }
0x215: {  	v19 =	vadd.f32 v39, v19  }
0x216: {  	v24 =	vld.idx.msk [tilespmem:v55+s25+$0x0], $0xffff  }
0x217: {  	v19 =	vadd.f32 v20, v19  }
0x218: {  	v20 =	vld.idx.msk [tilespmem:v56+s25+$0x0], $0xffff  }
0x219: {  	v19 =	vadd.f32 v41, v19  }
0x21a: {  	v25 =	vld.idx.msk [tilespmem:v57+s25+$0x0], $0xffff  }
0x21b: {  	v19 =	vadd.f32 v24, v19  }
0x21c: {  	v26 =	vld.idx.msk [tilespmem:v58+s25+$0x0], $0xffff  }
0x21d: {  	v19 =	vadd.f32 v20, v19  }
0x21e: {  	v20 =	vld.idx.msk [tilespmem:v59+s25+$0x0], $0xffff  }
0x21f: {  	v19 =	vadd.f32 v25, v19  }
0x220: {  	v27 =	vld.idx.msk [tilespmem:v60+s25+$0x0], $0xffff  }
0x221: {  	v19 =	vadd.f32 v26, v19  }
0x222: {  	v28 =	vld.idx.msk [tilespmem:v61+s25+$0x0], $0xffff  }
0x223: {  	v19 =	vadd.f32 v20, v19  }
0x224: {  	v20 =	vld.idx.msk [tilespmem:v62+s25+$0x0], $0xffff  }
0x225: {  	v19 =	vadd.f32 v27, v19  }
0x226: {  	v29 =	vld.idx.msk [tilespmem:v63+s25+$0x0], $0xffff  }
0x227: {  	v19 =	vadd.f32 v28, v19  }
0x228: {  	v30 =	vld.idx.msk [tilespmem:v2+s25+$0x0], $0xffff  }
0x229: {  	v19 =	vadd.f32 v20, v19;
	_ =	sdelay $0x1  }
0x22a: {  	v19 =	vadd.f32 v29, v19;
	_ =	sdelay $0x1  }
0x22b: {  	v19 =	vadd.f32 v30, v19;
	_ =	sdelay $0x1  }
0x22c: {  	[tilespmem:$0xA3F0] =	vst v19  }
0x22d: {  	v19 =	vld.idx.msk [tilespmem:v3+s25+$0x0], $0xffff  }
0x22e: {  	v20 =	vld.idx.msk [tilespmem:v4+s25+$0x0], $0xffff;
	_ =	sdelay $0x1  }
0x22f: {  	v31 =	vld.idx.msk [tilespmem:v5+s25+$0x0], $0xffff;
	_ =	sdelay $0x1  }
0x230: {  	v32 =	vld.idx.msk [tilespmem:v6+s25+$0x0], $0xffff  }
0x231: {  	v19 =	vadd.f32 v20, v19  }
0x232: {  	v20 =	vld.idx.msk [tilespmem:v7+s25+$0x0], $0xffff  }
0x233: {  	v19 =	vadd.f32 v31, v19  }
0x234: {  	v33 =	vld.idx.msk [tilespmem:v8+s25+$0x0], $0xffff  }
0x235: {  	v19 =	vadd.f32 v32, v19  }
0x236: {  	v34 =	vld.idx.msk [tilespmem:v9+s25+$0x0], $0xffff  }
0x237: {  	v19 =	vadd.f32 v20, v19  }
0x238: {  	v20 =	vld.idx.msk [tilespmem:v10+s25+$0x0], $0xffff  }
0x239: {  	v19 =	vadd.f32 v33, v19  }
0x23a: {  	v35 =	vld.idx.msk [tilespmem:v11+s25+$0x0], $0xffff  }
0x23b: {  	v19 =	vadd.f32 v34, v19  }
0x23c: {  	v36 =	vld.idx.msk [tilespmem:v12+s25+$0x0], $0xffff  }
0x23d: {  	v19 =	vadd.f32 v20, v19  }
0x23e: {  	v20 =	vld.idx.msk [tilespmem:v13+s25+$0x0], $0xffff  }
0x23f: {  	v19 =	vadd.f32 v35, v19  }
0x240: {  	v37 =	vld.idx.msk [tilespmem:v14+s25+$0x0], $0xffff  }
0x241: {  	v19 =	vadd.f32 v36, v19  }
0x242: {  	v38 =	vld.idx.msk [tilespmem:v15+s25+$0x0], $0xffff  }
0x243: {  	v19 =	vadd.f32 v20, v19  }
0x244: {  	v20 =	vld.idx.msk [tilespmem:v16+s25+$0x0], $0xffff  }
0x245: {  	v19 =	vadd.f32 v37, v19  }
0x246: {  	v39 =	vld.idx.msk [tilespmem:v17+s25+$0x0], $0xffff  }
0x247: {  	v19 =	vadd.f32 v38, v19  }
0x248: {  	v41 =	vld.idx.msk [tilespmem:v18+s25+$0x0], $0xffff  }
0x249: {  	v19 =	vadd.f32 v20, v19  }
0x24a: {  	s7 =	sadd.s32 $0x1, s7  }
0x24b: {  	p0 =	sne.s32 s7, $0x3E;
	v19 =	vadd.f32 v39, v19  }
.Ltmp2:
0x24c: {  	_ = 	snop;
	(pc) =	sbr.rel @p0 .LBB2_2-.Ltmp2, $4  }
0x24d: {  	s4 =	sadd.s32 s6, s17;
	v19 =	vadd.f32 v41, v19  }
0x24e: {  	s4 =	sshrl.u32 s4, $0x3  }
0x24f: {  	s4 =	sadd.s32 s0, s4;
	[tilespmem:$0xA400] =	vst v19  }
0x250: {  	[hbm4b:s4+s5] =	stream.linear.scatter [tilespmem:s30], [sflag:$0x6], $0x50, $0x38;
	[tilespmem:$0x1DC90] =	vst v63  }
0x251: {  	_ =	swait.ge [sflag:s21], $0x1400  }
0x252: {  	[sflag:s21] =	ssyncset.done $0x0  }
0x253: {  	[sflag:s21] =	ssyncadd.s32 $0xFFFFEC00  }
0x254: {  	_ =	swait.ge [sflag:s22], $0x1400  }
0x255: {  	[sflag:s22] =	ssyncset.done $0x0  }
0x256: {  	[sflag:s22] =	ssyncadd.s32 $0xFFFFEC00  }
0x257: {  	_ =	swait.ge [sflag:s31], $0x50  }
0x258: {  	[sflag:s31] =	ssyncset.done $0x0  }
0x259: {  	s11 =	simm.s32 $0x4EA0;
	[sflag:s31] =	ssyncadd.s32 $0xFFFFFFB0  }
0x25a: {  	s7 =	simm.s32 $0x76A0;
	v20 =	vld [tilespmem:s11+$0x40]  }
0x25b: {  	v21 =	vld [tilespmem:s7+$0x40]  }
0x25c: {  	v22 =	vld [tilespmem:s11+$0x50]  }
0x25d: {  	v23 =	vld [tilespmem:s7+$0x50]  }
0x25e: {  	v24 =	vld [tilespmem:s11+$0x60]  }
0x25f: {  	v25 =	vld [tilespmem:s7+$0x60]  }
0x260: {  	v26 =	vld [tilespmem:s11+$0x70]  }
0x261: {  	v27 =	vld [tilespmem:s7+$0x70]  }
0x262: {  	v19 =	vld [tilespmem:s7+$0xFFFFFF80]  }
0x263: {  	v28 =	vld [tilespmem:s11+$0xFFFFFF90]  }
0x264: {  	v29 =	vld [tilespmem:s7+$0xFFFFFF90]  }
0x265: {  	v30 =	vld [tilespmem:s11+$0xFFFFFFA0]  }
0x266: {  	v31 =	vld [tilespmem:s7+$0xFFFFFFA0]  }
0x267: {  	v32 =	vld [tilespmem:s11+$0xFFFFFFB0]  }
0x268: {  	v33 =	vld [tilespmem:s7+$0xFFFFFFB0]  }
0x269: {  	v34 =	vld [tilespmem:s11+$0xFFFFFFC0]  }
0x26a: {  	v35 =	vld [tilespmem:s7+$0xFFFFFFC0]  }
0x26b: {  	v36 =	vld [tilespmem:s11+$0xFFFFFFD0]  }
0x26c: {  	v37 =	vld [tilespmem:s7+$0xFFFFFFD0]  }
0x26d: {  	v38 =	vld [tilespmem:s11+$0xFFFFFFE0]  }
0x26e: {  	v20 =	vmul.bf16 v21, v20;
	v21 =	vmul.bf16 v23, v22;
	v22 =	vld [tilespmem:s7+$0xFFFFFFE0]  }
0x26f: {  	v23 =	vmul.bf16 v25, v24;
	v24 =	vmul.bf16 v27, v26;
	v25 =	vld [tilespmem:s11+$0xFFFFFFF0]  }
0x270: {  	v26 =	vld [tilespmem:s7+$0xFFFFFFF0]  }
0x271: {  	v39 =	vld [tilespmem:s11+$0x0];
	v27 =	vmul.bf16 v37, v36;
	v20 =	vadd.bf16 v21, v20;
	v23 =	vadd.bf16 v24, v23  }
0x272: {  	s4 =	simm.s32 $0x33;
	v30 =	vmul.bf16 v31, v30;
	v21 =	vmul.bf16 v29, v28;
	v29 =	vld [tilespmem:s7+$0x0]  }
0x273: {  	v24 =	vmul.bf16 v35, v34;
	v34 =	vld [tilespmem:s11+$0x10];
	v20 =	vadd.bf16 v23, v20;
	v23 =	vadd.s32 s4, v0  }
0x274: {  	v31 =	vmul.bf16 v33, v32;
	v35 =	vld [tilespmem:s7+$0x10];
	v22 =	vmul.bf16 v22, v38  }
0x275: {  	v41 =	vmul.bf16 v26, v25;
	v25 =	vld [tilespmem:s11+$0x20];
	v28 =	vunpack.i.u.bf16.f32 v20;
	v20 =	vunpack.i.l.bf16.f32 v20  }
0x276: {  	v26 =	vld [tilespmem:s7+$0x20];
	v38 =	vadd.bf16 v27, v24;
	v28 =	vadd.f32 v20, v28  }
0x277: {  	s9 =	simm.s32 $0x0;
	s10 =	simm.s32 $0x22;
	v27 =	vld [tilespmem:s11+$0x30];
	v24 =	vadd.bf16 v31, v30;
	v41 =	vadd.bf16 v41, v22  }
0x278: {  	s17 =	simm.s32 $0x11;
	v20 =	vadd.s32 s9, v0;
	v22 =	vadd.s32 s10, v0;
	v31 =	vmul.bf16 v29, v39;
	[tilespmem:v23+s25+$0x0] =	vst.idx.msk $0xffff, v28;
	v28 =	vld [tilespmem:s7+$0x30]  }
0x279: {  	s10 =	simm.s32 $0x0;
	v29 =	vld [tilespmem:s11+$0xFFFFFF80];
	v32 =	vmul.bf16 v35, v34;
	s11 =	simm.s32 $0x4FA0;
	v23 =	vadd.s32 s17, v0;
	v30 =	vadd.bf16 v41, v38  }
.LBB2_8:
0x27a: {  	v33 =	vld [tilespmem:s11+$0x40];
	s7 =	sadd.s32 $0x100, s7  }
0x27b: {  	v34 =	vld [tilespmem:s7+$0x40];
	v35 =	vunpack.i.u.bf16.f32 v30;
	v25 =	vmul.bf16 v26, v25;
	v26 =	vadd.bf16 v32, v31  }
0x27c: {  	v30 =	vunpack.i.l.bf16.f32 v30;
	v31 =	vld [tilespmem:s11+$0x50]  }
0x27d: {  	v30 =	vadd.f32 v30, v35;
	v32 =	vld [tilespmem:s7+$0x50];
	v27 =	vmul.bf16 v28, v27  }
0x27e: {  	v28 =	vld [tilespmem:s11+$0x60];
	v19 =	vmul.bf16 v19, v29  }
0x27f: {  	v29 =	vld [tilespmem:s7+$0x60];
	[tilespmem:v23+s25+$0x0] =	vst.idx.msk $0xffff, v30;
	v23 =	vadd.bf16 v27, v25  }
0x280: {  	v25 =	vld [tilespmem:s11+$0x70];
	v21 =	vadd.bf16 v21, v19  }
0x281: {  	s10 =	sadd.s32 $0x4, s10;
	v27 =	vld [tilespmem:s7+$0x70];
	v23 =	vadd.bf16 v23, v26  }
0x282: {  	p0 =	slt.u32 s10, $0x4C;
	v19 =	vld [tilespmem:s7+$0xFFFFFF80];
	v21 =	vadd.bf16 v24, v21  }
0x283: {  	v24 =	vld [tilespmem:s11+$0xFFFFFF90];
	v26 =	vunpack.i.u.bf16.f32 v23;
	v23 =	vunpack.i.l.bf16.f32 v23  }
0x284: {  	v30 =	vld [tilespmem:s7+$0xFFFFFF90];
	v35 =	vunpack.i.u.bf16.f32 v21;
	v21 =	vunpack.i.l.bf16.f32 v21;
	v23 =	vadd.f32 v23, v26  }
0x285: {  	v33 =	vmul.bf16 v34, v33;
	v31 =	vmul.bf16 v32, v31;
	v26 =	vld [tilespmem:s11+$0xFFFFFFA0];
	v21 =	vadd.f32 v21, v35  }
0x286: {  	v28 =	vmul.bf16 v29, v28;
	v32 =	vld [tilespmem:s7+$0xFFFFFFA0];
	v25 =	vmul.bf16 v27, v25;
	[tilespmem:v22+s25+$0x0] =	vst.idx.msk $0xffff, v23  }
0x287: {  	v27 =	vld [tilespmem:s11+$0xFFFFFFB0];
	[tilespmem:v20+s25+$0x0] =	vst.idx.msk $0xffff, v21  }
0x288: {  	s9 =	sadd.s32 $0x44, s9;
	v22 =	vadd.bf16 v31, v33;
	v29 =	vld [tilespmem:s7+$0xFFFFFFB0];
	v25 =	vadd.bf16 v25, v28  }
0x289: {  	s4 =	sadd.s32 $0x11, s9;
	s12 =	sadd.s32 $0x22, s9;
	s13 =	sadd.s32 $0x33, s9;
	v20 =	vadd.s32 s9, v0;
	v21 =	vmul.bf16 v30, v24;
	v28 =	vld [tilespmem:s11+$0xFFFFFFC0]  }
0x28a: {  	v23 =	vadd.s32 s4, v0;
	v30 =	vld [tilespmem:s7+$0xFFFFFFC0];
	v24 =	vadd.bf16 v25, v22;
	v25 =	vadd.s32 s13, v0  }
0x28b: {  	v22 =	vadd.s32 s12, v0;
	v26 =	vmul.bf16 v32, v26;
	v31 =	vld [tilespmem:s11+$0xFFFFFFD0]  }
0x28c: {  	v32 =	vld [tilespmem:s7+$0xFFFFFFD0];
	v33 =	vunpack.i.u.bf16.f32 v24;
	v24 =	vunpack.i.l.bf16.f32 v24  }
0x28d: {  	v27 =	vmul.bf16 v29, v27;
	v29 =	vld [tilespmem:s11+$0xFFFFFFE0];
	v33 =	vadd.f32 v24, v33  }
0x28e: {  	v34 =	vld [tilespmem:s7+$0xFFFFFFE0]  }
0x28f: {  	v24 =	vadd.bf16 v27, v26;
	v26 =	vmul.bf16 v30, v28;
	v27 =	vld [tilespmem:s11+$0xFFFFFFF0];
	[tilespmem:v25+s25+$0x0] =	vst.idx.msk $0xffff, v33  }
0x290: {  	v25 =	vld [tilespmem:s7+$0xFFFFFFF0]  }
0x291: {  	v28 =	vmul.bf16 v32, v31;
	v30 =	vld [tilespmem:s11+$0x0]  }
0x292: {  	v31 =	vld [tilespmem:s7+$0x0]  }
0x293: {  	v29 =	vmul.bf16 v34, v29;
	v32 =	vadd.bf16 v28, v26;
	v33 =	vld [tilespmem:s11+$0x10]  }
0x294: {  	v34 =	vld [tilespmem:s7+$0x10]  }
.Ltmp3:
0x295: {  	v27 =	vmul.bf16 v25, v27;
	v25 =	vld [tilespmem:s11+$0x20];
	(pc) =	sbr.rel @p0 .LBB2_8-.Ltmp3, $4  }
0x296: {  	v26 =	vld [tilespmem:s7+$0x20]  }
0x297: {  	v35 =	vadd.bf16 v27, v29;
	v31 =	vmul.bf16 v31, v30;
	v27 =	vld [tilespmem:s11+$0x30]  }
0x298: {  	v28 =	vld [tilespmem:s7+$0x30]  }
0x299: {  	v29 =	vld [tilespmem:s11+$0xFFFFFF80];
	v30 =	vadd.bf16 v35, v32;
	v32 =	vmul.bf16 v34, v33;
	s11 =	sadd.s32 $0x100, s11  }
0x29a: {  	_ =	sdelay $0x2  }
0x29b: {  	v25 =	vmul.bf16 v26, v25;
	v35 =	vmul.bf16 v28, v27  }
0x29c: {  	v19 =	vmul.bf16 v19, v29  }
0x29d: {  	v36 =	vadd.bf16 v32, v31;
	v25 =	vadd.bf16 v35, v25  }
0x29e: {  	v19 =	vadd.bf16 v21, v19  }
0x29f: {  	v37 =	vadd.bf16 v25, v36  }
0x2a0: {  	v38 =	vunpack.i.u.bf16.f32 v30;
	v39 =	vunpack.i.l.bf16.f32 v30;
	v19 =	vadd.bf16 v24, v19  }
0x2a1: {  	v24 =	vadd.f32 v39, v38;
	v41 =	vunpack.i.u.bf16.f32 v37;
	v21 =	vunpack.i.l.bf16.f32 v37  }
0x2a2: {  	v21 =	vadd.f32 v21, v41;
	v28 =	vunpack.i.u.bf16.f32 v19;
	v19 =	vunpack.i.l.bf16.f32 v19  }
0x2a3: {  	[tilespmem:v23+s25+$0x0] =	vst.idx.msk $0xffff, v24;
	v19 =	vadd.f32 v19, v28  }
0x2a4: {  	[tilespmem:v22+s25+$0x0] =	vst.idx.msk $0xffff, v21  }
0x2a5: {  	[tilespmem:v20+s25+$0x0] =	vst.idx.msk $0xffff, v19  }
0x2a6: {  	v21 =	vld [tilespmem:$0x1FD90];
	_ =	sdelay $0x1  }
0x2a7: {  	v22 =	vld [tilespmem:$0x1FDA0]  }
0x2a8: {  	v19 =	vld.idx.msk [tilespmem:v1+s25+$0x0], $0xffff  }
0x2a9: {  	v29 =	vld [tilespmem:$0x1FDB0]  }
0x2aa: {  	v20 =	vld.idx.msk [tilespmem:v40+s25+$0x0], $0xffff  }
0x2ab: {  	v30 =	vld [tilespmem:$0x1FDC0]  }
0x2ac: {  	v31 =	vld [tilespmem:$0x1FDD0]  }
0x2ad: {  	v21 =	vld.idx.msk [tilespmem:v21+s25+$0x0], $0xffff  }
0x2ae: {  	v32 =	vld [tilespmem:$0x1FDE0]  }
0x2af: {  	v22 =	vld.idx.msk [tilespmem:v22+s25+$0x0], $0xffff  }
0x2b0: {  	v33 =	vld [tilespmem:$0x1FDF0];
	v19 =	vadd.f32 v20, v19  }
0x2b1: {  	v20 =	vld.idx.msk [tilespmem:v29+s25+$0x0], $0xffff  }
0x2b2: {  	v34 =	vld [tilespmem:$0x1FE00];
	v19 =	vadd.f32 v21, v19  }
0x2b3: {  	v21 =	vld.idx.msk [tilespmem:v30+s25+$0x0], $0xffff  }
0x2b4: {  	v35 =	vld [tilespmem:$0x1FE10];
	v19 =	vadd.f32 v22, v19  }
0x2b5: {  	v22 =	vld.idx.msk [tilespmem:v31+s25+$0x0], $0xffff  }
0x2b6: {  	v36 =	vld [tilespmem:$0x1FE20];
	v19 =	vadd.f32 v20, v19  }
0x2b7: {  	v20 =	vld.idx.msk [tilespmem:v32+s25+$0x0], $0xffff  }
0x2b8: {  	v37 =	vld [tilespmem:$0x1FE30];
	v19 =	vadd.f32 v21, v19  }
0x2b9: {  	v21 =	vld.idx.msk [tilespmem:v33+s25+$0x0], $0xffff  }
0x2ba: {  	v38 =	vld [tilespmem:$0x1FE40];
	v19 =	vadd.f32 v22, v19  }
0x2bb: {  	v22 =	vld.idx.msk [tilespmem:v34+s25+$0x0], $0xffff  }
0x2bc: {  	v39 =	vld [tilespmem:$0x1FE50];
	v19 =	vadd.f32 v20, v19  }
0x2bd: {  	v20 =	vld.idx.msk [tilespmem:v35+s25+$0x0], $0xffff  }
0x2be: {  	v41 =	vld [tilespmem:$0x1FE60];
	v19 =	vadd.f32 v21, v19  }
0x2bf: {  	v21 =	vld.idx.msk [tilespmem:v36+s25+$0x0], $0xffff  }
0x2c0: {  	v19 =	vadd.f32 v22, v19  }
0x2c1: {  	v22 =	vld.idx.msk [tilespmem:v37+s25+$0x0], $0xffff  }
0x2c2: {  	v19 =	vadd.f32 v20, v19  }
0x2c3: {  	v20 =	vld.idx.msk [tilespmem:v38+s25+$0x0], $0xffff  }
0x2c4: {  	v19 =	vadd.f32 v21, v19  }
0x2c5: {  	v21 =	vld.idx.msk [tilespmem:v39+s25+$0x0], $0xffff  }
0x2c6: {  	v23 =	vld [tilespmem:$0x1FE70];
	v19 =	vadd.f32 v22, v19  }
0x2c7: {  	v22 =	vld.idx.msk [tilespmem:v41+s25+$0x0], $0xffff  }
0x2c8: {  	v24 =	vld [tilespmem:$0x1FE80];
	v19 =	vadd.f32 v20, v19;
	_ =	sdelay $0x1  }
0x2c9: {  	v25 =	vld [tilespmem:$0x1FE90];
	v19 =	vadd.f32 v21, v19;
	_ =	sdelay $0x1  }
0x2ca: {  	v26 =	vld [tilespmem:$0x1FEA0];
	v19 =	vadd.f32 v22, v19  }
0x2cb: {  	v27 =	vld [tilespmem:$0x1FEB0]  }
0x2cc: {  	v28 =	vld [tilespmem:$0x1FEC0];
	[tilespmem:$0xA370] =	vst v19  }
0x2cd: {  	v19 =	vld.idx.msk [tilespmem:v23+s25+$0x0], $0xffff  }
0x2ce: {  	v20 =	vld.idx.msk [tilespmem:v24+s25+$0x0], $0xffff  }
0x2cf: {  	v29 =	vld [tilespmem:$0x1FED0]  }
0x2d0: {  	v21 =	vld.idx.msk [tilespmem:v25+s25+$0x0], $0xffff  }
0x2d1: {  	v30 =	vld [tilespmem:$0x1FEE0]  }
0x2d2: {  	v22 =	vld.idx.msk [tilespmem:v26+s25+$0x0], $0xffff  }
0x2d3: {  	v31 =	vld [tilespmem:$0x1FEF0];
	v19 =	vadd.f32 v20, v19  }
0x2d4: {  	v20 =	vld.idx.msk [tilespmem:v27+s25+$0x0], $0xffff  }
0x2d5: {  	v32 =	vld [tilespmem:$0x1FF00];
	v19 =	vadd.f32 v21, v19  }
0x2d6: {  	v21 =	vld.idx.msk [tilespmem:v28+s25+$0x0], $0xffff  }
0x2d7: {  	v33 =	vld [tilespmem:$0x1FF10];
	v19 =	vadd.f32 v22, v19  }
0x2d8: {  	v22 =	vld.idx.msk [tilespmem:v29+s25+$0x0], $0xffff  }
0x2d9: {  	v34 =	vld [tilespmem:$0x1FF20];
	v19 =	vadd.f32 v20, v19  }
0x2da: {  	v20 =	vld.idx.msk [tilespmem:v30+s25+$0x0], $0xffff  }
0x2db: {  	v35 =	vld [tilespmem:$0x1FF30];
	v19 =	vadd.f32 v21, v19  }
0x2dc: {  	v21 =	vld.idx.msk [tilespmem:v31+s25+$0x0], $0xffff  }
0x2dd: {  	v36 =	vld [tilespmem:$0x1FF40];
	v19 =	vadd.f32 v22, v19  }
0x2de: {  	v22 =	vld.idx.msk [tilespmem:v32+s25+$0x0], $0xffff  }
0x2df: {  	v37 =	vld [tilespmem:$0x1FF50];
	v19 =	vadd.f32 v20, v19  }
0x2e0: {  	v20 =	vld.idx.msk [tilespmem:v33+s25+$0x0], $0xffff  }
0x2e1: {  	v38 =	vld [tilespmem:$0x1FF60];
	v19 =	vadd.f32 v21, v19  }
0x2e2: {  	v21 =	vld.idx.msk [tilespmem:v34+s25+$0x0], $0xffff  }
0x2e3: {  	v19 =	vadd.f32 v22, v19  }
0x2e4: {  	v22 =	vld.idx.msk [tilespmem:v35+s25+$0x0], $0xffff  }
0x2e5: {  	v19 =	vadd.f32 v20, v19  }
0x2e6: {  	v20 =	vld.idx.msk [tilespmem:v36+s25+$0x0], $0xffff  }
0x2e7: {  	v19 =	vadd.f32 v21, v19  }
0x2e8: {  	v21 =	vld.idx.msk [tilespmem:v37+s25+$0x0], $0xffff  }
0x2e9: {  	v39 =	vld [tilespmem:$0x1FF70];
	v19 =	vadd.f32 v22, v19  }
0x2ea: {  	v22 =	vld.idx.msk [tilespmem:v38+s25+$0x0], $0xffff  }
0x2eb: {  	v41 =	vld [tilespmem:$0x1FF80];
	v19 =	vadd.f32 v20, v19;
	_ =	sdelay $0x1  }
0x2ec: {  	v24 =	vld [tilespmem:$0x1FF90];
	v19 =	vadd.f32 v21, v19;
	_ =	sdelay $0x1  }
0x2ed: {  	v25 =	vld [tilespmem:$0x1FFA0];
	v19 =	vadd.f32 v22, v19  }
0x2ee: {  	v26 =	vld [tilespmem:$0x1FFB0]  }
0x2ef: {  	v27 =	vld [tilespmem:$0x1FFC0];
	[tilespmem:$0xA380] =	vst v19  }
0x2f0: {  	v19 =	vld.idx.msk [tilespmem:v39+s25+$0x0], $0xffff  }
0x2f1: {  	v20 =	vld.idx.msk [tilespmem:v41+s25+$0x0], $0xffff  }
0x2f2: {  	v28 =	vld [tilespmem:$0x1FFD0]  }
0x2f3: {  	v21 =	vld.idx.msk [tilespmem:v24+s25+$0x0], $0xffff  }
0x2f4: {  	v29 =	vld [tilespmem:$0x1FFE0]  }
0x2f5: {  	v22 =	vld.idx.msk [tilespmem:v25+s25+$0x0], $0xffff  }
0x2f6: {  	v30 =	vld [tilespmem:$0x1FFF0];
	v19 =	vadd.f32 v20, v19  }
0x2f7: {  	v20 =	vld.idx.msk [tilespmem:v26+s25+$0x0], $0xffff  }
0x2f8: {  	v19 =	vadd.f32 v21, v19  }
0x2f9: {  	v21 =	vld.idx.msk [tilespmem:v27+s25+$0x0], $0xffff  }
0x2fa: {  	v19 =	vadd.f32 v22, v19  }
0x2fb: {  	v22 =	vld.idx.msk [tilespmem:v28+s25+$0x0], $0xffff  }
0x2fc: {  	v19 =	vadd.f32 v20, v19  }
0x2fd: {  	v20 =	vld.idx.msk [tilespmem:v29+s25+$0x0], $0xffff  }
0x2fe: {  	v19 =	vadd.f32 v21, v19  }
0x2ff: {  	v21 =	vld.idx.msk [tilespmem:v30+s25+$0x0], $0xffff  }
0x300: {  	v19 =	vadd.f32 v22, v19  }
0x301: {  	v31 =	vld.idx.msk [tilespmem:v42+s25+$0x0], $0xffff  }
0x302: {  	v19 =	vadd.f32 v20, v19  }
0x303: {  	v32 =	vld.idx.msk [tilespmem:v43+s25+$0x0], $0xffff  }
0x304: {  	v19 =	vadd.f32 v21, v19  }
0x305: {  	v33 =	vld.idx.msk [tilespmem:v44+s25+$0x0], $0xffff  }
0x306: {  	v19 =	vadd.f32 v31, v19  }
0x307: {  	v34 =	vld.idx.msk [tilespmem:v45+s25+$0x0], $0xffff  }
0x308: {  	v19 =	vadd.f32 v32, v19  }
0x309: {  	v35 =	vld.idx.msk [tilespmem:v46+s25+$0x0], $0xffff  }
0x30a: {  	v19 =	vadd.f32 v33, v19  }
0x30b: {  	v36 =	vld.idx.msk [tilespmem:v47+s25+$0x0], $0xffff  }
0x30c: {  	v19 =	vadd.f32 v34, v19  }
0x30d: {  	v37 =	vld.idx.msk [tilespmem:v48+s25+$0x0], $0xffff  }
0x30e: {  	v19 =	vadd.f32 v35, v19;
	_ =	sdelay $0x1  }
0x30f: {  	v19 =	vadd.f32 v36, v19;
	_ =	sdelay $0x1  }
0x310: {  	v19 =	vadd.f32 v37, v19;
	_ =	sdelay $0x1  }
0x311: {  	[tilespmem:$0xA390] =	vst v19  }
0x312: {  	v19 =	vld.idx.msk [tilespmem:v49+s25+$0x0], $0xffff  }
0x313: {  	v38 =	vld.idx.msk [tilespmem:v50+s25+$0x0], $0xffff;
	_ =	sdelay $0x1  }
0x314: {  	v39 =	vld.idx.msk [tilespmem:v51+s25+$0x0], $0xffff;
	_ =	sdelay $0x1  }
0x315: {  	v41 =	vld.idx.msk [tilespmem:v52+s25+$0x0], $0xffff  }
0x316: {  	v19 =	vadd.f32 v38, v19  }
0x317: {  	v24 =	vld.idx.msk [tilespmem:v53+s25+$0x0], $0xffff  }
0x318: {  	v19 =	vadd.f32 v39, v19  }
0x319: {  	v25 =	vld.idx.msk [tilespmem:v54+s25+$0x0], $0xffff  }
0x31a: {  	v19 =	vadd.f32 v41, v19  }
0x31b: {  	v26 =	vld.idx.msk [tilespmem:v55+s25+$0x0], $0xffff  }
0x31c: {  	v19 =	vadd.f32 v24, v19  }
0x31d: {  	v27 =	vld.idx.msk [tilespmem:v56+s25+$0x0], $0xffff  }
0x31e: {  	v19 =	vadd.f32 v25, v19  }
0x31f: {  	v28 =	vld.idx.msk [tilespmem:v57+s25+$0x0], $0xffff  }
0x320: {  	v19 =	vadd.f32 v26, v19  }
0x321: {  	v29 =	vld.idx.msk [tilespmem:v58+s25+$0x0], $0xffff  }
0x322: {  	v19 =	vadd.f32 v27, v19  }
0x323: {  	v30 =	vld.idx.msk [tilespmem:v59+s25+$0x0], $0xffff  }
0x324: {  	v19 =	vadd.f32 v28, v19  }
0x325: {  	v31 =	vld.idx.msk [tilespmem:v60+s25+$0x0], $0xffff  }
0x326: {  	v19 =	vadd.f32 v29, v19  }
0x327: {  	v32 =	vld.idx.msk [tilespmem:v61+s25+$0x0], $0xffff  }
0x328: {  	v19 =	vadd.f32 v30, v19  }
0x329: {  	v33 =	vld.idx.msk [tilespmem:v62+s25+$0x0], $0xffff  }
0x32a: {  	v19 =	vadd.f32 v31, v19  }
0x32b: {  	v34 =	vld.idx.msk [tilespmem:v63+s25+$0x0], $0xffff  }
0x32c: {  	v19 =	vadd.f32 v32, v19  }
0x32d: {  	v2 =	vld.idx.msk [tilespmem:v2+s25+$0x0], $0xffff  }
0x32e: {  	v19 =	vadd.f32 v33, v19;
	_ =	sdelay $0x1  }
0x32f: {  	v19 =	vadd.f32 v34, v19;
	_ =	sdelay $0x1  }
0x330: {  	v2 =	vadd.f32 v2, v19;
	_ =	sdelay $0x1  }
0x331: {  	[tilespmem:$0xA3A0] =	vst v2  }
0x332: {  	v2 =	vld.idx.msk [tilespmem:v3+s25+$0x0], $0xffff  }
0x333: {  	v3 =	vld.idx.msk [tilespmem:v4+s25+$0x0], $0xffff;
	_ =	sdelay $0x1  }
0x334: {  	v35 =	vld.idx.msk [tilespmem:v5+s25+$0x0], $0xffff;
	_ =	sdelay $0x1  }
0x335: {  	v36 =	vld.idx.msk [tilespmem:v6+s25+$0x0], $0xffff  }
0x336: {  	v2 =	vadd.f32 v3, v2  }
0x337: {  	v3 =	vld.idx.msk [tilespmem:v7+s25+$0x0], $0xffff  }
0x338: {  	v2 =	vadd.f32 v35, v2  }
0x339: {  	v37 =	vld.idx.msk [tilespmem:v8+s25+$0x0], $0xffff  }
0x33a: {  	v2 =	vadd.f32 v36, v2  }
0x33b: {  	v38 =	vld.idx.msk [tilespmem:v9+s25+$0x0], $0xffff  }
0x33c: {  	v2 =	vadd.f32 v3, v2  }
0x33d: {  	v3 =	vld.idx.msk [tilespmem:v10+s25+$0x0], $0xffff  }
0x33e: {  	v2 =	vadd.f32 v37, v2  }
0x33f: {  	v39 =	vld.idx.msk [tilespmem:v11+s25+$0x0], $0xffff  }
0x340: {  	v2 =	vadd.f32 v38, v2  }
0x341: {  	v41 =	vld.idx.msk [tilespmem:v12+s25+$0x0], $0xffff  }
0x342: {  	v2 =	vadd.f32 v3, v2  }
0x343: {  	v3 =	vld.idx.msk [tilespmem:v13+s25+$0x0], $0xffff  }
0x344: {  	v2 =	vadd.f32 v39, v2  }
0x345: {  	v60 =	vld.idx.msk [tilespmem:v14+s25+$0x0], $0xffff  }
0x346: {  	v2 =	vadd.f32 v41, v2  }
0x347: {  	v61 =	vld.idx.msk [tilespmem:v15+s25+$0x0], $0xffff  }
0x348: {  	v2 =	vadd.f32 v3, v2  }
0x349: {  	v3 =	vld.idx.msk [tilespmem:v16+s25+$0x0], $0xffff  }
0x34a: {  	v2 =	vadd.f32 v60, v2  }
0x34b: {  	v62 =	vld.idx.msk [tilespmem:v17+s25+$0x0], $0xffff  }
0x34c: {  	v2 =	vadd.f32 v61, v2  }
0x34d: {  	v63 =	vld.idx.msk [tilespmem:v18+s25+$0x0], $0xffff  }
0x34e: {  	v2 =	vadd.f32 v3, v2;
	_ =	sdelay $0x1  }
0x34f: {  	v2 =	vadd.f32 v62, v2;
	_ =	sdelay $0x1  }
0x350: {  	v2 =	vadd.f32 v63, v2;
	_ =	sdelay $0x1  }
0x351: {  	s4 =	rddreg [dreg:$0x9];
	[tilespmem:$0xA3B0] =	vst v2  }
0x352: {  	[hbm4b:s4+s5] =	stream.linear.scatter [tilespmem:s26], [sflag:$0x5], $0x50, $0x38;
	[tilespmem:$0x1DC90] =	vst v63  }
0x353: {  	_ =	swait.ge [sflag:s31], $0x50  }
0x354: {  	[sflag:s31] =	ssyncset.done $0x0  }
0x355: {  	s7 =	simm.s32 $0x6;
	[sflag:s31] =	ssyncadd.s32 $0xFFFFFFB0  }
0x356: {  	_ =	swait.ge [sflag:s7], $0x50  }
0x357: {  	s2 =	sadd.s32 $0x1, s2;
	s17 =	rddreg [dreg:$0xa]  }
0x358: {  	p0 =	sne.s32 s2, s17  }
.Ltmp4:
0x359: {  	_ = 	snop;
	(pc) =	sbr.rel @p0 .LBB2_1-.Ltmp4, $3  }
0x35a: {  	_ =	sdelay $0x1  }
0x35b: {  	[sflag:s7] =	ssyncset.done $0x0  }
0x35c: {  	[sflag:s7] =	ssyncadd.s32 $0xFFFFFFB0  }
0x35d: {  	_ =	sfence.sel $0x180000  }
0x35e: {  	[bflag:$0x0] =	sbarrier.arrive $0xFFFF  }
0x35f: {  	_ =	strace $0x90000047  }
0x360: {  	s0 =	stileid.u32;
	[bflag:$0x2] =	sbarrier.arrive $0xFFFF  }
0x361: {  	p0 =	sne.s32 s0, $0x0;
	s0 =	rddreg [dreg:$0x4]  }
0x362: {  	s0 =	sadd.s32 @!p0 $0x100000, s0  }
0x363: {  	[sflag:s0] =	ssyncadd.tile.s32 @!p0 $0x1;
	_ =	shalt  }
.Lfunc_end2:
_tile_overlayer_lowered:
.L_overlay_start_2:
0x364: {  	(tag) =	ssettag $0x2  }
0x365: {  	s0 =	rddreg [dreg:$0x0];
	s2 =	stileid.u32  }
0x366: {  	s1 =	rddreg [dreg:$0x1];
	p0 =	sne.s32 s2, $0x0  }
0x367: {  	s3 =	rddreg [dreg:$0x2];
	[bflag:$0x3] =	sbarrier.arrive $0xFFFF;
	s2 =	simm.s32 @!p0 $0x1C07  }
0x368: {  	[timem:s3], [sflag:s2] =	dma.local @!p0 [hbm:s0], s1  }
0x369: {  	s0 =	simm.s32 @!p0 $0x7  }
0x36a: {  	_ =	swait.ge @!p0 [sflag:s0], s1  }
0x36b: {  	s1 =	ssub.s32 @!p0 $0x0, s1;
	[sflag:s0] =	ssyncset.done @!p0 $0x0  }
0x36c: {  	[sflag:s0] =	ssyncadd.s32 @!p0 s1  }
0x36d: {  	[bflag:$0x3] =	sbarrier.arrive $0xFFFF  }
0x36e: {  	_ =	shalt  }

</sc_bundles>
